<compile_context>
chip_gen: v7x
topology: tpu7x:2x2x1
jax: 0.10.2.dev20260603
libtpu: 0.0.44.dev20260713+nightly
codegen_flags: <defaults>
</compile_context>

<pallas_src>
import jax
import jax.numpy as jnp
from jax import lax
from jax.experimental import pallas as pl
from jax.experimental.pallas import tpu as pltpu
from jax.experimental.pallas import tpu_sc as plsc

E = 64
H = 768
I = 384
T = 2048
BT = 64
MAXT = 128
P = MAXT * BT
NC = 2
NS = 16
NW = NC * NS
NEG = -1e30


def _route_body(x_ref, gw_ref, d0_ref, d1_ref, w0_ref, w1_ref,
                chg_ref, fid_ref, erun_ref, rr_ref, ntl_ref):
    x = x_ref[...]
    gw = gw_ref[...]
    logits = lax.dot_general(x, gw, (((1,), (1,)), ((), ())),
                             preferred_element_type=jnp.float32)
    iota_e = lax.broadcasted_iota(jnp.int32, (T, E), 1).astype(jnp.float32)
    m0 = jnp.max(logits, axis=1, keepdims=True)
    i0 = jnp.min(jnp.where(logits >= m0, iota_e, jnp.float32(E)),
                 axis=1, keepdims=True)
    sel0 = iota_e == i0
    lm = jnp.where(sel0, NEG, logits)
    m1 = jnp.max(lm, axis=1, keepdims=True)
    i1 = jnp.min(jnp.where(lm >= m1, iota_e, jnp.float32(E)),
                 axis=1, keepdims=True)
    sel1 = iota_e == i1
    w0 = 1.0 / (1.0 + jnp.exp(m1 - m0))
    w1 = 1.0 - w0

    oh0 = sel0.astype(jnp.float32)
    oh1 = sel1.astype(jnp.float32)
    rt = lax.broadcasted_iota(jnp.int32, (T, T), 0)
    ct = lax.broadcasted_iota(jnp.int32, (T, T), 1)
    slt = (rt > ct).astype(jnp.float32)
    cum0 = lax.dot_general(slt, oh0, (((1,), (0,)), ((), ())),
                           preferred_element_type=jnp.float32)
    cum1 = lax.dot_general(slt, oh1, (((1,), (0,)), ((), ())),
                           preferred_element_type=jnp.float32)
    cnt0 = jnp.sum(oh0, axis=0, keepdims=True)
    cnt1 = jnp.sum(oh1, axis=0, keepdims=True)
    cnt = cnt0 + cnt1
    pc = 64.0 * jnp.floor((cnt + 63.0) * (1.0 / 64.0))
    re = lax.broadcasted_iota(jnp.int32, (E, E), 0)
    ce = lax.broadcasted_iota(jnp.int32, (E, E), 1)
    sut = (re < ce).astype(jnp.float32)
    off = lax.dot_general(pc, sut, (((1,), (0,)), ((), ())),
                          preferred_element_type=jnp.float32)
    r0 = jnp.sum(oh0 * cum0, axis=1, keepdims=True)
    r1 = jnp.sum(oh1 * cum1, axis=1, keepdims=True)
    off0 = jnp.sum(oh0 * off, axis=1, keepdims=True)
    off1 = jnp.sum(oh1 * (off + cnt0), axis=1, keepdims=True)
    d0_ref[...] = (off0 + r0).astype(jnp.int32)[:, 0]
    d1_ref[...] = (off1 + r1).astype(jnp.int32)[:, 0]
    w0_ref[...] = w0[:, 0]
    w1_ref[...] = w1[:, 0]
    mt = (lax.broadcasted_iota(jnp.int32, (MAXT, E), 0).astype(jnp.float32)
          * float(BT))
    te_iota = lax.broadcasted_iota(jnp.int32, (MAXT, E), 1)
    temask = (off <= mt) & (pc > 0.0)
    te_col = jnp.max(jnp.where(temask, te_iota, -1), axis=1, keepdims=True)
    te_f = te_col.astype(jnp.float32)
    te_prev = jnp.concatenate(
        [jnp.full((1, 1), -1.0, jnp.float32), te_f[:-1]], axis=0)
    chg = (te_f != te_prev).astype(jnp.float32)
    rm = lax.broadcasted_iota(jnp.int32, (MAXT, MAXT), 0)
    cm = lax.broadcasted_iota(jnp.int32, (MAXT, MAXT), 1)
    lti = (rm >= cm).astype(jnp.float32)
    fid = lax.dot_general(lti, chg, (((1,), (0,)), ((), ())),
                          preferred_element_type=jnp.float32) - 1.0
    run_iota = lax.broadcasted_iota(jnp.int32, (MAXT, MAXT), 1)
    sel_run = (fid == run_iota.astype(jnp.float32)).astype(jnp.float32) * chg
    erun = lax.dot_general(sel_run, te_f, (((0,), (0,)), ((), ())),
                           preferred_element_type=jnp.float32)
    chg_ref[...] = chg.astype(jnp.int32)[:, 0]
    fid_ref[...] = fid.astype(jnp.int32)[:, 0]
    erun_ref[...] = erun.astype(jnp.int32)[:, 0]
    rr_ref[...] = jnp.sum(chg, axis=0).astype(jnp.int32)
    ntl_ref[...] = (jnp.sum(pc, axis=1) * (1.0 / BT)).astype(jnp.int32)


def _route(x, gate_w):
    return pl.pallas_call(
        _route_body,
        out_shape=(
            jax.ShapeDtypeStruct((T,), jnp.int32),
            jax.ShapeDtypeStruct((T,), jnp.int32),
            jax.ShapeDtypeStruct((T,), jnp.float32),
            jax.ShapeDtypeStruct((T,), jnp.float32),
            jax.ShapeDtypeStruct((MAXT,), jnp.int32),
            jax.ShapeDtypeStruct((MAXT,), jnp.int32),
            jax.ShapeDtypeStruct((MAXT,), jnp.int32),
            jax.ShapeDtypeStruct((1,), jnp.int32),
            jax.ShapeDtypeStruct((1,), jnp.int32),
        ),
    )(x, gate_w)


def _mesh():
    return plsc.VectorSubcoreMesh(core_axis_name="c", subcore_axis_name="s",
                                  num_cores=NC, num_subcores=NS)


_DSEG = T // NW


def _dispatch_x(d0_hbm, d1_hbm, w0_hbm, w1_hbm, x_hbm,
                xp_hbm, wp_hbm,
                i0_v, i1_v, f0_v, f1_v, rows_v,
                s0, s1, s2, s3, s4):
    wid = lax.axis_index("s") * NC + lax.axis_index("c")
    base = wid * _DSEG
    la = pltpu.async_copy(d0_hbm.at[pl.ds(base, _DSEG)], i0_v, s0)
    lb = pltpu.async_copy(d1_hbm.at[pl.ds(base, _DSEG)], i1_v, s1)
    lc = pltpu.async_copy(w0_hbm.at[pl.ds(base, _DSEG)], f0_v, s2)
    ld = pltpu.async_copy(w1_hbm.at[pl.ds(base, _DSEG)], f1_v, s3)
    lx = pltpu.async_copy(x_hbm.at[pl.ds(base, _DSEG)], rows_v, s4)
    la.wait()
    lx.wait()
    sa = pltpu.async_copy(rows_v, xp_hbm.at[i0_v], s0)
    lb.wait()
    sb = pltpu.async_copy(rows_v, xp_hbm.at[i1_v], s1)
    lc.wait()
    sc = pltpu.async_copy(f0_v, wp_hbm.at[i0_v], s2)
    ld.wait()
    sd = pltpu.async_copy(f1_v, wp_hbm.at[i1_v], s3)
    sa.wait()
    sb.wait()
    sc.wait()
    sd.wait()


def _dispatch(d0, d1, w0, w1, x):
    f = pl.kernel(
        _dispatch_x,
        out_type=(jax.ShapeDtypeStruct((P, H), jnp.float32),
                  jax.ShapeDtypeStruct((P,), jnp.float32)),
        mesh=_mesh(),
        scratch_types=[
            pltpu.VMEM((_DSEG,), jnp.int32),
            pltpu.VMEM((_DSEG,), jnp.int32),
            pltpu.VMEM((_DSEG,), jnp.float32),
            pltpu.VMEM((_DSEG,), jnp.float32),
            pltpu.VMEM((_DSEG, H), jnp.float32),
            pltpu.SemaphoreType.DMA,
            pltpu.SemaphoreType.DMA,
            pltpu.SemaphoreType.DMA,
            pltpu.SemaphoreType.DMA,
            pltpu.SemaphoreType.DMA,
        ],
    )
    return f(d0, d1, w0, w1, x)


_DEPTH = 6


def _ffn_body(chg_ref, fid_ref, erun_ref, rr_ref, ntl_ref,
              x_ref, wg_hbm, wu_hbm, wd_hbm, ws_ref, y_ref,
              wg_b, wu_b, wd_b, sg, su, sd):
    m = pl.program_id(0)
    nrun = rr_ref[0]
    fidm = fid_ref[m]
    slot = lax.rem(fidm, _DEPTH)

    def issue(r):
        s = lax.rem(r, _DEPTH)
        e = erun_ref[r]
        pltpu.make_async_copy(wg_hbm.at[e], wg_b.at[s], sg.at[s]).start()
        pltpu.make_async_copy(wu_hbm.at[e], wu_b.at[s], su.at[s]).start()
        pltpu.make_async_copy(wd_hbm.at[e], wd_b.at[s], sd.at[s]).start()

    @pl.when(m == 0)
    def _():
        for d in range(_DEPTH):
            @pl.when(d < nrun)
            def _():
                issue(jnp.int32(d))

    @pl.when((m > 0) & (chg_ref[m] == 1))
    def _():
        r = fidm + (_DEPTH - 1)

        @pl.when(r < nrun)
        def _():
            issue(r)

    @pl.when(chg_ref[m] == 1)
    def _():
        pltpu.make_async_copy(wg_hbm.at[0], wg_b.at[slot], sg.at[slot]).wait()
        pltpu.make_async_copy(wu_hbm.at[0], wu_b.at[slot], su.at[slot]).wait()
        pltpu.make_async_copy(wd_hbm.at[0], wd_b.at[slot], sd.at[slot]).wait()

    @pl.when(m < ntl_ref[0])
    def _():
        xb = x_ref[...].astype(jnp.bfloat16)
        wg = wg_b[slot].astype(jnp.bfloat16)
        wu = wu_b[slot].astype(jnp.bfloat16)
        g = lax.dot_general(xb, wg, (((1,), (1,)), ((), ())),
                            preferred_element_type=jnp.float32)
        u = lax.dot_general(xb, wu, (((1,), (1,)), ((), ())),
                            preferred_element_type=jnp.float32)
        h = g * (1.0 / (1.0 + jnp.exp(-g))) * u
        hb = h.astype(jnp.bfloat16)
        wd = wd_b[slot].astype(jnp.bfloat16)
        y = lax.dot_general(hb, wd, (((1,), (1,)), ((), ())),
                            preferred_element_type=jnp.float32)
        y_ref[...] = y * ws_ref[...]


def _ffn(chg, fid, erun, rr, ntl, x_pad, w_gate, w_up, w_down, w_scale):
    def _xmap(m, chg, fid, erun, rr, ntl):
        return (jnp.minimum(m, ntl[0] - 1), 0)

    grid_spec = pltpu.PrefetchScalarGridSpec(
        num_scalar_prefetch=5,
        grid=(MAXT,),
        in_specs=[
            pl.BlockSpec((BT, H), _xmap),
            pl.BlockSpec(memory_space=pl.ANY),
            pl.BlockSpec(memory_space=pl.ANY),
            pl.BlockSpec(memory_space=pl.ANY),
            pl.BlockSpec((BT, 1), _xmap),
        ],
        out_specs=pl.BlockSpec((BT, H), lambda m, *_: (m, 0)),
        scratch_shapes=[
            pltpu.VMEM((_DEPTH, I, H), jnp.float32),
            pltpu.VMEM((_DEPTH, I, H), jnp.float32),
            pltpu.VMEM((_DEPTH, H, I), jnp.float32),
            pltpu.SemaphoreType.DMA((_DEPTH,)),
            pltpu.SemaphoreType.DMA((_DEPTH,)),
            pltpu.SemaphoreType.DMA((_DEPTH,)),
        ],
    )
    return pl.pallas_call(
        _ffn_body,
        grid_spec=grid_spec,
        out_shape=jax.ShapeDtypeStruct((P, H), jnp.float32),
    )(chg, fid, erun, rr, ntl, x_pad, w_gate, w_up, w_down, w_scale)


_CSEG = T // NW


def _combine(d0_hbm, d1_hbm, y_hbm, out_hbm, i0_v, i1_v, a_v, b_v, sem,
             sem2):
    wid = lax.axis_index("s") * NC + lax.axis_index("c")
    base = wid * _CSEG
    l0 = pltpu.async_copy(d0_hbm.at[pl.ds(base, _CSEG)], i0_v, sem)
    l1 = pltpu.async_copy(d1_hbm.at[pl.ds(base, _CSEG)], i1_v, sem2)
    l0.wait()
    g0 = pltpu.async_copy(y_hbm.at[i0_v], a_v, sem)
    l1.wait()
    g1 = pltpu.async_copy(y_hbm.at[i1_v], b_v, sem2)
    g0.wait()
    g1.wait()

    def row(r, _):
        for j in range(H // 16):
            s = pl.ds(j * 16, 16)
            a_v[r, s] = a_v[r, s] + b_v[r, s]
        return _

    lax.fori_loop(0, _CSEG, row, 0)
    pltpu.sync_copy(a_v, out_hbm.at[pl.ds(base, _CSEG)])


def _combine_call(d0, d1, y_pad):
    f = pl.kernel(
        _combine,
        out_type=jax.ShapeDtypeStruct((T, H), jnp.float32),
        mesh=_mesh(),
        scratch_types=[
            pltpu.VMEM((_CSEG,), jnp.int32),
            pltpu.VMEM((_CSEG,), jnp.int32),
            pltpu.VMEM((_CSEG, H), jnp.float32),
            pltpu.VMEM((_CSEG, H), jnp.float32),
            pltpu.SemaphoreType.DMA,
            pltpu.SemaphoreType.DMA,
        ],
    )
    return f(d0, d1, y_pad)


def kernel(hidden_states, gate_w, w_gate, w_up, w_down):
    d0, d1, w0, w1, chg, fid, erun, rr, ntl = _route(hidden_states, gate_w)
    x_pad, w_pad = _dispatch(d0, d1, w0, w1, hidden_states)
    y_pad = _ffn(chg, fid, erun, rr, ntl, x_pad, w_gate, w_up, w_down,
                 w_pad.reshape(P, 1))
    return _combine_call(d0, d1, y_pad)

# --- scband reference (transcript-rebuilt; emitter-appended) ---
"""Pipeline reference for scband-qwen3-moe-sparse-moe-block-9053791060131 (READ-ONLY COPY).

The authoritative reference and input builder live on the scoring server;
editing this copy changes nothing except your own understanding.
"""

import jax, jax.numpy as jnp
import numpy as np

NUM_EXPERTS = 64
TOP_K = 2
HIDDEN = 768
INTER = 384
T = 2048


def setup_inputs(seed: int = 0) -> dict:
    key = jax.random.key(seed)
    k1, k2, k3, k4, k5 = jax.random.split(key, 5)
    return {
        "hidden_states": jax.random.normal(k1, (T, HIDDEN), dtype=jnp.float32),
        "gate_w": jax.random.normal(k2, (NUM_EXPERTS, HIDDEN), dtype=jnp.float32) * 0.02,
        "w_gate": jax.random.normal(k3, (NUM_EXPERTS, INTER, HIDDEN), dtype=jnp.float32) * 0.02,
        "w_up": jax.random.normal(k4, (NUM_EXPERTS, INTER, HIDDEN), dtype=jnp.float32) * 0.02,
        "w_down": jax.random.normal(k5, (NUM_EXPERTS, HIDDEN, INTER), dtype=jnp.float32) * 0.02,
    }


def reference(hidden_states, gate_w, w_gate, w_up, w_down):
    # Qwen3MoeSparseMoeBlock.forward (tp_size=1, reduce_results irrelevant)
    num_tokens, hidden_dim = hidden_states.shape
    hidden_states = hidden_states.reshape(-1, hidden_dim)

    # self.gate: ReplicatedLinear(hidden_size, num_experts, bias=False)
    router_logits = hidden_states @ gate_w.T  # [T, E]

    # FusedMoE routing: softmax over experts, top-k, renormalize (norm_topk_prob=True)
    routing_weights = jax.nn.softmax(router_logits.astype(jnp.float32), axis=-1)
    topk_w, topk_idx = jax.lax.top_k(routing_weights, TOP_K)  # [T, K]
    topk_w = topk_w / jnp.sum(topk_w, axis=-1, keepdims=True)

    # scatter top-k weights back to a dense [T, E] map (indices within a row are distinct)
    rows = jnp.arange(num_tokens)[:, None]
    full_w = jnp.zeros((num_tokens, NUM_EXPERTS), dtype=hidden_states.dtype)
    full_w = full_w.at[rows, topk_idx].add(topk_w.astype(hidden_states.dtype))

    # expert FFNs: SwiGLU (gate_proj, up_proj, down_proj) as in Qwen3 MoE experts
    out = jnp.zeros_like(hidden_states)
    for e in range(NUM_EXPERTS):
        g = jax.nn.silu(hidden_states @ w_gate[e].T)  # [T, INTER]
        u = hidden_states @ w_up[e].T                 # [T, INTER]
        h = (g * u) @ w_down[e].T                     # [T, HIDDEN]
        out = out + h * full_w[:, e:e + 1]
    return out

if __name__ == "__main__":
    import jax
    _d = setup_inputs()
    print(jax.jit(kernel)(*tuple(_d.values())))

</pallas_src>

<mosaic_0001>
#map = affine_map<(d0, d1) -> (0)>
#map1 = affine_map<(d0, d1) -> (0, 0)>
module attributes {stable_mosaic.version = 14 : i64} {
  func.func @_combine(%arg0: i32, %arg1: i32, %arg2: memref<2048xi32, #tpu.memory_space<hbm>>, %arg3: memref<2048xi32, #tpu.memory_space<hbm>>, %arg4: memref<8192x768xf32, #tpu.memory_space<hbm>>, %arg5: memref<2048x768xf32, #tpu.memory_space<hbm>>, %arg6: memref<64xi32, #tpu.memory_space<vmem>>, %arg7: memref<64xi32, #tpu.memory_space<vmem>>, %arg8: memref<64x768xf32, #tpu.memory_space<vmem>>, %arg9: memref<64x768xf32, #tpu.memory_space<vmem>>, %arg10: memref<!tpu.dma_semaphore, #tpu.memory_space<semaphore_mem>>, %arg11: memref<!tpu.dma_semaphore, #tpu.memory_space<semaphore_mem>>) attributes {dimension_semantics = [#tpu.dimension_semantics<core_parallel>, #tpu.dimension_semantics<subcore_parallel>], iteration_bounds = array<i64: 2, 16>, scalar_prefetch = 0 : i64, scratch_operands = 6 : i64, tpu.core_type = #tpu.core_type<sc_vector_subcore>, window_params = [{transform_indices = #map}, {transform_indices = #map}, {transform_indices = #map1}, {transform_indices = #map1}]} {
    %mul3A = arith.constant 2 : i32
    %mul3A_0 = arith.muli %arg1, %mul3A : i32
    %add3A = arith.addi %mul3A_0, %arg0 : i32
    %mul3A_1 = arith.constant 64 : i32
    %mul3A_2 = arith.muli %add3A, %mul3A_1 : i32
    %dma_start3A = tpu.memref_slice %arg2[%mul3A_2] : memref<2048xi32, #tpu.memory_space<hbm>> -> memref<64xi32, #tpu.memory_space<hbm>>
    %dma_start3A_3 = tpu.memref_slice %arg2[%mul3A_2] : memref<2048xi32, #tpu.memory_space<hbm>> -> memref<64xi32, #tpu.memory_space<hbm>>
    tpu.enqueue_dma source(%dma_start3A_3 : memref<64xi32, #tpu.memory_space<hbm>>) target(%arg6 : memref<64xi32, #tpu.memory_space<vmem>>) target_semaphore(%arg10 : memref<!tpu.dma_semaphore, #tpu.memory_space<semaphore_mem>>)
    %dma_start3A_4 = tpu.memref_slice %arg3[%mul3A_2] : memref<2048xi32, #tpu.memory_space<hbm>> -> memref<64xi32, #tpu.memory_space<hbm>>
    %dma_start3A_5 = tpu.memref_slice %arg3[%mul3A_2] : memref<2048xi32, #tpu.memory_space<hbm>> -> memref<64xi32, #tpu.memory_space<hbm>>
    tpu.enqueue_dma source(%dma_start3A_5 : memref<64xi32, #tpu.memory_space<hbm>>) target(%arg7 : memref<64xi32, #tpu.memory_space<vmem>>) target_semaphore(%arg11 : memref<!tpu.dma_semaphore, #tpu.memory_space<semaphore_mem>>)
    %dma_wait3A = tpu.memref_slice %arg2[%mul3A_2] : memref<2048xi32, #tpu.memory_space<hbm>> -> memref<64xi32, #tpu.memory_space<hbm>>
    %dma_wait3A_6 = tpu.memref_slice %arg2[%mul3A_2] : memref<2048xi32, #tpu.memory_space<hbm>> -> memref<64xi32, #tpu.memory_space<hbm>>
    tpu.wait_dma2 semaphore(%arg10 : memref<!tpu.dma_semaphore, #tpu.memory_space<semaphore_mem>>) src(%dma_wait3A_6 : memref<64xi32, #tpu.memory_space<hbm>>) dst(%arg6 : memref<64xi32, #tpu.memory_space<vmem>>)
    %dma_start3A_7 = arith.constant 0 : i32
    %dma_start3A_8 = arith.constant 0 : i32
    %dma_start3A_9 = tpu.memref_slice %arg4[%dma_start3A_7, %dma_start3A_8] : memref<8192x768xf32, #tpu.memory_space<hbm>> -> memref<8192x768xf32, #tpu.memory_space<hbm>>
    tpu.enqueue_indirect_dma source(%dma_start3A_9 : memref<8192x768xf32, #tpu.memory_space<hbm>>) target(%arg8 : memref<64x768xf32, #tpu.memory_space<vmem>>) offsets(%arg6 : memref<64xi32, #tpu.memory_space<vmem>>) semaphore(%arg10 : memref<!tpu.dma_semaphore, #tpu.memory_space<semaphore_mem>>)
    %dma_wait3A_10 = tpu.memref_slice %arg3[%mul3A_2] : memref<2048xi32, #tpu.memory_space<hbm>> -> memref<64xi32, #tpu.memory_space<hbm>>
    %dma_wait3A_11 = tpu.memref_slice %arg3[%mul3A_2] : memref<2048xi32, #tpu.memory_space<hbm>> -> memref<64xi32, #tpu.memory_space<hbm>>
    tpu.wait_dma2 semaphore(%arg11 : memref<!tpu.dma_semaphore, #tpu.memory_space<semaphore_mem>>) src(%dma_wait3A_11 : memref<64xi32, #tpu.memory_space<hbm>>) dst(%arg7 : memref<64xi32, #tpu.memory_space<vmem>>)
    %dma_start3A_12 = arith.constant 0 : i32
    %dma_start3A_13 = arith.constant 0 : i32
    %dma_start3A_14 = tpu.memref_slice %arg4[%dma_start3A_12, %dma_start3A_13] : memref<8192x768xf32, #tpu.memory_space<hbm>> -> memref<8192x768xf32, #tpu.memory_space<hbm>>
    tpu.enqueue_indirect_dma source(%dma_start3A_14 : memref<8192x768xf32, #tpu.memory_space<hbm>>) target(%arg9 : memref<64x768xf32, #tpu.memory_space<vmem>>) offsets(%arg7 : memref<64xi32, #tpu.memory_space<vmem>>) semaphore(%arg11 : memref<!tpu.dma_semaphore, #tpu.memory_space<semaphore_mem>>)
    %dma_wait3A_15 = arith.constant 0 : i32
    %dma_wait3A_16 = arith.constant 0 : i32
    %dma_wait3A_17 = tpu.memref_slice %arg4[%dma_wait3A_15, %dma_wait3A_16] : memref<8192x768xf32, #tpu.memory_space<hbm>> -> memref<8192x768xf32, #tpu.memory_space<hbm>>
    tpu.wait_indirect_dma semaphore(%arg10 : memref<!tpu.dma_semaphore, #tpu.memory_space<semaphore_mem>>) src(%dma_wait3A_17 : memref<8192x768xf32, #tpu.memory_space<hbm>>) dst(%arg8 : memref<64x768xf32, #tpu.memory_space<vmem>>)
    %dma_wait3A_18 = arith.constant 0 : i32
    %dma_wait3A_19 = arith.constant 0 : i32
    %dma_wait3A_20 = tpu.memref_slice %arg4[%dma_wait3A_18, %dma_wait3A_19] : memref<8192x768xf32, #tpu.memory_space<hbm>> -> memref<8192x768xf32, #tpu.memory_space<hbm>>
    tpu.wait_indirect_dma semaphore(%arg11 : memref<!tpu.dma_semaphore, #tpu.memory_space<semaphore_mem>>) src(%dma_wait3A_20 : memref<8192x768xf32, #tpu.memory_space<hbm>>) dst(%arg9 : memref<64x768xf32, #tpu.memory_space<vmem>>)
    %scan3A = arith.constant 0 : i32
    %scan3A_21 = arith.constant 0 : i32
    %scan3A_22 = arith.constant 64 : i32
    %scan3A_23 = arith.addi %scan3A_21, %scan3A_22 : i32
    %scan3A_24 = arith.constant 1 : i32
    scf.for %scan3A_26 = %scan3A_21 to %scan3A_23 step %scan3A_24  : i32 {
      %get3A = arith.index_cast %scan3A_26 : i32 to index
      %get3A_27 = arith.constant 0 : index
      %get3A_28 = tpu.vector_load %arg8[%get3A, %get3A_27] {strides = array<i32>} : memref<64x768xf32, #tpu.memory_space<vmem>>, vector<1x16xf32>,
      %get3A_29 = vector.shape_cast %get3A_28 : vector<1x16xf32> to vector<16xf32>
      %get3A_30 = arith.index_cast %scan3A_26 : i32 to index
      %get3A_31 = arith.constant 0 : index
      %get3A_32 = tpu.vector_load %arg9[%get3A_30, %get3A_31] {strides = array<i32>} : memref<64x768xf32, #tpu.memory_space<vmem>>, vector<1x16xf32>,
      %get3A_33 = vector.shape_cast %get3A_32 : vector<1x16xf32> to vector<16xf32>
      %add3A_34 = arith.addf %get3A_29, %get3A_33 : vector<16xf32>
      %swap3A = arith.index_cast %scan3A_26 : i32 to index
      %swap3A_35 = arith.constant 0 : index
      %swap3A_36 = tpu.vector_load %arg8[%swap3A, %swap3A_35] {strides = array<i32>} : memref<64x768xf32, #tpu.memory_space<vmem>>, vector<1x16xf32>,
      %swap3A_37 = vector.shape_cast %swap3A_36 : vector<1x16xf32> to vector<16xf32>
      %swap3A_38 = vector.shape_cast %add3A_34 : vector<16xf32> to vector<1x16xf32>
      tpu.vector_store %arg8[%swap3A, %swap3A_35], %swap3A_38 {strides = array<i32>} : memref<64x768xf32, #tpu.memory_space<vmem>>, vector<1x16xf32>,
      %get3A_39 = arith.index_cast %scan3A_26 : i32 to index
      %get3A_40 = arith.constant 16 : index
      %get3A_41 = tpu.vector_load %arg8[%get3A_39, %get3A_40] {strides = array<i32>} : memref<64x768xf32, #tpu.memory_space<vmem>>, vector<1x16xf32>,
      %get3A_42 = vector.shape_cast %get3A_41 : vector<1x16xf32> to vector<16xf32>
      %get3A_43 = arith.index_cast %scan3A_26 : i32 to index
      %get3A_44 = arith.constant 16 : index
      %get3A_45 = tpu.vector_load %arg9[%get3A_43, %get3A_44] {strides = array<i32>} : memref<64x768xf32, #tpu.memory_space<vmem>>, vector<1x16xf32>,
      %get3A_46 = vector.shape_cast %get3A_45 : vector<1x16xf32> to vector<16xf32>
      %add3A_47 = arith.addf %get3A_42, %get3A_46 : vector<16xf32>
      %swap3A_48 = arith.index_cast %scan3A_26 : i32 to index
      %swap3A_49 = arith.constant 16 : index
      %swap3A_50 = tpu.vector_load %arg8[%swap3A_48, %swap3A_49] {strides = array<i32>} : memref<64x768xf32, #tpu.memory_space<vmem>>, vector<1x16xf32>,
      %swap3A_51 = vector.shape_cast %swap3A_50 : vector<1x16xf32> to vector<16xf32>
      %swap3A_52 = vector.shape_cast %add3A_47 : vector<16xf32> to vector<1x16xf32>
      tpu.vector_store %arg8[%swap3A_48, %swap3A_49], %swap3A_52 {strides = array<i32>} : memref<64x768xf32, #tpu.memory_space<vmem>>, vector<1x16xf32>,
      %get3A_53 = arith.index_cast %scan3A_26 : i32 to index
      %get3A_54 = arith.constant 32 : index
      %get3A_55 = tpu.vector_load %arg8[%get3A_53, %get3A_54] {strides = array<i32>} : memref<64x768xf32, #tpu.memory_space<vmem>>, vector<1x16xf32>,
      %get3A_56 = vector.shape_cast %get3A_55 : vector<1x16xf32> to vector<16xf32>
      %get3A_57 = arith.index_cast %scan3A_26 : i32 to index
      %get3A_58 = arith.constant 32 : index
      %get3A_59 = tpu.vector_load %arg9[%get3A_57, %get3A_58] {strides = array<i32>} : memref<64x768xf32, #tpu.memory_space<vmem>>, vector<1x16xf32>,
      %get3A_60 = vector.shape_cast %get3A_59 : vector<1x16xf32> to vector<16xf32>
      %add3A_61 = arith.addf %get3A_56, %get3A_60 : vector<16xf32>
      %swap3A_62 = arith.index_cast %scan3A_26 : i32 to index
      %swap3A_63 = arith.constant 32 : index
      %swap3A_64 = tpu.vector_load %arg8[%swap3A_62, %swap3A_63] {strides = array<i32>} : memref<64x768xf32, #tpu.memory_space<vmem>>, vector<1x16xf32>,
      %swap3A_65 = vector.shape_cast %swap3A_64 : vector<1x16xf32> to vector<16xf32>
      %swap3A_66 = vector.shape_cast %add3A_61 : vector<16xf32> to vector<1x16xf32>
      tpu.vector_store %arg8[%swap3A_62, %swap3A_63], %swap3A_66 {strides = array<i32>} : memref<64x768xf32, #tpu.memory_space<vmem>>, vector<1x16xf32>,
      %get3A_67 = arith.index_cast %scan3A_26 : i32 to index
      %get3A_68 = arith.constant 48 : index
      %get3A_69 = tpu.vector_load %arg8[%get3A_67, %get3A_68] {strides = array<i32>} : memref<64x768xf32, #tpu.memory_space<vmem>>, vector<1x16xf32>,
      %get3A_70 = vector.shape_cast %get3A_69 : vector<1x16xf32> to vector<16xf32>
      %get3A_71 = arith.index_cast %scan3A_26 : i32 to index
      %get3A_72 = arith.constant 48 : index
      %get3A_73 = tpu.vector_load %arg9[%get3A_71, %get3A_72] {strides = array<i32>} : memref<64x768xf32, #tpu.memory_space<vmem>>, vector<1x16xf32>,
      %get3A_74 = vector.shape_cast %get3A_73 : vector<1x16xf32> to vector<16xf32>
      %add3A_75 = arith.addf %get3A_70, %get3A_74 : vector<16xf32>
      %swap3A_76 = arith.index_cast %scan3A_26 : i32 to index
      %swap3A_77 = arith.constant 48 : index
      %swap3A_78 = tpu.vector_load %arg8[%swap3A_76, %swap3A_77] {strides = array<i32>} : memref<64x768xf32, #tpu.memory_space<vmem>>, vector<1x16xf32>,
      %swap3A_79 = vector.shape_cast %swap3A_78 : vector<1x16xf32> to vector<16xf32>
      %swap3A_80 = vector.shape_cast %add3A_75 : vector<16xf32> to vector<1x16xf32>
      tpu.vector_store %arg8[%swap3A_76, %swap3A_77], %swap3A_80 {strides = array<i32>} : memref<64x768xf32, #tpu.memory_space<vmem>>, vector<1x16xf32>,
      %get3A_81 = arith.index_cast %scan3A_26 : i32 to index
      %get3A_82 = arith.constant 64 : index
      %get3A_83 = tpu.vector_load %arg8[%get3A_81, %get3A_82] {strides = array<i32>} : memref<64x768xf32, #tpu.memory_space<vmem>>, vector<1x16xf32>,
      %get3A_84 = vector.shape_cast %get3A_83 : vector<1x16xf32> to vector<16xf32>
      %get3A_85 = arith.index_cast %scan3A_26 : i32 to index
      %get3A_86 = arith.constant 64 : index
      %get3A_87 = tpu.vector_load %arg9[%get3A_85, %get3A_86] {strides = array<i32>} : memref<64x768xf32, #tpu.memory_space<vmem>>, vector<1x16xf32>,
      %get3A_88 = vector.shape_cast %get3A_87 : vector<1x16xf32> to vector<16xf32>
      %add3A_89 = arith.addf %get3A_84, %get3A_88 : vector<16xf32>
      %swap3A_90 = arith.index_cast %scan3A_26 : i32 to index
      %swap3A_91 = arith.constant 64 : index
      %swap3A_92 = tpu.vector_load %arg8[%swap3A_90, %swap3A_91] {strides = array<i32>} : memref<64x768xf32, #tpu.memory_space<vmem>>, vector<1x16xf32>,
      %swap3A_93 = vector.shape_cast %swap3A_92 : vector<1x16xf32> to vector<16xf32>
      %swap3A_94 = vector.shape_cast %add3A_89 : vector<16xf32> to vector<1x16xf32>
      tpu.vector_store %arg8[%swap3A_90, %swap3A_91], %swap3A_94 {strides = array<i32>} : memref<64x768xf32, #tpu.memory_space<vmem>>, vector<1x16xf32>,
      %get3A_95 = arith.index_cast %scan3A_26 : i32 to index
      %get3A_96 = arith.constant 80 : index
      %get3A_97 = tpu.vector_load %arg8[%get3A_95, %get3A_96] {strides = array<i32>} : memref<64x768xf32, #tpu.memory_space<vmem>>, vector<1x16xf32>,
      %get3A_98 = vector.shape_cast %get3A_97 : vector<1x16xf32> to vector<16xf32>
      %get3A_99 = arith.index_cast %scan3A_26 : i32 to index
      %get3A_100 = arith.constant 80 : index
      %get3A_101 = tpu.vector_load %arg9[%get3A_99, %get3A_100] {strides = array<i32>} : memref<64x768xf32, #tpu.memory_space<vmem>>, vector<1x16xf32>,
      %get3A_102 = vector.shape_cast %get3A_101 : vector<1x16xf32> to vector<16xf32>
      %add3A_103 = arith.addf %get3A_98, %get3A_102 : vector<16xf32>
      %swap3A_104 = arith.index_cast %scan3A_26 : i32 to index
      %swap3A_105 = arith.constant 80 : index
      %swap3A_106 = tpu.vector_load %arg8[%swap3A_104, %swap3A_105] {strides = array<i32>} : memref<64x768xf32, #tpu.memory_space<vmem>>, vector<1x16xf32>,
      %swap3A_107 = vector.shape_cast %swap3A_106 : vector<1x16xf32> to vector<16xf32>
      %swap3A_108 = vector.shape_cast %add3A_103 : vector<16xf32> to vector<1x16xf32>
      tpu.vector_store %arg8[%swap3A_104, %swap3A_105], %swap3A_108 {strides = array<i32>} : memref<64x768xf32, #tpu.memory_space<vmem>>, vector<1x16xf32>,
      %get3A_109 = arith.index_cast %scan3A_26 : i32 to index
      %get3A_110 = arith.constant 96 : index
      %get3A_111 = tpu.vector_load %arg8[%get3A_109, %get3A_110] {strides = array<i32>} : memref<64x768xf32, #tpu.memory_space<vmem>>, vector<1x16xf32>,
      %get3A_112 = vector.shape_cast %get3A_111 : vector<1x16xf32> to vector<16xf32>
      %get3A_113 = arith.index_cast %scan3A_26 : i32 to index
      %get3A_114 = arith.constant 96 : index
      %get3A_115 = tpu.vector_load %arg9[%get3A_113, %get3A_114] {strides = array<i32>} : memref<64x768xf32, #tpu.memory_space<vmem>>, vector<1x16xf32>,
      %get3A_116 = vector.shape_cast %get3A_115 : vector<1x16xf32> to vector<16xf32>
      %add3A_117 = arith.addf %get3A_112, %get3A_116 : vector<16xf32>
      %swap3A_118 = arith.index_cast %scan3A_26 : i32 to index
      %swap3A_119 = arith.constant 96 : index
      %swap3A_120 = tpu.vector_load %arg8[%swap3A_118, %swap3A_119] {strides = array<i32>} : memref<64x768xf32, #tpu.memory_space<vmem>>, vector<1x16xf32>,
      %swap3A_121 = vector.shape_cast %swap3A_120 : vector<1x16xf32> to vector<16xf32>
      %swap3A_122 = vector.shape_cast %add3A_117 : vector<16xf32> to vector<1x16xf32>
      tpu.vector_store %arg8[%swap3A_118, %swap3A_119], %swap3A_122 {strides = array<i32>} : memref<64x768xf32, #tpu.memory_space<vmem>>, vector<1x16xf32>,
      %get3A_123 = arith.index_cast %scan3A_26 : i32 to index
      %get3A_124 = arith.constant 112 : index
      %get3A_125 = tpu.vector_load %arg8[%get3A_123, %get3A_124] {strides = array<i32>} : memref<64x768xf32, #tpu.memory_space<vmem>>, vector<1x16xf32>,
      %get3A_126 = vector.shape_cast %get3A_125 : vector<1x16xf32> to vector<16xf32>
      %get3A_127 = arith.index_cast %scan3A_26 : i32 to index
      %get3A_128 = arith.constant 112 : index
      %get3A_129 = tpu.vector_load %arg9[%get3A_127, %get3A_128] {strides = array<i32>} : memref<64x768xf32, #tpu.memory_space<vmem>>, vector<1x16xf32>,
      %get3A_130 = vector.shape_cast %get3A_129 : vector<1x16xf32> to vector<16xf32>
      %add3A_131 = arith.addf %get3A_126, %get3A_130 : vector<16xf32>
      %swap3A_132 = arith.index_cast %scan3A_26 : i32 to index
      %swap3A_133 = arith.constant 112 : index
      %swap3A_134 = tpu.vector_load %arg8[%swap3A_132, %swap3A_133] {strides = array<i32>} : memref<64x768xf32, #tpu.memory_space<vmem>>, vector<1x16xf32>,
      %swap3A_135 = vector.shape_cast %swap3A_134 : vector<1x16xf32> to vector<16xf32>
      %swap3A_136 = vector.shape_cast %add3A_131 : vector<16xf32> to vector<1x16xf32>
      tpu.vector_store %arg8[%swap3A_132, %swap3A_133], %swap3A_136 {strides = array<i32>} : memref<64x768xf32, #tpu.memory_space<vmem>>, vector<1x16xf32>,
      %get3A_137 = arith.index_cast %scan3A_26 : i32 to index
      %get3A_138 = arith.constant 128 : index
      %get3A_139 = tpu.vector_load %arg8[%get3A_137, %get3A_138] {strides = array<i32>} : memref<64x768xf32, #tpu.memory_space<vmem>>, vector<1x16xf32>,
      %get3A_140 = vector.shape_cast %get3A_139 : vector<1x16xf32> to vector<16xf32>
      %get3A_141 = arith.index_cast %scan3A_26 : i32 to index
      %get3A_142 = arith.constant 128 : index
      %get3A_143 = tpu.vector_load %arg9[%get3A_141, %get3A_142] {strides = array<i32>} : memref<64x768xf32, #tpu.memory_space<vmem>>, vector<1x16xf32>,
      %get3A_144 = vector.shape_cast %get3A_143 : vector<1x16xf32> to vector<16xf32>
      %add3A_145 = arith.addf %get3A_140, %get3A_144 : vector<16xf32>
      %swap3A_146 = arith.index_cast %scan3A_26 : i32 to index
      %swap3A_147 = arith.constant 128 : index
      %swap3A_148 = tpu.vector_load %arg8[%swap3A_146, %swap3A_147] {strides = array<i32>} : memref<64x768xf32, #tpu.memory_space<vmem>>, vector<1x16xf32>,
      %swap3A_149 = vector.shape_cast %swap3A_148 : vector<1x16xf32> to vector<16xf32>
      %swap3A_150 = vector.shape_cast %add3A_145 : vector<16xf32> to vector<1x16xf32>
      tpu.vector_store %arg8[%swap3A_146, %swap3A_147], %swap3A_150 {strides = array<i32>} : memref<64x768xf32, #tpu.memory_space<vmem>>, vector<1x16xf32>,
      %get3A_151 = arith.index_cast %scan3A_26 : i32 to index
      %get3A_152 = arith.constant 144 : index
      %get3A_153 = tpu.vector_load %arg8[%get3A_151, %get3A_152] {strides = array<i32>} : memref<64x768xf32, #tpu.memory_space<vmem>>, vector<1x16xf32>,
      %get3A_154 = vector.shape_cast %get3A_153 : vector<1x16xf32> to vector<16xf32>
      %get3A_155 = arith.index_cast %scan3A_26 : i32 to index
      %get3A_156 = arith.constant 144 : index
      %get3A_157 = tpu.vector_load %arg9[%get3A_155, %get3A_156] {strides = array<i32>} : memref<64x768xf32, #tpu.memory_space<vmem>>, vector<1x16xf32>,
      %get3A_158 = vector.shape_cast %get3A_157 : vector<1x16xf32> to vector<16xf32>
      %add3A_159 = arith.addf %get3A_154, %get3A_158 : vector<16xf32>
      %swap3A_160 = arith.index_cast %scan3A_26 : i32 to index
      %swap3A_161 = arith.constant 144 : index
      %swap3A_162 = tpu.vector_load %arg8[%swap3A_160, %swap3A_161] {strides = array<i32>} : memref<64x768xf32, #tpu.memory_space<vmem>>, vector<1x16xf32>,
      %swap3A_163 = vector.shape_cast %swap3A_162 : vector<1x16xf32> to vector<16xf32>
      %swap3A_164 = vector.shape_cast %add3A_159 : vector<16xf32> to vector<1x16xf32>
      tpu.vector_store %arg8[%swap3A_160, %swap3A_161], %swap3A_164 {strides = array<i32>} : memref<64x768xf32, #tpu.memory_space<vmem>>, vector<1x16xf32>,
      %get3A_165 = arith.index_cast %scan3A_26 : i32 to index
      %get3A_166 = arith.constant 160 : index
      %get3A_167 = tpu.vector_load %arg8[%get3A_165, %get3A_166] {strides = array<i32>} : memref<64x768xf32, #tpu.memory_space<vmem>>, vector<1x16xf32>,
      %get3A_168 = vector.shape_cast %get3A_167 : vector<1x16xf32> to vector<16xf32>
      %get3A_169 = arith.index_cast %scan3A_26 : i32 to index
      %get3A_170 = arith.constant 160 : index
      %get3A_171 = tpu.vector_load %arg9[%get3A_169, %get3A_170] {strides = array<i32>} : memref<64x768xf32, #tpu.memory_space<vmem>>, vector<1x16xf32>,
      %get3A_172 = vector.shape_cast %get3A_171 : vector<1x16xf32> to vector<16xf32>
      %add3A_173 = arith.addf %get3A_168, %get3A_172 : vector<16xf32>
      %swap3A_174 = arith.index_cast %scan3A_26 : i32 to index
      %swap3A_175 = arith.constant 160 : index
      %swap3A_176 = tpu.vector_load %arg8[%swap3A_174, %swap3A_175] {strides = array<i32>} : memref<64x768xf32, #tpu.memory_space<vmem>>, vector<1x16xf32>,
      %swap3A_177 = vector.shape_cast %swap3A_176 : vector<1x16xf32> to vector<16xf32>
      %swap3A_178 = vector.shape_cast %add3A_173 : vector<16xf32> to vector<1x16xf32>
      tpu.vector_store %arg8[%swap3A_174, %swap3A_175], %swap3A_178 {strides = array<i32>} : memref<64x768xf32, #tpu.memory_space<vmem>>, vector<1x16xf32>,
      %get3A_179 = arith.index_cast %scan3A_26 : i32 to index
      %get3A_180 = arith.constant 176 : index
      %get3A_181 = tpu.vector_load %arg8[%get3A_179, %get3A_180] {strides = array<i32>} : memref<64x768xf32, #tpu.memory_space<vmem>>, vector<1x16xf32>,
      %get3A_182 = vector.shape_cast %get3A_181 : vector<1x16xf32> to vector<16xf32>
      %get3A_183 = arith.index_cast %scan3A_26 : i32 to index
      %get3A_184 = arith.constant 176 : index
      %get3A_185 = tpu.vector_load %arg9[%get3A_183, %get3A_184] {strides = array<i32>} : memref<64x768xf32, #tpu.memory_space<vmem>>, vector<1x16xf32>,
      %get3A_186 = vector.shape_cast %get3A_185 : vector<1x16xf32> to vector<16xf32>
      %add3A_187 = arith.addf %get3A_182, %get3A_186 : vector<16xf32>
      %swap3A_188 = arith.index_cast %scan3A_26 : i32 to index
      %swap3A_189 = arith.constant 176 : index
      %swap3A_190 = tpu.vector_load %arg8[%swap3A_188, %swap3A_189] {strides = array<i32>} : memref<64x768xf32, #tpu.memory_space<vmem>>, vector<1x16xf32>,
      %swap3A_191 = vector.shape_cast %swap3A_190 : vector<1x16xf32> to vector<16xf32>
      %swap3A_192 = vector.shape_cast %add3A_187 : vector<16xf32> to vector<1x16xf32>
      tpu.vector_store %arg8[%swap3A_188, %swap3A_189], %swap3A_192 {strides = array<i32>} : memref<64x768xf32, #tpu.memory_space<vmem>>, vector<1x16xf32>,
      %get3A_193 = arith.index_cast %scan3A_26 : i32 to index
      %get3A_194 = arith.constant 192 : index
      %get3A_195 = tpu.vector_load %arg8[%get3A_193, %get3A_194] {strides = array<i32>} : memref<64x768xf32, #tpu.memory_space<vmem>>, vector<1x16xf32>,
      %get3A_196 = vector.shape_cast %get3A_195 : vector<1x16xf32> to vector<16xf32>
      %get3A_197 = arith.index_cast %scan3A_26 : i32 to index
      %get3A_198 = arith.constant 192 : index
      %get3A_199 = tpu.vector_load %arg9[%get3A_197, %get3A_198] {strides = array<i32>} : memref<64x768xf32, #tpu.memory_space<vmem>>, vector<1x16xf32>,
      %get3A_200 = vector.shape_cast %get3A_199 : vector<1x16xf32> to vector<16xf32>
      %add3A_201 = arith.addf %get3A_196, %get3A_200 : vector<16xf32>
      %swap3A_202 = arith.index_cast %scan3A_26 : i32 to index
      %swap3A_203 = arith.constant 192 : index
      %swap3A_204 = tpu.vector_load %arg8[%swap3A_202, %swap3A_203] {strides = array<i32>} : memref<64x768xf32, #tpu.memory_space<vmem>>, vector<1x16xf32>,
      %swap3A_205 = vector.shape_cast %swap3A_204 : vector<1x16xf32> to vector<16xf32>
      %swap3A_206 = vector.shape_cast %add3A_201 : vector<16xf32> to vector<1x16xf32>
      tpu.vector_store %arg8[%swap3A_202, %swap3A_203], %swap3A_206 {strides = array<i32>} : memref<64x768xf32, #tpu.memory_space<vmem>>, vector<1x16xf32>,
      %get3A_207 = arith.index_cast %scan3A_26 : i32 to index
      %get3A_208 = arith.constant 208 : index
      %get3A_209 = tpu.vector_load %arg8[%get3A_207, %get3A_208] {strides = array<i32>} : memref<64x768xf32, #tpu.memory_space<vmem>>, vector<1x16xf32>,
      %get3A_210 = vector.shape_cast %get3A_209 : vector<1x16xf32> to vector<16xf32>
      %get3A_211 = arith.index_cast %scan3A_26 : i32 to index
      %get3A_212 = arith.constant 208 : index
      %get3A_213 = tpu.vector_load %arg9[%get3A_211, %get3A_212] {strides = array<i32>} : memref<64x768xf32, #tpu.memory_space<vmem>>, vector<1x16xf32>,
      %get3A_214 = vector.shape_cast %get3A_213 : vector<1x16xf32> to vector<16xf32>
      %add3A_215 = arith.addf %get3A_210, %get3A_214 : vector<16xf32>
      %swap3A_216 = arith.index_cast %scan3A_26 : i32 to index
      %swap3A_217 = arith.constant 208 : index
      %swap3A_218 = tpu.vector_load %arg8[%swap3A_216, %swap3A_217] {strides = array<i32>} : memref<64x768xf32, #tpu.memory_space<vmem>>, vector<1x16xf32>,
      %swap3A_219 = vector.shape_cast %swap3A_218 : vector<1x16xf32> to vector<16xf32>
      %swap3A_220 = vector.shape_cast %add3A_215 : vector<16xf32> to vector<1x16xf32>
      tpu.vector_store %arg8[%swap3A_216, %swap3A_217], %swap3A_220 {strides = array<i32>} : memref<64x768xf32, #tpu.memory_space<vmem>>, vector<1x16xf32>,
      %get3A_221 = arith.index_cast %scan3A_26 : i32 to index
      %get3A_222 = arith.constant 224 : index
      %get3A_223 = tpu.vector_load %arg8[%get3A_221, %get3A_222] {strides = array<i32>} : memref<64x768xf32, #tpu.memory_space<vmem>>, vector<1x16xf32>,
      %get3A_224 = vector.shape_cast %get3A_223 : vector<1x16xf32> to vector<16xf32>
      %get3A_225 = arith.index_cast %scan3A_26 : i32 to index
      %get3A_226 = arith.constant 224 : index
      %get3A_227 = tpu.vector_load %arg9[%get3A_225, %get3A_226] {strides = array<i32>} : memref<64x768xf32, #tpu.memory_space<vmem>>, vector<1x16xf32>,
      %get3A_228 = vector.shape_cast %get3A_227 : vector<1x16xf32> to vector<16xf32>
      %add3A_229 = arith.addf %get3A_224, %get3A_228 : vector<16xf32>
      %swap3A_230 = arith.index_cast %scan3A_26 : i32 to index
      %swap3A_231 = arith.constant 224 : index
      %swap3A_232 = tpu.vector_load %arg8[%swap3A_230, %swap3A_231] {strides = array<i32>} : memref<64x768xf32, #tpu.memory_space<vmem>>, vector<1x16xf32>,
      %swap3A_233 = vector.shape_cast %swap3A_232 : vector<1x16xf32> to vector<16xf32>
      %swap3A_234 = vector.shape_cast %add3A_229 : vector<16xf32> to vector<1x16xf32>
      tpu.vector_store %arg8[%swap3A_230, %swap3A_231], %swap3A_234 {strides = array<i32>} : memref<64x768xf32, #tpu.memory_space<vmem>>, vector<1x16xf32>,
      %get3A_235 = arith.index_cast %scan3A_26 : i32 to index
      %get3A_236 = arith.constant 240 : index
      %get3A_237 = tpu.vector_load %arg8[%get3A_235, %get3A_236] {strides = array<i32>} : memref<64x768xf32, #tpu.memory_space<vmem>>, vector<1x16xf32>,
      %get3A_238 = vector.shape_cast %get3A_237 : vector<1x16xf32> to vector<16xf32>
      %get3A_239 = arith.index_cast %scan3A_26 : i32 to index
      %get3A_240 = arith.constant 240 : index
      %get3A_241 = tpu.vector_load %arg9[%get3A_239, %get3A_240] {strides = array<i32>} : memref<64x768xf32, #tpu.memory_space<vmem>>, vector<1x16xf32>,
      %get3A_242 = vector.shape_cast %get3A_241 : vector<1x16xf32> to vector<16xf32>
      %add3A_243 = arith.addf %get3A_238, %get3A_242 : vector<16xf32>
      %swap3A_244 = arith.index_cast %scan3A_26 : i32 to index
      %swap3A_245 = arith.constant 240 : index
      %swap3A_246 = tpu.vector_load %arg8[%swap3A_244, %swap3A_245] {strides = array<i32>} : memref<64x768xf32, #tpu.memory_space<vmem>>, vector<1x16xf32>,
      %swap3A_247 = vector.shape_cast %swap3A_246 : vector<1x16xf32> to vector<16xf32>
      %swap3A_248 = vector.shape_cast %add3A_243 : vector<16xf32> to vector<1x16xf32>
      tpu.vector_store %arg8[%swap3A_244, %swap3A_245], %swap3A_248 {strides = array<i32>} : memref<64x768xf32, #tpu.memory_space<vmem>>, vector<1x16xf32>,
      %get3A_249 = arith.index_cast %scan3A_26 : i32 to index
      %get3A_250 = arith.constant 256 : index
      %get3A_251 = tpu.vector_load %arg8[%get3A_249, %get3A_250] {strides = array<i32>} : memref<64x768xf32, #tpu.memory_space<vmem>>, vector<1x16xf32>,
      %get3A_252 = vector.shape_cast %get3A_251 : vector<1x16xf32> to vector<16xf32>
      %get3A_253 = arith.index_cast %scan3A_26 : i32 to index
      %get3A_254 = arith.constant 256 : index
      %get3A_255 = tpu.vector_load %arg9[%get3A_253, %get3A_254] {strides = array<i32>} : memref<64x768xf32, #tpu.memory_space<vmem>>, vector<1x16xf32>,
      %get3A_256 = vector.shape_cast %get3A_255 : vector<1x16xf32> to vector<16xf32>
      %add3A_257 = arith.addf %get3A_252, %get3A_256 : vector<16xf32>
      %swap3A_258 = arith.index_cast %scan3A_26 : i32 to index
      %swap3A_259 = arith.constant 256 : index
      %swap3A_260 = tpu.vector_load %arg8[%swap3A_258, %swap3A_259] {strides = array<i32>} : memref<64x768xf32, #tpu.memory_space<vmem>>, vector<1x16xf32>,
      %swap3A_261 = vector.shape_cast %swap3A_260 : vector<1x16xf32> to vector<16xf32>
      %swap3A_262 = vector.shape_cast %add3A_257 : vector<16xf32> to vector<1x16xf32>
      tpu.vector_store %arg8[%swap3A_258, %swap3A_259], %swap3A_262 {strides = array<i32>} : memref<64x768xf32, #tpu.memory_space<vmem>>, vector<1x16xf32>,
      %get3A_263 = arith.index_cast %scan3A_26 : i32 to index
      %get3A_264 = arith.constant 272 : index
      %get3A_265 = tpu.vector_load %arg8[%get3A_263, %get3A_264] {strides = array<i32>} : memref<64x768xf32, #tpu.memory_space<vmem>>, vector<1x16xf32>,
      %get3A_266 = vector.shape_cast %get3A_265 : vector<1x16xf32> to vector<16xf32>
      %get3A_267 = arith.index_cast %scan3A_26 : i32 to index
      %get3A_268 = arith.constant 272 : index
      %get3A_269 = tpu.vector_load %arg9[%get3A_267, %get3A_268] {strides = array<i32>} : memref<64x768xf32, #tpu.memory_space<vmem>>, vector<1x16xf32>,
      %get3A_270 = vector.shape_cast %get3A_269 : vector<1x16xf32> to vector<16xf32>
      %add3A_271 = arith.addf %get3A_266, %get3A_270 : vector<16xf32>
      %swap3A_272 = arith.index_cast %scan3A_26 : i32 to index
      %swap3A_273 = arith.constant 272 : index
      %swap3A_274 = tpu.vector_load %arg8[%swap3A_272, %swap3A_273] {strides = array<i32>} : memref<64x768xf32, #tpu.memory_space<vmem>>, vector<1x16xf32>,
      %swap3A_275 = vector.shape_cast %swap3A_274 : vector<1x16xf32> to vector<16xf32>
      %swap3A_276 = vector.shape_cast %add3A_271 : vector<16xf32> to vector<1x16xf32>
      tpu.vector_store %arg8[%swap3A_272, %swap3A_273], %swap3A_276 {strides = array<i32>} : memref<64x768xf32, #tpu.memory_space<vmem>>, vector<1x16xf32>,
      %get3A_277 = arith.index_cast %scan3A_26 : i32 to index
      %get3A_278 = arith.constant 288 : index
      %get3A_279 = tpu.vector_load %arg8[%get3A_277, %get3A_278] {strides = array<i32>} : memref<64x768xf32, #tpu.memory_space<vmem>>, vector<1x16xf32>,
      %get3A_280 = vector.shape_cast %get3A_279 : vector<1x16xf32> to vector<16xf32>
      %get3A_281 = arith.index_cast %scan3A_26 : i32 to index
      %get3A_282 = arith.constant 288 : index
      %get3A_283 = tpu.vector_load %arg9[%get3A_281, %get3A_282] {strides = array<i32>} : memref<64x768xf32, #tpu.memory_space<vmem>>, vector<1x16xf32>,
      %get3A_284 = vector.shape_cast %get3A_283 : vector<1x16xf32> to vector<16xf32>
      %add3A_285 = arith.addf %get3A_280, %get3A_284 : vector<16xf32>
      %swap3A_286 = arith.index_cast %scan3A_26 : i32 to index
      %swap3A_287 = arith.constant 288 : index
      %swap3A_288 = tpu.vector_load %arg8[%swap3A_286, %swap3A_287] {strides = array<i32>} : memref<64x768xf32, #tpu.memory_space<vmem>>, vector<1x16xf32>,
      %swap3A_289 = vector.shape_cast %swap3A_288 : vector<1x16xf32> to vector<16xf32>
      %swap3A_290 = vector.shape_cast %add3A_285 : vector<16xf32> to vector<1x16xf32>
      tpu.vector_store %arg8[%swap3A_286, %swap3A_287], %swap3A_290 {strides = array<i32>} : memref<64x768xf32, #tpu.memory_space<vmem>>, vector<1x16xf32>,
      %get3A_291 = arith.index_cast %scan3A_26 : i32 to index
      %get3A_292 = arith.constant 304 : index
      %get3A_293 = tpu.vector_load %arg8[%get3A_291, %get3A_292] {strides = array<i32>} : memref<64x768xf32, #tpu.memory_space<vmem>>, vector<1x16xf32>,
      %get3A_294 = vector.shape_cast %get3A_293 : vector<1x16xf32> to vector<16xf32>
      %get3A_295 = arith.index_cast %scan3A_26 : i32 to index
      %get3A_296 = arith.constant 304 : index
      %get3A_297 = tpu.vector_load %arg9[%get3A_295, %get3A_296] {strides = array<i32>} : memref<64x768xf32, #tpu.memory_space<vmem>>, vector<1x16xf32>,
      %get3A_298 = vector.shape_cast %get3A_297 : vector<1x16xf32> to vector<16xf32>
      %add3A_299 = arith.addf %get3A_294, %get3A_298 : vector<16xf32>
      %swap3A_300 = arith.index_cast %scan3A_26 : i32 to index
      %swap3A_301 = arith.constant 304 : index
      %swap3A_302 = tpu.vector_load %arg8[%swap3A_300, %swap3A_301] {strides = array<i32>} : memref<64x768xf32, #tpu.memory_space<vmem>>, vector<1x16xf32>,
      %swap3A_303 = vector.shape_cast %swap3A_302 : vector<1x16xf32> to vector<16xf32>
      %swap3A_304 = vector.shape_cast %add3A_299 : vector<16xf32> to vector<1x16xf32>
      tpu.vector_store %arg8[%swap3A_300, %swap3A_301], %swap3A_304 {strides = array<i32>} : memref<64x768xf32, #tpu.memory_space<vmem>>, vector<1x16xf32>,
      %get3A_305 = arith.index_cast %scan3A_26 : i32 to index
      %get3A_306 = arith.constant 320 : index
      %get3A_307 = tpu.vector_load %arg8[%get3A_305, %get3A_306] {strides = array<i32>} : memref<64x768xf32, #tpu.memory_space<vmem>>, vector<1x16xf32>,
      %get3A_308 = vector.shape_cast %get3A_307 : vector<1x16xf32> to vector<16xf32>
      %get3A_309 = arith.index_cast %scan3A_26 : i32 to index
      %get3A_310 = arith.constant 320 : index
      %get3A_311 = tpu.vector_load %arg9[%get3A_309, %get3A_310] {strides = array<i32>} : memref<64x768xf32, #tpu.memory_space<vmem>>, vector<1x16xf32>,
      %get3A_312 = vector.shape_cast %get3A_311 : vector<1x16xf32> to vector<16xf32>
      %add3A_313 = arith.addf %get3A_308, %get3A_312 : vector<16xf32>
      %swap3A_314 = arith.index_cast %scan3A_26 : i32 to index
      %swap3A_315 = arith.constant 320 : index
      %swap3A_316 = tpu.vector_load %arg8[%swap3A_314, %swap3A_315] {strides = array<i32>} : memref<64x768xf32, #tpu.memory_space<vmem>>, vector<1x16xf32>,
      %swap3A_317 = vector.shape_cast %swap3A_316 : vector<1x16xf32> to vector<16xf32>
      %swap3A_318 = vector.shape_cast %add3A_313 : vector<16xf32> to vector<1x16xf32>
      tpu.vector_store %arg8[%swap3A_314, %swap3A_315], %swap3A_318 {strides = array<i32>} : memref<64x768xf32, #tpu.memory_space<vmem>>, vector<1x16xf32>,
      %get3A_319 = arith.index_cast %scan3A_26 : i32 to index
      %get3A_320 = arith.constant 336 : index
      %get3A_321 = tpu.vector_load %arg8[%get3A_319, %get3A_320] {strides = array<i32>} : memref<64x768xf32, #tpu.memory_space<vmem>>, vector<1x16xf32>,
      %get3A_322 = vector.shape_cast %get3A_321 : vector<1x16xf32> to vector<16xf32>
      %get3A_323 = arith.index_cast %scan3A_26 : i32 to index
      %get3A_324 = arith.constant 336 : index
      %get3A_325 = tpu.vector_load %arg9[%get3A_323, %get3A_324] {strides = array<i32>} : memref<64x768xf32, #tpu.memory_space<vmem>>, vector<1x16xf32>,
      %get3A_326 = vector.shape_cast %get3A_325 : vector<1x16xf32> to vector<16xf32>
      %add3A_327 = arith.addf %get3A_322, %get3A_326 : vector<16xf32>
      %swap3A_328 = arith.index_cast %scan3A_26 : i32 to index
      %swap3A_329 = arith.constant 336 : index
      %swap3A_330 = tpu.vector_load %arg8[%swap3A_328, %swap3A_329] {strides = array<i32>} : memref<64x768xf32, #tpu.memory_space<vmem>>, vector<1x16xf32>,
      %swap3A_331 = vector.shape_cast %swap3A_330 : vector<1x16xf32> to vector<16xf32>
      %swap3A_332 = vector.shape_cast %add3A_327 : vector<16xf32> to vector<1x16xf32>
      tpu.vector_store %arg8[%swap3A_328, %swap3A_329], %swap3A_332 {strides = array<i32>} : memref<64x768xf32, #tpu.memory_space<vmem>>, vector<1x16xf32>,
      %get3A_333 = arith.index_cast %scan3A_26 : i32 to index
      %get3A_334 = arith.constant 352 : index
      %get3A_335 = tpu.vector_load %arg8[%get3A_333, %get3A_334] {strides = array<i32>} : memref<64x768xf32, #tpu.memory_space<vmem>>, vector<1x16xf32>,
      %get3A_336 = vector.shape_cast %get3A_335 : vector<1x16xf32> to vector<16xf32>
      %get3A_337 = arith.index_cast %scan3A_26 : i32 to index
      %get3A_338 = arith.constant 352 : index
      %get3A_339 = tpu.vector_load %arg9[%get3A_337, %get3A_338] {strides = array<i32>} : memref<64x768xf32, #tpu.memory_space<vmem>>, vector<1x16xf32>,
      %get3A_340 = vector.shape_cast %get3A_339 : vector<1x16xf32> to vector<16xf32>
      %add3A_341 = arith.addf %get3A_336, %get3A_340 : vector<16xf32>
      %swap3A_342 = arith.index_cast %scan3A_26 : i32 to index
      %swap3A_343 = arith.constant 352 : index
      %swap3A_344 = tpu.vector_load %arg8[%swap3A_342, %swap3A_343] {strides = array<i32>} : memref<64x768xf32, #tpu.memory_space<vmem>>, vector<1x16xf32>,
      %swap3A_345 = vector.shape_cast %swap3A_344 : vector<1x16xf32> to vector<16xf32>
      %swap3A_346 = vector.shape_cast %add3A_341 : vector<16xf32> to vector<1x16xf32>
      tpu.vector_store %arg8[%swap3A_342, %swap3A_343], %swap3A_346 {strides = array<i32>} : memref<64x768xf32, #tpu.memory_space<vmem>>, vector<1x16xf32>,
      %get3A_347 = arith.index_cast %scan3A_26 : i32 to index
      %get3A_348 = arith.constant 368 : index
      %get3A_349 = tpu.vector_load %arg8[%get3A_347, %get3A_348] {strides = array<i32>} : memref<64x768xf32, #tpu.memory_space<vmem>>, vector<1x16xf32>,
      %get3A_350 = vector.shape_cast %get3A_349 : vector<1x16xf32> to vector<16xf32>
      %get3A_351 = arith.index_cast %scan3A_26 : i32 to index
      %get3A_352 = arith.constant 368 : index
      %get3A_353 = tpu.vector_load %arg9[%get3A_351, %get3A_352] {strides = array<i32>} : memref<64x768xf32, #tpu.memory_space<vmem>>, vector<1x16xf32>,
      %get3A_354 = vector.shape_cast %get3A_353 : vector<1x16xf32> to vector<16xf32>
      %add3A_355 = arith.addf %get3A_350, %get3A_354 : vector<16xf32>
      %swap3A_356 = arith.index_cast %scan3A_26 : i32 to index
      %swap3A_357 = arith.constant 368 : index
      %swap3A_358 = tpu.vector_load %arg8[%swap3A_356, %swap3A_357] {strides = array<i32>} : memref<64x768xf32, #tpu.memory_space<vmem>>, vector<1x16xf32>,
      %swap3A_359 = vector.shape_cast %swap3A_358 : vector<1x16xf32> to vector<16xf32>
      %swap3A_360 = vector.shape_cast %add3A_355 : vector<16xf32> to vector<1x16xf32>
      tpu.vector_store %arg8[%swap3A_356, %swap3A_357], %swap3A_360 {strides = array<i32>} : memref<64x768xf32, #tpu.memory_space<vmem>>, vector<1x16xf32>,
      %get3A_361 = arith.index_cast %scan3A_26 : i32 to index
      %get3A_362 = arith.constant 384 : index
      %get3A_363 = tpu.vector_load %arg8[%get3A_361, %get3A_362] {strides = array<i32>} : memref<64x768xf32, #tpu.memory_space<vmem>>, vector<1x16xf32>,
      %get3A_364 = vector.shape_cast %get3A_363 : vector<1x16xf32> to vector<16xf32>
      %get3A_365 = arith.index_cast %scan3A_26 : i32 to index
      %get3A_366 = arith.constant 384 : index
      %get3A_367 = tpu.vector_load %arg9[%get3A_365, %get3A_366] {strides = array<i32>} : memref<64x768xf32, #tpu.memory_space<vmem>>, vector<1x16xf32>,
      %get3A_368 = vector.shape_cast %get3A_367 : vector<1x16xf32> to vector<16xf32>
      %add3A_369 = arith.addf %get3A_364, %get3A_368 : vector<16xf32>
      %swap3A_370 = arith.index_cast %scan3A_26 : i32 to index
      %swap3A_371 = arith.constant 384 : index
      %swap3A_372 = tpu.vector_load %arg8[%swap3A_370, %swap3A_371] {strides = array<i32>} : memref<64x768xf32, #tpu.memory_space<vmem>>, vector<1x16xf32>,
      %swap3A_373 = vector.shape_cast %swap3A_372 : vector<1x16xf32> to vector<16xf32>
      %swap3A_374 = vector.shape_cast %add3A_369 : vector<16xf32> to vector<1x16xf32>
      tpu.vector_store %arg8[%swap3A_370, %swap3A_371], %swap3A_374 {strides = array<i32>} : memref<64x768xf32, #tpu.memory_space<vmem>>, vector<1x16xf32>,
      %get3A_375 = arith.index_cast %scan3A_26 : i32 to index
      %get3A_376 = arith.constant 400 : index
      %get3A_377 = tpu.vector_load %arg8[%get3A_375, %get3A_376] {strides = array<i32>} : memref<64x768xf32, #tpu.memory_space<vmem>>, vector<1x16xf32>,
      %get3A_378 = vector.shape_cast %get3A_377 : vector<1x16xf32> to vector<16xf32>
      %get3A_379 = arith.index_cast %scan3A_26 : i32 to index
      %get3A_380 = arith.constant 400 : index
      %get3A_381 = tpu.vector_load %arg9[%get3A_379, %get3A_380] {strides = array<i32>} : memref<64x768xf32, #tpu.memory_space<vmem>>, vector<1x16xf32>,
      %get3A_382 = vector.shape_cast %get3A_381 : vector<1x16xf32> to vector<16xf32>
      %add3A_383 = arith.addf %get3A_378, %get3A_382 : vector<16xf32>
      %swap3A_384 = arith.index_cast %scan3A_26 : i32 to index
      %swap3A_385 = arith.constant 400 : index
      %swap3A_386 = tpu.vector_load %arg8[%swap3A_384, %swap3A_385] {strides = array<i32>} : memref<64x768xf32, #tpu.memory_space<vmem>>, vector<1x16xf32>,
      %swap3A_387 = vector.shape_cast %swap3A_386 : vector<1x16xf32> to vector<16xf32>
      %swap3A_388 = vector.shape_cast %add3A_383 : vector<16xf32> to vector<1x16xf32>
      tpu.vector_store %arg8[%swap3A_384, %swap3A_385], %swap3A_388 {strides = array<i32>} : memref<64x768xf32, #tpu.memory_space<vmem>>, vector<1x16xf32>,
      %get3A_389 = arith.index_cast %scan3A_26 : i32 to index
      %get3A_390 = arith.constant 416 : index
      %get3A_391 = tpu.vector_load %arg8[%get3A_389, %get3A_390] {strides = array<i32>} : memref<64x768xf32, #tpu.memory_space<vmem>>, vector<1x16xf32>,
      %get3A_392 = vector.shape_cast %get3A_391 : vector<1x16xf32> to vector<16xf32>
      %get3A_393 = arith.index_cast %scan3A_26 : i32 to index
      %get3A_394 = arith.constant 416 : index
      %get3A_395 = tpu.vector_load %arg9[%get3A_393, %get3A_394] {strides = array<i32>} : memref<64x768xf32, #tpu.memory_space<vmem>>, vector<1x16xf32>,
      %get3A_396 = vector.shape_cast %get3A_395 : vector<1x16xf32> to vector<16xf32>
      %add3A_397 = arith.addf %get3A_392, %get3A_396 : vector<16xf32>
      %swap3A_398 = arith.index_cast %scan3A_26 : i32 to index
      %swap3A_399 = arith.constant 416 : index
      %swap3A_400 = tpu.vector_load %arg8[%swap3A_398, %swap3A_399] {strides = array<i32>} : memref<64x768xf32, #tpu.memory_space<vmem>>, vector<1x16xf32>,
      %swap3A_401 = vector.shape_cast %swap3A_400 : vector<1x16xf32> to vector<16xf32>
      %swap3A_402 = vector.shape_cast %add3A_397 : vector<16xf32> to vector<1x16xf32>
      tpu.vector_store %arg8[%swap3A_398, %swap3A_399], %swap3A_402 {strides = array<i32>} : memref<64x768xf32, #tpu.memory_space<vmem>>, vector<1x16xf32>,
      %get3A_403 = arith.index_cast %scan3A_26 : i32 to index
      %get3A_404 = arith.constant 432 : index
      %get3A_405 = tpu.vector_load %arg8[%get3A_403, %get3A_404] {strides = array<i32>} : memref<64x768xf32, #tpu.memory_space<vmem>>, vector<1x16xf32>,
      %get3A_406 = vector.shape_cast %get3A_405 : vector<1x16xf32> to vector<16xf32>
      %get3A_407 = arith.index_cast %scan3A_26 : i32 to index
      %get3A_408 = arith.constant 432 : index
      %get3A_409 = tpu.vector_load %arg9[%get3A_407, %get3A_408] {strides = array<i32>} : memref<64x768xf32, #tpu.memory_space<vmem>>, vector<1x16xf32>,
      %get3A_410 = vector.shape_cast %get3A_409 : vector<1x16xf32> to vector<16xf32>
      %add3A_411 = arith.addf %get3A_406, %get3A_410 : vector<16xf32>
      %swap3A_412 = arith.index_cast %scan3A_26 : i32 to index
      %swap3A_413 = arith.constant 432 : index
      %swap3A_414 = tpu.vector_load %arg8[%swap3A_412, %swap3A_413] {strides = array<i32>} : memref<64x768xf32, #tpu.memory_space<vmem>>, vector<1x16xf32>,
      %swap3A_415 = vector.shape_cast %swap3A_414 : vector<1x16xf32> to vector<16xf32>
      %swap3A_416 = vector.shape_cast %add3A_411 : vector<16xf32> to vector<1x16xf32>
      tpu.vector_store %arg8[%swap3A_412, %swap3A_413], %swap3A_416 {strides = array<i32>} : memref<64x768xf32, #tpu.memory_space<vmem>>, vector<1x16xf32>,
      %get3A_417 = arith.index_cast %scan3A_26 : i32 to index
      %get3A_418 = arith.constant 448 : index
      %get3A_419 = tpu.vector_load %arg8[%get3A_417, %get3A_418] {strides = array<i32>} : memref<64x768xf32, #tpu.memory_space<vmem>>, vector<1x16xf32>,
      %get3A_420 = vector.shape_cast %get3A_419 : vector<1x16xf32> to vector<16xf32>
      %get3A_421 = arith.index_cast %scan3A_26 : i32 to index
      %get3A_422 = arith.constant 448 : index
      %get3A_423 = tpu.vector_load %arg9[%get3A_421, %get3A_422] {strides = array<i32>} : memref<64x768xf32, #tpu.memory_space<vmem>>, vector<1x16xf32>,
      %get3A_424 = vector.shape_cast %get3A_423 : vector<1x16xf32> to vector<16xf32>
      %add3A_425 = arith.addf %get3A_420, %get3A_424 : vector<16xf32>
      %swap3A_426 = arith.index_cast %scan3A_26 : i32 to index
      %swap3A_427 = arith.constant 448 : index
      %swap3A_428 = tpu.vector_load %arg8[%swap3A_426, %swap3A_427] {strides = array<i32>} : memref<64x768xf32, #tpu.memory_space<vmem>>, vector<1x16xf32>,
      %swap3A_429 = vector.shape_cast %swap3A_428 : vector<1x16xf32> to vector<16xf32>
      %swap3A_430 = vector.shape_cast %add3A_425 : vector<16xf32> to vector<1x16xf32>
      tpu.vector_store %arg8[%swap3A_426, %swap3A_427], %swap3A_430 {strides = array<i32>} : memref<64x768xf32, #tpu.memory_space<vmem>>, vector<1x16xf32>,
      %get3A_431 = arith.index_cast %scan3A_26 : i32 to index
      %get3A_432 = arith.constant 464 : index
      %get3A_433 = tpu.vector_load %arg8[%get3A_431, %get3A_432] {strides = array<i32>} : memref<64x768xf32, #tpu.memory_space<vmem>>, vector<1x16xf32>,
      %get3A_434 = vector.shape_cast %get3A_433 : vector<1x16xf32> to vector<16xf32>
      %get3A_435 = arith.index_cast %scan3A_26 : i32 to index
      %get3A_436 = arith.constant 464 : index
      %get3A_437 = tpu.vector_load %arg9[%get3A_435, %get3A_436] {strides = array<i32>} : memref<64x768xf32, #tpu.memory_space<vmem>>, vector<1x16xf32>,
      %get3A_438 = vector.shape_cast %get3A_437 : vector<1x16xf32> to vector<16xf32>
      %add3A_439 = arith.addf %get3A_434, %get3A_438 : vector<16xf32>
      %swap3A_440 = arith.index_cast %scan3A_26 : i32 to index
      %swap3A_441 = arith.constant 464 : index
      %swap3A_442 = tpu.vector_load %arg8[%swap3A_440, %swap3A_441] {strides = array<i32>} : memref<64x768xf32, #tpu.memory_space<vmem>>, vector<1x16xf32>,
      %swap3A_443 = vector.shape_cast %swap3A_442 : vector<1x16xf32> to vector<16xf32>
      %swap3A_444 = vector.shape_cast %add3A_439 : vector<16xf32> to vector<1x16xf32>
      tpu.vector_store %arg8[%swap3A_440, %swap3A_441], %swap3A_444 {strides = array<i32>} : memref<64x768xf32, #tpu.memory_space<vmem>>, vector<1x16xf32>,
      %get3A_445 = arith.index_cast %scan3A_26 : i32 to index
      %get3A_446 = arith.constant 480 : index
      %get3A_447 = tpu.vector_load %arg8[%get3A_445, %get3A_446] {strides = array<i32>} : memref<64x768xf32, #tpu.memory_space<vmem>>, vector<1x16xf32>,
      %get3A_448 = vector.shape_cast %get3A_447 : vector<1x16xf32> to vector<16xf32>
      %get3A_449 = arith.index_cast %scan3A_26 : i32 to index
      %get3A_450 = arith.constant 480 : index
      %get3A_451 = tpu.vector_load %arg9[%get3A_449, %get3A_450] {strides = array<i32>} : memref<64x768xf32, #tpu.memory_space<vmem>>, vector<1x16xf32>,
      %get3A_452 = vector.shape_cast %get3A_451 : vector<1x16xf32> to vector<16xf32>
      %add3A_453 = arith.addf %get3A_448, %get3A_452 : vector<16xf32>
      %swap3A_454 = arith.index_cast %scan3A_26 : i32 to index
      %swap3A_455 = arith.constant 480 : index
      %swap3A_456 = tpu.vector_load %arg8[%swap3A_454, %swap3A_455] {strides = array<i32>} : memref<64x768xf32, #tpu.memory_space<vmem>>, vector<1x16xf32>,
      %swap3A_457 = vector.shape_cast %swap3A_456 : vector<1x16xf32> to vector<16xf32>
      %swap3A_458 = vector.shape_cast %add3A_453 : vector<16xf32> to vector<1x16xf32>
      tpu.vector_store %arg8[%swap3A_454, %swap3A_455], %swap3A_458 {strides = array<i32>} : memref<64x768xf32, #tpu.memory_space<vmem>>, vector<1x16xf32>,
      %get3A_459 = arith.index_cast %scan3A_26 : i32 to index
      %get3A_460 = arith.constant 496 : index
      %get3A_461 = tpu.vector_load %arg8[%get3A_459, %get3A_460] {strides = array<i32>} : memref<64x768xf32, #tpu.memory_space<vmem>>, vector<1x16xf32>,
      %get3A_462 = vector.shape_cast %get3A_461 : vector<1x16xf32> to vector<16xf32>
      %get3A_463 = arith.index_cast %scan3A_26 : i32 to index
      %get3A_464 = arith.constant 496 : index
      %get3A_465 = tpu.vector_load %arg9[%get3A_463, %get3A_464] {strides = array<i32>} : memref<64x768xf32, #tpu.memory_space<vmem>>, vector<1x16xf32>,
      %get3A_466 = vector.shape_cast %get3A_465 : vector<1x16xf32> to vector<16xf32>
      %add3A_467 = arith.addf %get3A_462, %get3A_466 : vector<16xf32>
      %swap3A_468 = arith.index_cast %scan3A_26 : i32 to index
      %swap3A_469 = arith.constant 496 : index
      %swap3A_470 = tpu.vector_load %arg8[%swap3A_468, %swap3A_469] {strides = array<i32>} : memref<64x768xf32, #tpu.memory_space<vmem>>, vector<1x16xf32>,
      %swap3A_471 = vector.shape_cast %swap3A_470 : vector<1x16xf32> to vector<16xf32>
      %swap3A_472 = vector.shape_cast %add3A_467 : vector<16xf32> to vector<1x16xf32>
      tpu.vector_store %arg8[%swap3A_468, %swap3A_469], %swap3A_472 {strides = array<i32>} : memref<64x768xf32, #tpu.memory_space<vmem>>, vector<1x16xf32>,
      %get3A_473 = arith.index_cast %scan3A_26 : i32 to index
      %get3A_474 = arith.constant 512 : index
      %get3A_475 = tpu.vector_load %arg8[%get3A_473, %get3A_474] {strides = array<i32>} : memref<64x768xf32, #tpu.memory_space<vmem>>, vector<1x16xf32>,
      %get3A_476 = vector.shape_cast %get3A_475 : vector<1x16xf32> to vector<16xf32>
      %get3A_477 = arith.index_cast %scan3A_26 : i32 to index
      %get3A_478 = arith.constant 512 : index
      %get3A_479 = tpu.vector_load %arg9[%get3A_477, %get3A_478] {strides = array<i32>} : memref<64x768xf32, #tpu.memory_space<vmem>>, vector<1x16xf32>,
      %get3A_480 = vector.shape_cast %get3A_479 : vector<1x16xf32> to vector<16xf32>
      %add3A_481 = arith.addf %get3A_476, %get3A_480 : vector<16xf32>
      %swap3A_482 = arith.index_cast %scan3A_26 : i32 to index
      %swap3A_483 = arith.constant 512 : index
      %swap3A_484 = tpu.vector_load %arg8[%swap3A_482, %swap3A_483] {strides = array<i32>} : memref<64x768xf32, #tpu.memory_space<vmem>>, vector<1x16xf32>,
      %swap3A_485 = vector.shape_cast %swap3A_484 : vector<1x16xf32> to vector<16xf32>
      %swap3A_486 = vector.shape_cast %add3A_481 : vector<16xf32> to vector<1x16xf32>
      tpu.vector_store %arg8[%swap3A_482, %swap3A_483], %swap3A_486 {strides = array<i32>} : memref<64x768xf32, #tpu.memory_space<vmem>>, vector<1x16xf32>,
      %get3A_487 = arith.index_cast %scan3A_26 : i32 to index
      %get3A_488 = arith.constant 528 : index
      %get3A_489 = tpu.vector_load %arg8[%get3A_487, %get3A_488] {strides = array<i32>} : memref<64x768xf32, #tpu.memory_space<vmem>>, vector<1x16xf32>,
      %get3A_490 = vector.shape_cast %get3A_489 : vector<1x16xf32> to vector<16xf32>
      %get3A_491 = arith.index_cast %scan3A_26 : i32 to index
      %get3A_492 = arith.constant 528 : index
      %get3A_493 = tpu.vector_load %arg9[%get3A_491, %get3A_492] {strides = array<i32>} : memref<64x768xf32, #tpu.memory_space<vmem>>, vector<1x16xf32>,
      %get3A_494 = vector.shape_cast %get3A_493 : vector<1x16xf32> to vector<16xf32>
      %add3A_495 = arith.addf %get3A_490, %get3A_494 : vector<16xf32>
      %swap3A_496 = arith.index_cast %scan3A_26 : i32 to index
      %swap3A_497 = arith.constant 528 : index
      %swap3A_498 = tpu.vector_load %arg8[%swap3A_496, %swap3A_497] {strides = array<i32>} : memref<64x768xf32, #tpu.memory_space<vmem>>, vector<1x16xf32>,
      %swap3A_499 = vector.shape_cast %swap3A_498 : vector<1x16xf32> to vector<16xf32>
      %swap3A_500 = vector.shape_cast %add3A_495 : vector<16xf32> to vector<1x16xf32>
      tpu.vector_store %arg8[%swap3A_496, %swap3A_497], %swap3A_500 {strides = array<i32>} : memref<64x768xf32, #tpu.memory_space<vmem>>, vector<1x16xf32>,
      %get3A_501 = arith.index_cast %scan3A_26 : i32 to index
      %get3A_502 = arith.constant 544 : index
      %get3A_503 = tpu.vector_load %arg8[%get3A_501, %get3A_502] {strides = array<i32>} : memref<64x768xf32, #tpu.memory_space<vmem>>, vector<1x16xf32>,
      %get3A_504 = vector.shape_cast %get3A_503 : vector<1x16xf32> to vector<16xf32>
      %get3A_505 = arith.index_cast %scan3A_26 : i32 to index
      %get3A_506 = arith.constant 544 : index
      %get3A_507 = tpu.vector_load %arg9[%get3A_505, %get3A_506] {strides = array<i32>} : memref<64x768xf32, #tpu.memory_space<vmem>>, vector<1x16xf32>,
      %get3A_508 = vector.shape_cast %get3A_507 : vector<1x16xf32> to vector<16xf32>
      %add3A_509 = arith.addf %get3A_504, %get3A_508 : vector<16xf32>
      %swap3A_510 = arith.index_cast %scan3A_26 : i32 to index
      %swap3A_511 = arith.constant 544 : index
      %swap3A_512 = tpu.vector_load %arg8[%swap3A_510, %swap3A_511] {strides = array<i32>} : memref<64x768xf32, #tpu.memory_space<vmem>>, vector<1x16xf32>,
      %swap3A_513 = vector.shape_cast %swap3A_512 : vector<1x16xf32> to vector<16xf32>
      %swap3A_514 = vector.shape_cast %add3A_509 : vector<16xf32> to vector<1x16xf32>
      tpu.vector_store %arg8[%swap3A_510, %swap3A_511], %swap3A_514 {strides = array<i32>} : memref<64x768xf32, #tpu.memory_space<vmem>>, vector<1x16xf32>,
      %get3A_515 = arith.index_cast %scan3A_26 : i32 to index
      %get3A_516 = arith.constant 560 : index
      %get3A_517 = tpu.vector_load %arg8[%get3A_515, %get3A_516] {strides = array<i32>} : memref<64x768xf32, #tpu.memory_space<vmem>>, vector<1x16xf32>,
      %get3A_518 = vector.shape_cast %get3A_517 : vector<1x16xf32> to vector<16xf32>
      %get3A_519 = arith.index_cast %scan3A_26 : i32 to index
      %get3A_520 = arith.constant 560 : index
      %get3A_521 = tpu.vector_load %arg9[%get3A_519, %get3A_520] {strides = array<i32>} : memref<64x768xf32, #tpu.memory_space<vmem>>, vector<1x16xf32>,
      %get3A_522 = vector.shape_cast %get3A_521 : vector<1x16xf32> to vector<16xf32>
      %add3A_523 = arith.addf %get3A_518, %get3A_522 : vector<16xf32>
      %swap3A_524 = arith.index_cast %scan3A_26 : i32 to index
      %swap3A_525 = arith.constant 560 : index
      %swap3A_526 = tpu.vector_load %arg8[%swap3A_524, %swap3A_525] {strides = array<i32>} : memref<64x768xf32, #tpu.memory_space<vmem>>, vector<1x16xf32>,
      %swap3A_527 = vector.shape_cast %swap3A_526 : vector<1x16xf32> to vector<16xf32>
      %swap3A_528 = vector.shape_cast %add3A_523 : vector<16xf32> to vector<1x16xf32>
      tpu.vector_store %arg8[%swap3A_524, %swap3A_525], %swap3A_528 {strides = array<i32>} : memref<64x768xf32, #tpu.memory_space<vmem>>, vector<1x16xf32>,
      %get3A_529 = arith.index_cast %scan3A_26 : i32 to index
      %get3A_530 = arith.constant 576 : index
      %get3A_531 = tpu.vector_load %arg8[%get3A_529, %get3A_530] {strides = array<i32>} : memref<64x768xf32, #tpu.memory_space<vmem>>, vector<1x16xf32>,
      %get3A_532 = vector.shape_cast %get3A_531 : vector<1x16xf32> to vector<16xf32>
      %get3A_533 = arith.index_cast %scan3A_26 : i32 to index
      %get3A_534 = arith.constant 576 : index
      %get3A_535 = tpu.vector_load %arg9[%get3A_533, %get3A_534] {strides = array<i32>} : memref<64x768xf32, #tpu.memory_space<vmem>>, vector<1x16xf32>,
      %get3A_536 = vector.shape_cast %get3A_535 : vector<1x16xf32> to vector<16xf32>
      %add3A_537 = arith.addf %get3A_532, %get3A_536 : vector<16xf32>
      %swap3A_538 = arith.index_cast %scan3A_26 : i32 to index
      %swap3A_539 = arith.constant 576 : index
      %swap3A_540 = tpu.vector_load %arg8[%swap3A_538, %swap3A_539] {strides = array<i32>} : memref<64x768xf32, #tpu.memory_space<vmem>>, vector<1x16xf32>,
      %swap3A_541 = vector.shape_cast %swap3A_540 : vector<1x16xf32> to vector<16xf32>
      %swap3A_542 = vector.shape_cast %add3A_537 : vector<16xf32> to vector<1x16xf32>
      tpu.vector_store %arg8[%swap3A_538, %swap3A_539], %swap3A_542 {strides = array<i32>} : memref<64x768xf32, #tpu.memory_space<vmem>>, vector<1x16xf32>,
      %get3A_543 = arith.index_cast %scan3A_26 : i32 to index
      %get3A_544 = arith.constant 592 : index
      %get3A_545 = tpu.vector_load %arg8[%get3A_543, %get3A_544] {strides = array<i32>} : memref<64x768xf32, #tpu.memory_space<vmem>>, vector<1x16xf32>,
      %get3A_546 = vector.shape_cast %get3A_545 : vector<1x16xf32> to vector<16xf32>
      %get3A_547 = arith.index_cast %scan3A_26 : i32 to index
      %get3A_548 = arith.constant 592 : index
      %get3A_549 = tpu.vector_load %arg9[%get3A_547, %get3A_548] {strides = array<i32>} : memref<64x768xf32, #tpu.memory_space<vmem>>, vector<1x16xf32>,
      %get3A_550 = vector.shape_cast %get3A_549 : vector<1x16xf32> to vector<16xf32>
      %add3A_551 = arith.addf %get3A_546, %get3A_550 : vector<16xf32>
      %swap3A_552 = arith.index_cast %scan3A_26 : i32 to index
      %swap3A_553 = arith.constant 592 : index
      %swap3A_554 = tpu.vector_load %arg8[%swap3A_552, %swap3A_553] {strides = array<i32>} : memref<64x768xf32, #tpu.memory_space<vmem>>, vector<1x16xf32>,
      %swap3A_555 = vector.shape_cast %swap3A_554 : vector<1x16xf32> to vector<16xf32>
      %swap3A_556 = vector.shape_cast %add3A_551 : vector<16xf32> to vector<1x16xf32>
      tpu.vector_store %arg8[%swap3A_552, %swap3A_553], %swap3A_556 {strides = array<i32>} : memref<64x768xf32, #tpu.memory_space<vmem>>, vector<1x16xf32>,
      %get3A_557 = arith.index_cast %scan3A_26 : i32 to index
      %get3A_558 = arith.constant 608 : index
      %get3A_559 = tpu.vector_load %arg8[%get3A_557, %get3A_558] {strides = array<i32>} : memref<64x768xf32, #tpu.memory_space<vmem>>, vector<1x16xf32>,
      %get3A_560 = vector.shape_cast %get3A_559 : vector<1x16xf32> to vector<16xf32>
      %get3A_561 = arith.index_cast %scan3A_26 : i32 to index
      %get3A_562 = arith.constant 608 : index
      %get3A_563 = tpu.vector_load %arg9[%get3A_561, %get3A_562] {strides = array<i32>} : memref<64x768xf32, #tpu.memory_space<vmem>>, vector<1x16xf32>,
      %get3A_564 = vector.shape_cast %get3A_563 : vector<1x16xf32> to vector<16xf32>
      %add3A_565 = arith.addf %get3A_560, %get3A_564 : vector<16xf32>
      %swap3A_566 = arith.index_cast %scan3A_26 : i32 to index
      %swap3A_567 = arith.constant 608 : index
      %swap3A_568 = tpu.vector_load %arg8[%swap3A_566, %swap3A_567] {strides = array<i32>} : memref<64x768xf32, #tpu.memory_space<vmem>>, vector<1x16xf32>,
      %swap3A_569 = vector.shape_cast %swap3A_568 : vector<1x16xf32> to vector<16xf32>
      %swap3A_570 = vector.shape_cast %add3A_565 : vector<16xf32> to vector<1x16xf32>
      tpu.vector_store %arg8[%swap3A_566, %swap3A_567], %swap3A_570 {strides = array<i32>} : memref<64x768xf32, #tpu.memory_space<vmem>>, vector<1x16xf32>,
      %get3A_571 = arith.index_cast %scan3A_26 : i32 to index
      %get3A_572 = arith.constant 624 : index
      %get3A_573 = tpu.vector_load %arg8[%get3A_571, %get3A_572] {strides = array<i32>} : memref<64x768xf32, #tpu.memory_space<vmem>>, vector<1x16xf32>,
      %get3A_574 = vector.shape_cast %get3A_573 : vector<1x16xf32> to vector<16xf32>
      %get3A_575 = arith.index_cast %scan3A_26 : i32 to index
      %get3A_576 = arith.constant 624 : index
      %get3A_577 = tpu.vector_load %arg9[%get3A_575, %get3A_576] {strides = array<i32>} : memref<64x768xf32, #tpu.memory_space<vmem>>, vector<1x16xf32>,
      %get3A_578 = vector.shape_cast %get3A_577 : vector<1x16xf32> to vector<16xf32>
      %add3A_579 = arith.addf %get3A_574, %get3A_578 : vector<16xf32>
      %swap3A_580 = arith.index_cast %scan3A_26 : i32 to index
      %swap3A_581 = arith.constant 624 : index
      %swap3A_582 = tpu.vector_load %arg8[%swap3A_580, %swap3A_581] {strides = array<i32>} : memref<64x768xf32, #tpu.memory_space<vmem>>, vector<1x16xf32>,
      %swap3A_583 = vector.shape_cast %swap3A_582 : vector<1x16xf32> to vector<16xf32>
      %swap3A_584 = vector.shape_cast %add3A_579 : vector<16xf32> to vector<1x16xf32>
      tpu.vector_store %arg8[%swap3A_580, %swap3A_581], %swap3A_584 {strides = array<i32>} : memref<64x768xf32, #tpu.memory_space<vmem>>, vector<1x16xf32>,
      %get3A_585 = arith.index_cast %scan3A_26 : i32 to index
      %get3A_586 = arith.constant 640 : index
      %get3A_587 = tpu.vector_load %arg8[%get3A_585, %get3A_586] {strides = array<i32>} : memref<64x768xf32, #tpu.memory_space<vmem>>, vector<1x16xf32>,
      %get3A_588 = vector.shape_cast %get3A_587 : vector<1x16xf32> to vector<16xf32>
      %get3A_589 = arith.index_cast %scan3A_26 : i32 to index
      %get3A_590 = arith.constant 640 : index
      %get3A_591 = tpu.vector_load %arg9[%get3A_589, %get3A_590] {strides = array<i32>} : memref<64x768xf32, #tpu.memory_space<vmem>>, vector<1x16xf32>,
      %get3A_592 = vector.shape_cast %get3A_591 : vector<1x16xf32> to vector<16xf32>
      %add3A_593 = arith.addf %get3A_588, %get3A_592 : vector<16xf32>
      %swap3A_594 = arith.index_cast %scan3A_26 : i32 to index
      %swap3A_595 = arith.constant 640 : index
      %swap3A_596 = tpu.vector_load %arg8[%swap3A_594, %swap3A_595] {strides = array<i32>} : memref<64x768xf32, #tpu.memory_space<vmem>>, vector<1x16xf32>,
      %swap3A_597 = vector.shape_cast %swap3A_596 : vector<1x16xf32> to vector<16xf32>
      %swap3A_598 = vector.shape_cast %add3A_593 : vector<16xf32> to vector<1x16xf32>
      tpu.vector_store %arg8[%swap3A_594, %swap3A_595], %swap3A_598 {strides = array<i32>} : memref<64x768xf32, #tpu.memory_space<vmem>>, vector<1x16xf32>,
      %get3A_599 = arith.index_cast %scan3A_26 : i32 to index
      %get3A_600 = arith.constant 656 : index
      %get3A_601 = tpu.vector_load %arg8[%get3A_599, %get3A_600] {strides = array<i32>} : memref<64x768xf32, #tpu.memory_space<vmem>>, vector<1x16xf32>,
      %get3A_602 = vector.shape_cast %get3A_601 : vector<1x16xf32> to vector<16xf32>
      %get3A_603 = arith.index_cast %scan3A_26 : i32 to index
      %get3A_604 = arith.constant 656 : index
      %get3A_605 = tpu.vector_load %arg9[%get3A_603, %get3A_604] {strides = array<i32>} : memref<64x768xf32, #tpu.memory_space<vmem>>, vector<1x16xf32>,
      %get3A_606 = vector.shape_cast %get3A_605 : vector<1x16xf32> to vector<16xf32>
      %add3A_607 = arith.addf %get3A_602, %get3A_606 : vector<16xf32>
      %swap3A_608 = arith.index_cast %scan3A_26 : i32 to index
      %swap3A_609 = arith.constant 656 : index
      %swap3A_610 = tpu.vector_load %arg8[%swap3A_608, %swap3A_609] {strides = array<i32>} : memref<64x768xf32, #tpu.memory_space<vmem>>, vector<1x16xf32>,
      %swap3A_611 = vector.shape_cast %swap3A_610 : vector<1x16xf32> to vector<16xf32>
      %swap3A_612 = vector.shape_cast %add3A_607 : vector<16xf32> to vector<1x16xf32>
      tpu.vector_store %arg8[%swap3A_608, %swap3A_609], %swap3A_612 {strides = array<i32>} : memref<64x768xf32, #tpu.memory_space<vmem>>, vector<1x16xf32>,
      %get3A_613 = arith.index_cast %scan3A_26 : i32 to index
      %get3A_614 = arith.constant 672 : index
      %get3A_615 = tpu.vector_load %arg8[%get3A_613, %get3A_614] {strides = array<i32>} : memref<64x768xf32, #tpu.memory_space<vmem>>, vector<1x16xf32>,
      %get3A_616 = vector.shape_cast %get3A_615 : vector<1x16xf32> to vector<16xf32>
      %get3A_617 = arith.index_cast %scan3A_26 : i32 to index
      %get3A_618 = arith.constant 672 : index
      %get3A_619 = tpu.vector_load %arg9[%get3A_617, %get3A_618] {strides = array<i32>} : memref<64x768xf32, #tpu.memory_space<vmem>>, vector<1x16xf32>,
      %get3A_620 = vector.shape_cast %get3A_619 : vector<1x16xf32> to vector<16xf32>
      %add3A_621 = arith.addf %get3A_616, %get3A_620 : vector<16xf32>
      %swap3A_622 = arith.index_cast %scan3A_26 : i32 to index
      %swap3A_623 = arith.constant 672 : index
      %swap3A_624 = tpu.vector_load %arg8[%swap3A_622, %swap3A_623] {strides = array<i32>} : memref<64x768xf32, #tpu.memory_space<vmem>>, vector<1x16xf32>,
      %swap3A_625 = vector.shape_cast %swap3A_624 : vector<1x16xf32> to vector<16xf32>
      %swap3A_626 = vector.shape_cast %add3A_621 : vector<16xf32> to vector<1x16xf32>
      tpu.vector_store %arg8[%swap3A_622, %swap3A_623], %swap3A_626 {strides = array<i32>} : memref<64x768xf32, #tpu.memory_space<vmem>>, vector<1x16xf32>,
      %get3A_627 = arith.index_cast %scan3A_26 : i32 to index
      %get3A_628 = arith.constant 688 : index
      %get3A_629 = tpu.vector_load %arg8[%get3A_627, %get3A_628] {strides = array<i32>} : memref<64x768xf32, #tpu.memory_space<vmem>>, vector<1x16xf32>,
      %get3A_630 = vector.shape_cast %get3A_629 : vector<1x16xf32> to vector<16xf32>
      %get3A_631 = arith.index_cast %scan3A_26 : i32 to index
      %get3A_632 = arith.constant 688 : index
      %get3A_633 = tpu.vector_load %arg9[%get3A_631, %get3A_632] {strides = array<i32>} : memref<64x768xf32, #tpu.memory_space<vmem>>, vector<1x16xf32>,
      %get3A_634 = vector.shape_cast %get3A_633 : vector<1x16xf32> to vector<16xf32>
      %add3A_635 = arith.addf %get3A_630, %get3A_634 : vector<16xf32>
      %swap3A_636 = arith.index_cast %scan3A_26 : i32 to index
      %swap3A_637 = arith.constant 688 : index
      %swap3A_638 = tpu.vector_load %arg8[%swap3A_636, %swap3A_637] {strides = array<i32>} : memref<64x768xf32, #tpu.memory_space<vmem>>, vector<1x16xf32>,
      %swap3A_639 = vector.shape_cast %swap3A_638 : vector<1x16xf32> to vector<16xf32>
      %swap3A_640 = vector.shape_cast %add3A_635 : vector<16xf32> to vector<1x16xf32>
      tpu.vector_store %arg8[%swap3A_636, %swap3A_637], %swap3A_640 {strides = array<i32>} : memref<64x768xf32, #tpu.memory_space<vmem>>, vector<1x16xf32>,
      %get3A_641 = arith.index_cast %scan3A_26 : i32 to index
      %get3A_642 = arith.constant 704 : index
      %get3A_643 = tpu.vector_load %arg8[%get3A_641, %get3A_642] {strides = array<i32>} : memref<64x768xf32, #tpu.memory_space<vmem>>, vector<1x16xf32>,
      %get3A_644 = vector.shape_cast %get3A_643 : vector<1x16xf32> to vector<16xf32>
      %get3A_645 = arith.index_cast %scan3A_26 : i32 to index
      %get3A_646 = arith.constant 704 : index
      %get3A_647 = tpu.vector_load %arg9[%get3A_645, %get3A_646] {strides = array<i32>} : memref<64x768xf32, #tpu.memory_space<vmem>>, vector<1x16xf32>,
      %get3A_648 = vector.shape_cast %get3A_647 : vector<1x16xf32> to vector<16xf32>
      %add3A_649 = arith.addf %get3A_644, %get3A_648 : vector<16xf32>
      %swap3A_650 = arith.index_cast %scan3A_26 : i32 to index
      %swap3A_651 = arith.constant 704 : index
      %swap3A_652 = tpu.vector_load %arg8[%swap3A_650, %swap3A_651] {strides = array<i32>} : memref<64x768xf32, #tpu.memory_space<vmem>>, vector<1x16xf32>,
      %swap3A_653 = vector.shape_cast %swap3A_652 : vector<1x16xf32> to vector<16xf32>
      %swap3A_654 = vector.shape_cast %add3A_649 : vector<16xf32> to vector<1x16xf32>
      tpu.vector_store %arg8[%swap3A_650, %swap3A_651], %swap3A_654 {strides = array<i32>} : memref<64x768xf32, #tpu.memory_space<vmem>>, vector<1x16xf32>,
      %get3A_655 = arith.index_cast %scan3A_26 : i32 to index
      %get3A_656 = arith.constant 720 : index
      %get3A_657 = tpu.vector_load %arg8[%get3A_655, %get3A_656] {strides = array<i32>} : memref<64x768xf32, #tpu.memory_space<vmem>>, vector<1x16xf32>,
      %get3A_658 = vector.shape_cast %get3A_657 : vector<1x16xf32> to vector<16xf32>
      %get3A_659 = arith.index_cast %scan3A_26 : i32 to index
      %get3A_660 = arith.constant 720 : index
      %get3A_661 = tpu.vector_load %arg9[%get3A_659, %get3A_660] {strides = array<i32>} : memref<64x768xf32, #tpu.memory_space<vmem>>, vector<1x16xf32>,
      %get3A_662 = vector.shape_cast %get3A_661 : vector<1x16xf32> to vector<16xf32>
      %add3A_663 = arith.addf %get3A_658, %get3A_662 : vector<16xf32>
      %swap3A_664 = arith.index_cast %scan3A_26 : i32 to index
      %swap3A_665 = arith.constant 720 : index
      %swap3A_666 = tpu.vector_load %arg8[%swap3A_664, %swap3A_665] {strides = array<i32>} : memref<64x768xf32, #tpu.memory_space<vmem>>, vector<1x16xf32>,
      %swap3A_667 = vector.shape_cast %swap3A_666 : vector<1x16xf32> to vector<16xf32>
      %swap3A_668 = vector.shape_cast %add3A_663 : vector<16xf32> to vector<1x16xf32>
      tpu.vector_store %arg8[%swap3A_664, %swap3A_665], %swap3A_668 {strides = array<i32>} : memref<64x768xf32, #tpu.memory_space<vmem>>, vector<1x16xf32>,
      %get3A_669 = arith.index_cast %scan3A_26 : i32 to index
      %get3A_670 = arith.constant 736 : index
      %get3A_671 = tpu.vector_load %arg8[%get3A_669, %get3A_670] {strides = array<i32>} : memref<64x768xf32, #tpu.memory_space<vmem>>, vector<1x16xf32>,
      %get3A_672 = vector.shape_cast %get3A_671 : vector<1x16xf32> to vector<16xf32>
      %get3A_673 = arith.index_cast %scan3A_26 : i32 to index
      %get3A_674 = arith.constant 736 : index
      %get3A_675 = tpu.vector_load %arg9[%get3A_673, %get3A_674] {strides = array<i32>} : memref<64x768xf32, #tpu.memory_space<vmem>>, vector<1x16xf32>,
      %get3A_676 = vector.shape_cast %get3A_675 : vector<1x16xf32> to vector<16xf32>
      %add3A_677 = arith.addf %get3A_672, %get3A_676 : vector<16xf32>
      %swap3A_678 = arith.index_cast %scan3A_26 : i32 to index
      %swap3A_679 = arith.constant 736 : index
      %swap3A_680 = tpu.vector_load %arg8[%swap3A_678, %swap3A_679] {strides = array<i32>} : memref<64x768xf32, #tpu.memory_space<vmem>>, vector<1x16xf32>,
      %swap3A_681 = vector.shape_cast %swap3A_680 : vector<1x16xf32> to vector<16xf32>
      %swap3A_682 = vector.shape_cast %add3A_677 : vector<16xf32> to vector<1x16xf32>
      tpu.vector_store %arg8[%swap3A_678, %swap3A_679], %swap3A_682 {strides = array<i32>} : memref<64x768xf32, #tpu.memory_space<vmem>>, vector<1x16xf32>,
      %get3A_683 = arith.index_cast %scan3A_26 : i32 to index
      %get3A_684 = arith.constant 752 : index
      %get3A_685 = tpu.vector_load %arg8[%get3A_683, %get3A_684] {strides = array<i32>} : memref<64x768xf32, #tpu.memory_space<vmem>>, vector<1x16xf32>,
      %get3A_686 = vector.shape_cast %get3A_685 : vector<1x16xf32> to vector<16xf32>
      %get3A_687 = arith.index_cast %scan3A_26 : i32 to index
      %get3A_688 = arith.constant 752 : index
      %get3A_689 = tpu.vector_load %arg9[%get3A_687, %get3A_688] {strides = array<i32>} : memref<64x768xf32, #tpu.memory_space<vmem>>, vector<1x16xf32>,
      %get3A_690 = vector.shape_cast %get3A_689 : vector<1x16xf32> to vector<16xf32>
      %add3A_691 = arith.addf %get3A_686, %get3A_690 : vector<16xf32>
      %swap3A_692 = arith.index_cast %scan3A_26 : i32 to index
      %swap3A_693 = arith.constant 752 : index
      %swap3A_694 = tpu.vector_load %arg8[%swap3A_692, %swap3A_693] {strides = array<i32>} : memref<64x768xf32, #tpu.memory_space<vmem>>, vector<1x16xf32>,
      %swap3A_695 = vector.shape_cast %swap3A_694 : vector<1x16xf32> to vector<16xf32>
      %swap3A_696 = vector.shape_cast %add3A_691 : vector<16xf32> to vector<1x16xf32>
      tpu.vector_store %arg8[%swap3A_692, %swap3A_693], %swap3A_696 {strides = array<i32>} : memref<64x768xf32, #tpu.memory_space<vmem>>, vector<1x16xf32>,
    }
    %scan3A_25 = arith.constant 64 : i32
    "tpu.region"() ({
      %run_scoped3A = tpu.sem_alloc : memref<!tpu.dma_semaphore, #tpu.memory_space<semaphore_mem>>
      %dma_start3A_26 = arith.constant 0 : i32
      %dma_start3A_27 = tpu.memref_slice %arg5[%mul3A_2, %dma_start3A_26] : memref<2048x768xf32, #tpu.memory_space<hbm>> -> memref<64x768xf32, #tpu.memory_space<hbm>>
      %dma_start3A_28 = arith.constant 0 : i32
      %dma_start3A_29 = tpu.memref_slice %arg5[%mul3A_2, %dma_start3A_28] : memref<2048x768xf32, #tpu.memory_space<hbm>> -> memref<64x768xf32, #tpu.memory_space<hbm>>
      tpu.enqueue_dma source(%arg8 : memref<64x768xf32, #tpu.memory_space<vmem>>) target(%dma_start3A_29 : memref<64x768xf32, #tpu.memory_space<hbm>>) target_semaphore(%run_scoped3A : memref<!tpu.dma_semaphore, #tpu.memory_space<semaphore_mem>>)
      %dma_wait3A_30 = arith.constant 0 : i32
      %dma_wait3A_31 = tpu.memref_slice %arg5[%mul3A_2, %dma_wait3A_30] : memref<2048x768xf32, #tpu.memory_space<hbm>> -> memref<64x768xf32, #tpu.memory_space<hbm>>
      %dma_wait3A_32 = arith.constant 0 : i32
      %dma_wait3A_33 = tpu.memref_slice %arg5[%mul3A_2, %dma_wait3A_32] : memref<2048x768xf32, #tpu.memory_space<hbm>> -> memref<64x768xf32, #tpu.memory_space<hbm>>
      tpu.wait_dma2 semaphore(%run_scoped3A : memref<!tpu.dma_semaphore, #tpu.memory_space<semaphore_mem>>) src(%arg8 : memref<64x768xf32, #tpu.memory_space<vmem>>) dst(%dma_wait3A_33 : memref<64x768xf32, #tpu.memory_space<hbm>>)
      tpu.yield
    }) : () -> ()
    return
  }
}

#map = affine_map<(d0, d1) -> (0)>
#map1 = affine_map<(d0, d1) -> (0, 0)>
module attributes {stable_mosaic.version = 14 : i64} {
  func.func @_dispatch_x(%arg0: i32, %arg1: i32, %arg2: memref<2048xi32, #tpu.memory_space<hbm>>, %arg3: memref<2048xi32, #tpu.memory_space<hbm>>, %arg4: memref<2048xf32, #tpu.memory_space<hbm>>, %arg5: memref<2048xf32, #tpu.memory_space<hbm>>, %arg6: memref<2048x768xf32, #tpu.memory_space<hbm>>, %arg7: memref<8192x768xf32, #tpu.memory_space<hbm>>, %arg8: memref<8192xf32, #tpu.memory_space<hbm>>, %arg9: memref<64xi32, #tpu.memory_space<vmem>>, %arg10: memref<64xi32, #tpu.memory_space<vmem>>, %arg11: memref<64xf32, #tpu.memory_space<vmem>>, %arg12: memref<64xf32, #tpu.memory_space<vmem>>, %arg13: memref<64x768xf32, #tpu.memory_space<vmem>>, %arg14: memref<!tpu.dma_semaphore, #tpu.memory_space<semaphore_mem>>, %arg15: memref<!tpu.dma_semaphore, #tpu.memory_space<semaphore_mem>>, %arg16: memref<!tpu.dma_semaphore, #tpu.memory_space<semaphore_mem>>, %arg17: memref<!tpu.dma_semaphore, #tpu.memory_space<semaphore_mem>>, %arg18: memref<!tpu.dma_semaphore, #tpu.memory_space<semaphore_mem>>) attributes {dimension_semantics = [#tpu.dimension_semantics<core_parallel>, #tpu.dimension_semantics<subcore_parallel>], iteration_bounds = array<i64: 2, 16>, scalar_prefetch = 0 : i64, scratch_operands = 10 : i64, tpu.core_type = #tpu.core_type<sc_vector_subcore>, window_params = [{transform_indices = #map}, {transform_indices = #map}, {transform_indices = #map}, {transform_indices = #map}, {transform_indices = #map1}, {transform_indices = #map1}, {transform_indices = #map}]} {
    %mul3A = arith.constant 2 : i32
    %mul3A_0 = arith.muli %arg1, %mul3A : i32
    %add3A = arith.addi %mul3A_0, %arg0 : i32
    %mul3A_1 = arith.constant 64 : i32
    %mul3A_2 = arith.muli %add3A, %mul3A_1 : i32
    %dma_start3A = tpu.memref_slice %arg2[%mul3A_2] : memref<2048xi32, #tpu.memory_space<hbm>> -> memref<64xi32, #tpu.memory_space<hbm>>
    %dma_start3A_3 = tpu.memref_slice %arg2[%mul3A_2] : memref<2048xi32, #tpu.memory_space<hbm>> -> memref<64xi32, #tpu.memory_space<hbm>>
    tpu.enqueue_dma source(%dma_start3A_3 : memref<64xi32, #tpu.memory_space<hbm>>) target(%arg9 : memref<64xi32, #tpu.memory_space<vmem>>) target_semaphore(%arg14 : memref<!tpu.dma_semaphore, #tpu.memory_space<semaphore_mem>>)
    %dma_start3A_4 = tpu.memref_slice %arg3[%mul3A_2] : memref<2048xi32, #tpu.memory_space<hbm>> -> memref<64xi32, #tpu.memory_space<hbm>>
    %dma_start3A_5 = tpu.memref_slice %arg3[%mul3A_2] : memref<2048xi32, #tpu.memory_space<hbm>> -> memref<64xi32, #tpu.memory_space<hbm>>
    tpu.enqueue_dma source(%dma_start3A_5 : memref<64xi32, #tpu.memory_space<hbm>>) target(%arg10 : memref<64xi32, #tpu.memory_space<vmem>>) target_semaphore(%arg15 : memref<!tpu.dma_semaphore, #tpu.memory_space<semaphore_mem>>)
    %dma_start3A_6 = tpu.memref_slice %arg4[%mul3A_2] : memref<2048xf32, #tpu.memory_space<hbm>> -> memref<64xf32, #tpu.memory_space<hbm>>
    %dma_start3A_7 = tpu.memref_slice %arg4[%mul3A_2] : memref<2048xf32, #tpu.memory_space<hbm>> -> memref<64xf32, #tpu.memory_space<hbm>>
    tpu.enqueue_dma source(%dma_start3A_7 : memref<64xf32, #tpu.memory_space<hbm>>) target(%arg11 : memref<64xf32, #tpu.memory_space<vmem>>) target_semaphore(%arg16 : memref<!tpu.dma_semaphore, #tpu.memory_space<semaphore_mem>>)
    %dma_start3A_8 = tpu.memref_slice %arg5[%mul3A_2] : memref<2048xf32, #tpu.memory_space<hbm>> -> memref<64xf32, #tpu.memory_space<hbm>>
    %dma_start3A_9 = tpu.memref_slice %arg5[%mul3A_2] : memref<2048xf32, #tpu.memory_space<hbm>> -> memref<64xf32, #tpu.memory_space<hbm>>
    tpu.enqueue_dma source(%dma_start3A_9 : memref<64xf32, #tpu.memory_space<hbm>>) target(%arg12 : memref<64xf32, #tpu.memory_space<vmem>>) target_semaphore(%arg17 : memref<!tpu.dma_semaphore, #tpu.memory_space<semaphore_mem>>)
    %dma_start3A_10 = arith.constant 0 : i32
    %dma_start3A_11 = tpu.memref_slice %arg6[%mul3A_2, %dma_start3A_10] : memref<2048x768xf32, #tpu.memory_space<hbm>> -> memref<64x768xf32, #tpu.memory_space<hbm>>
    %dma_start3A_12 = arith.constant 0 : i32
    %dma_start3A_13 = tpu.memref_slice %arg6[%mul3A_2, %dma_start3A_12] : memref<2048x768xf32, #tpu.memory_space<hbm>> -> memref<64x768xf32, #tpu.memory_space<hbm>>
    tpu.enqueue_dma source(%dma_start3A_13 : memref<64x768xf32, #tpu.memory_space<hbm>>) target(%arg13 : memref<64x768xf32, #tpu.memory_space<vmem>>) target_semaphore(%arg18 : memref<!tpu.dma_semaphore, #tpu.memory_space<semaphore_mem>>)
    %dma_wait3A = tpu.memref_slice %arg2[%mul3A_2] : memref<2048xi32, #tpu.memory_space<hbm>> -> memref<64xi32, #tpu.memory_space<hbm>>
    %dma_wait3A_14 = tpu.memref_slice %arg2[%mul3A_2] : memref<2048xi32, #tpu.memory_space<hbm>> -> memref<64xi32, #tpu.memory_space<hbm>>
    tpu.wait_dma2 semaphore(%arg14 : memref<!tpu.dma_semaphore, #tpu.memory_space<semaphore_mem>>) src(%dma_wait3A_14 : memref<64xi32, #tpu.memory_space<hbm>>) dst(%arg9 : memref<64xi32, #tpu.memory_space<vmem>>)
    %dma_wait3A_15 = arith.constant 0 : i32
    %dma_wait3A_16 = tpu.memref_slice %arg6[%mul3A_2, %dma_wait3A_15] : memref<2048x768xf32, #tpu.memory_space<hbm>> -> memref<64x768xf32, #tpu.memory_space<hbm>>
    %dma_wait3A_17 = arith.constant 0 : i32
    %dma_wait3A_18 = tpu.memref_slice %arg6[%mul3A_2, %dma_wait3A_17] : memref<2048x768xf32, #tpu.memory_space<hbm>> -> memref<64x768xf32, #tpu.memory_space<hbm>>
    tpu.wait_dma2 semaphore(%arg18 : memref<!tpu.dma_semaphore, #tpu.memory_space<semaphore_mem>>) src(%dma_wait3A_18 : memref<64x768xf32, #tpu.memory_space<hbm>>) dst(%arg13 : memref<64x768xf32, #tpu.memory_space<vmem>>)
    %dma_start3A_19 = arith.constant 0 : i32
    %dma_start3A_20 = arith.constant 0 : i32
    %dma_start3A_21 = tpu.memref_slice %arg7[%dma_start3A_19, %dma_start3A_20] : memref<8192x768xf32, #tpu.memory_space<hbm>> -> memref<8192x768xf32, #tpu.memory_space<hbm>>
    tpu.enqueue_indirect_dma source(%arg13 : memref<64x768xf32, #tpu.memory_space<vmem>>) target(%dma_start3A_21 : memref<8192x768xf32, #tpu.memory_space<hbm>>) offsets(%arg9 : memref<64xi32, #tpu.memory_space<vmem>>) semaphore(%arg14 : memref<!tpu.dma_semaphore, #tpu.memory_space<semaphore_mem>>)
    %dma_wait3A_22 = tpu.memref_slice %arg3[%mul3A_2] : memref<2048xi32, #tpu.memory_space<hbm>> -> memref<64xi32, #tpu.memory_space<hbm>>
    %dma_wait3A_23 = tpu.memref_slice %arg3[%mul3A_2] : memref<2048xi32, #tpu.memory_space<hbm>> -> memref<64xi32, #tpu.memory_space<hbm>>
    tpu.wait_dma2 semaphore(%arg15 : memref<!tpu.dma_semaphore, #tpu.memory_space<semaphore_mem>>) src(%dma_wait3A_23 : memref<64xi32, #tpu.memory_space<hbm>>) dst(%arg10 : memref<64xi32, #tpu.memory_space<vmem>>)
    %dma_start3A_24 = arith.constant 0 : i32
    %dma_start3A_25 = arith.constant 0 : i32
    %dma_start3A_26 = tpu.memref_slice %arg7[%dma_start3A_24, %dma_start3A_25] : memref<8192x768xf32, #tpu.memory_space<hbm>> -> memref<8192x768xf32, #tpu.memory_space<hbm>>
    tpu.enqueue_indirect_dma source(%arg13 : memref<64x768xf32, #tpu.memory_space<vmem>>) target(%dma_start3A_26 : memref<8192x768xf32, #tpu.memory_space<hbm>>) offsets(%arg10 : memref<64xi32, #tpu.memory_space<vmem>>) semaphore(%arg15 : memref<!tpu.dma_semaphore, #tpu.memory_space<semaphore_mem>>)
    %dma_wait3A_27 = tpu.memref_slice %arg4[%mul3A_2] : memref<2048xf32, #tpu.memory_space<hbm>> -> memref<64xf32, #tpu.memory_space<hbm>>
    %dma_wait3A_28 = tpu.memref_slice %arg4[%mul3A_2] : memref<2048xf32, #tpu.memory_space<hbm>> -> memref<64xf32, #tpu.memory_space<hbm>>
    tpu.wait_dma2 semaphore(%arg16 : memref<!tpu.dma_semaphore, #tpu.memory_space<semaphore_mem>>) src(%dma_wait3A_28 : memref<64xf32, #tpu.memory_space<hbm>>) dst(%arg11 : memref<64xf32, #tpu.memory_space<vmem>>)
    %dma_start3A_29 = arith.constant 0 : i32
    %dma_start3A_30 = tpu.memref_slice %arg8[%dma_start3A_29] : memref<8192xf32, #tpu.memory_space<hbm>> -> memref<8192xf32, #tpu.memory_space<hbm>>
    tpu.enqueue_indirect_dma source(%arg11 : memref<64xf32, #tpu.memory_space<vmem>>) target(%dma_start3A_30 : memref<8192xf32, #tpu.memory_space<hbm>>) offsets(%arg9 : memref<64xi32, #tpu.memory_space<vmem>>) semaphore(%arg16 : memref<!tpu.dma_semaphore, #tpu.memory_space<semaphore_mem>>)
    %dma_wait3A_31 = tpu.memref_slice %arg5[%mul3A_2] : memref<2048xf32, #tpu.memory_space<hbm>> -> memref<64xf32, #tpu.memory_space<hbm>>
    %dma_wait3A_32 = tpu.memref_slice %arg5[%mul3A_2] : memref<2048xf32, #tpu.memory_space<hbm>> -> memref<64xf32, #tpu.memory_space<hbm>>
    tpu.wait_dma2 semaphore(%arg17 : memref<!tpu.dma_semaphore, #tpu.memory_space<semaphore_mem>>) src(%dma_wait3A_32 : memref<64xf32, #tpu.memory_space<hbm>>) dst(%arg12 : memref<64xf32, #tpu.memory_space<vmem>>)
    %dma_start3A_33 = arith.constant 0 : i32
    %dma_start3A_34 = tpu.memref_slice %arg8[%dma_start3A_33] : memref<8192xf32, #tpu.memory_space<hbm>> -> memref<8192xf32, #tpu.memory_space<hbm>>
    tpu.enqueue_indirect_dma source(%arg12 : memref<64xf32, #tpu.memory_space<vmem>>) target(%dma_start3A_34 : memref<8192xf32, #tpu.memory_space<hbm>>) offsets(%arg10 : memref<64xi32, #tpu.memory_space<vmem>>) semaphore(%arg17 : memref<!tpu.dma_semaphore, #tpu.memory_space<semaphore_mem>>)
    %dma_wait3A_35 = arith.constant 0 : i32
    %dma_wait3A_36 = arith.constant 0 : i32
    %dma_wait3A_37 = tpu.memref_slice %arg7[%dma_wait3A_35, %dma_wait3A_36] : memref<8192x768xf32, #tpu.memory_space<hbm>> -> memref<8192x768xf32, #tpu.memory_space<hbm>>
    tpu.wait_indirect_dma semaphore(%arg14 : memref<!tpu.dma_semaphore, #tpu.memory_space<semaphore_mem>>) src(%arg13 : memref<64x768xf32, #tpu.memory_space<vmem>>) dst(%dma_wait3A_37 : memref<8192x768xf32, #tpu.memory_space<hbm>>)
    %dma_wait3A_38 = arith.constant 0 : i32
    %dma_wait3A_39 = arith.constant 0 : i32
    %dma_wait3A_40 = tpu.memref_slice %arg7[%dma_wait3A_38, %dma_wait3A_39] : memref<8192x768xf32, #tpu.memory_space<hbm>> -> memref<8192x768xf32, #tpu.memory_space<hbm>>
    tpu.wait_indirect_dma semaphore(%arg15 : memref<!tpu.dma_semaphore, #tpu.memory_space<semaphore_mem>>) src(%arg13 : memref<64x768xf32, #tpu.memory_space<vmem>>) dst(%dma_wait3A_40 : memref<8192x768xf32, #tpu.memory_space<hbm>>)
    %dma_wait3A_41 = arith.constant 0 : i32
    %dma_wait3A_42 = tpu.memref_slice %arg8[%dma_wait3A_41] : memref<8192xf32, #tpu.memory_space<hbm>> -> memref<8192xf32, #tpu.memory_space<hbm>>
    tpu.wait_indirect_dma semaphore(%arg16 : memref<!tpu.dma_semaphore, #tpu.memory_space<semaphore_mem>>) src(%arg11 : memref<64xf32, #tpu.memory_space<vmem>>) dst(%dma_wait3A_42 : memref<8192xf32, #tpu.memory_space<hbm>>)
    %dma_wait3A_43 = arith.constant 0 : i32
    %dma_wait3A_44 = tpu.memref_slice %arg8[%dma_wait3A_43] : memref<8192xf32, #tpu.memory_space<hbm>> -> memref<8192xf32, #tpu.memory_space<hbm>>
    tpu.wait_indirect_dma semaphore(%arg17 : memref<!tpu.dma_semaphore, #tpu.memory_space<semaphore_mem>>) src(%arg12 : memref<64xf32, #tpu.memory_space<vmem>>) dst(%dma_wait3A_44 : memref<8192xf32, #tpu.memory_space<hbm>>)
    return
  }
}

module attributes {stable_mosaic.version = 14 : i64} {
  func.func @_ffn_body(%arg0: i32, %arg1: memref<128xi32, #tpu.memory_space<smem>>, %arg2: memref<128xi32, #tpu.memory_space<smem>>, %arg3: memref<128xi32, #tpu.memory_space<smem>>, %arg4: memref<1xi32, #tpu.memory_space<smem>>, %arg5: memref<1xi32, #tpu.memory_space<smem>>, %arg6: memref<64x768xf32, #tpu.memory_space<vmem>>, %arg7: memref<64x384x768xf32, #tpu.memory_space<any>>, %arg8: memref<64x384x768xf32, #tpu.memory_space<any>>, %arg9: memref<64x768x384xf32, #tpu.memory_space<any>>, %arg10: memref<64x1xf32, #tpu.memory_space<vmem>>, %arg11: memref<64x768xf32, #tpu.memory_space<vmem>>, %arg12: memref<6x384x768xf32, #tpu.memory_space<vmem>>, %arg13: memref<6x384x768xf32, #tpu.memory_space<vmem>>, %arg14: memref<6x768x384xf32, #tpu.memory_space<vmem>>, %arg15: memref<6x!tpu.dma_semaphore, #tpu.memory_space<semaphore_mem>>, %arg16: memref<6x!tpu.dma_semaphore, #tpu.memory_space<semaphore_mem>>, %arg17: memref<6x!tpu.dma_semaphore, #tpu.memory_space<semaphore_mem>>) attributes {dimension_semantics = [#tpu.dimension_semantics<arbitrary>], iteration_bounds = array<i64: 128>, scalar_prefetch = 5 : i64, scratch_operands = 6 : i64, tpu.core_type = #tpu.core_type<tc>, window_params = [{transform_indices = @transform_0, window_bounds = array<i64: 64, 768>}, {}, {}, {}, {transform_indices = @transform_4, window_bounds = array<i64: 64, 1>}, {transform_indices = @transform_5, window_bounds = array<i64: 64, 768>}]} {
    %get3A = arith.constant 0 : index
    %get3A_0 = memref.load %arg4[%get3A] : memref<1xi32, #tpu.memory_space<smem>>
    %get3A_1 = arith.index_cast %arg0 : i32 to index
    %get3A_2 = memref.load %arg2[%get3A_1] : memref<128xi32, #tpu.memory_space<smem>>
    %rem3A = arith.constant 6 : i32
    %rem3A_3 = arith.remsi %get3A_2, %rem3A : i32
    %eq3A = arith.constant 0 : i32
    %eq3A_4 = arith.cmpi eq, %arg0, %eq3A : i32
    %convert_element_type3A = arith.extui %eq3A_4 : i1 to i32
    %cond3A = arith.constant 0 : i32
    %cond3A_5 = arith.cmpi ne, %convert_element_type3A, %cond3A : i32
    scf.if %cond3A_5 {
      %gt3A_26 = arith.constant 0 : i32
      %gt3A_27 = arith.cmpi sgt, %get3A_0, %gt3A_26 : i32
      %convert_element_type3A_28 = arith.extui %gt3A_27 : i1 to i32
      %cond3A_29 = arith.constant 0 : i32
      %cond3A_30 = arith.cmpi ne, %convert_element_type3A_28, %cond3A_29 : i32
      scf.if %cond3A_30 {
        %rem3A_56 = arith.constant 0 : i32
        %rem3A_57 = arith.constant 6 : i32
        %rem3A_58 = arith.remsi %rem3A_56, %rem3A_57 : i32
        %get3A_59 = arith.constant 0 : index
        %get3A_60 = memref.load %arg3[%get3A_59] : memref<128xi32, #tpu.memory_space<smem>>
        %dma_start3A = tpu.memref_slice %arg15[%rem3A_58] : memref<6x!tpu.dma_semaphore, #tpu.memory_space<semaphore_mem>> -> memref<1x!tpu.dma_semaphore, #tpu.memory_space<semaphore_mem>>
        %dma_start3A_61 = tpu.memref_squeeze %dma_start3A : memref<1x!tpu.dma_semaphore, #tpu.memory_space<semaphore_mem>> -> memref<!tpu.dma_semaphore, #tpu.memory_space<semaphore_mem>>
        %dma_start3A_62 = arith.constant 0 : i32
        %dma_start3A_63 = arith.constant 0 : i32
        %dma_start3A_64 = tpu.memref_slice %arg12[%rem3A_58, %dma_start3A_62, %dma_start3A_63] : memref<6x384x768xf32, #tpu.memory_space<vmem>> -> memref<1x384x768xf32, #tpu.memory_space<vmem>>
        %dma_start3A_65 = tpu.memref_squeeze %dma_start3A_64 : memref<1x384x768xf32, #tpu.memory_space<vmem>> -> memref<384x768xf32, #tpu.memory_space<vmem>>
        %dma_start3A_66 = arith.constant 0 : i32
        %dma_start3A_67 = arith.constant 0 : i32
        %dma_start3A_68 = tpu.memref_slice %arg7[%get3A_60, %dma_start3A_66, %dma_start3A_67] : memref<64x384x768xf32, #tpu.memory_space<any>> -> memref<1x384x768xf32, #tpu.memory_space<any>>
        %dma_start3A_69 = tpu.memref_squeeze %dma_start3A_68 : memref<1x384x768xf32, #tpu.memory_space<any>> -> memref<384x768xf32, #tpu.memory_space<any>>
        tpu.enqueue_dma source(%dma_start3A_69 : memref<384x768xf32, #tpu.memory_space<any>>) target(%dma_start3A_65 : memref<384x768xf32, #tpu.memory_space<vmem>>) target_semaphore(%dma_start3A_61 : memref<!tpu.dma_semaphore, #tpu.memory_space<semaphore_mem>>)
        %dma_start3A_70 = tpu.memref_slice %arg16[%rem3A_58] : memref<6x!tpu.dma_semaphore, #tpu.memory_space<semaphore_mem>> -> memref<1x!tpu.dma_semaphore, #tpu.memory_space<semaphore_mem>>
        %dma_start3A_71 = tpu.memref_squeeze %dma_start3A_70 : memref<1x!tpu.dma_semaphore, #tpu.memory_space<semaphore_mem>> -> memref<!tpu.dma_semaphore, #tpu.memory_space<semaphore_mem>>
        %dma_start3A_72 = arith.constant 0 : i32
        %dma_start3A_73 = arith.constant 0 : i32
        %dma_start3A_74 = tpu.memref_slice %arg13[%rem3A_58, %dma_start3A_72, %dma_start3A_73] : memref<6x384x768xf32, #tpu.memory_space<vmem>> -> memref<1x384x768xf32, #tpu.memory_space<vmem>>
        %dma_start3A_75 = tpu.memref_squeeze %dma_start3A_74 : memref<1x384x768xf32, #tpu.memory_space<vmem>> -> memref<384x768xf32, #tpu.memory_space<vmem>>
        %dma_start3A_76 = arith.constant 0 : i32
        %dma_start3A_77 = arith.constant 0 : i32
        %dma_start3A_78 = tpu.memref_slice %arg8[%get3A_60, %dma_start3A_76, %dma_start3A_77] : memref<64x384x768xf32, #tpu.memory_space<any>> -> memref<1x384x768xf32, #tpu.memory_space<any>>
        %dma_start3A_79 = tpu.memref_squeeze %dma_start3A_78 : memref<1x384x768xf32, #tpu.memory_space<any>> -> memref<384x768xf32, #tpu.memory_space<any>>
        tpu.enqueue_dma source(%dma_start3A_79 : memref<384x768xf32, #tpu.memory_space<any>>) target(%dma_start3A_75 : memref<384x768xf32, #tpu.memory_space<vmem>>) target_semaphore(%dma_start3A_71 : memref<!tpu.dma_semaphore, #tpu.memory_space<semaphore_mem>>)
        %dma_start3A_80 = tpu.memref_slice %arg17[%rem3A_58] : memref<6x!tpu.dma_semaphore, #tpu.memory_space<semaphore_mem>> -> memref<1x!tpu.dma_semaphore, #tpu.memory_space<semaphore_mem>>
        %dma_start3A_81 = tpu.memref_squeeze %dma_start3A_80 : memref<1x!tpu.dma_semaphore, #tpu.memory_space<semaphore_mem>> -> memref<!tpu.dma_semaphore, #tpu.memory_space<semaphore_mem>>
        %dma_start3A_82 = arith.constant 0 : i32
        %dma_start3A_83 = arith.constant 0 : i32
        %dma_start3A_84 = tpu.memref_slice %arg14[%rem3A_58, %dma_start3A_82, %dma_start3A_83] : memref<6x768x384xf32, #tpu.memory_space<vmem>> -> memref<1x768x384xf32, #tpu.memory_space<vmem>>
        %dma_start3A_85 = tpu.memref_squeeze %dma_start3A_84 : memref<1x768x384xf32, #tpu.memory_space<vmem>> -> memref<768x384xf32, #tpu.memory_space<vmem>>
        %dma_start3A_86 = arith.constant 0 : i32
        %dma_start3A_87 = arith.constant 0 : i32
        %dma_start3A_88 = tpu.memref_slice %arg9[%get3A_60, %dma_start3A_86, %dma_start3A_87] : memref<64x768x384xf32, #tpu.memory_space<any>> -> memref<1x768x384xf32, #tpu.memory_space<any>>
        %dma_start3A_89 = tpu.memref_squeeze %dma_start3A_88 : memref<1x768x384xf32, #tpu.memory_space<any>> -> memref<768x384xf32, #tpu.memory_space<any>>
        tpu.enqueue_dma source(%dma_start3A_89 : memref<768x384xf32, #tpu.memory_space<any>>) target(%dma_start3A_85 : memref<768x384xf32, #tpu.memory_space<vmem>>) target_semaphore(%dma_start3A_81 : memref<!tpu.dma_semaphore, #tpu.memory_space<semaphore_mem>>)
      } else {
      }
      %gt3A_31 = arith.constant 1 : i32
      %gt3A_32 = arith.cmpi sgt, %get3A_0, %gt3A_31 : i32
      %convert_element_type3A_33 = arith.extui %gt3A_32 : i1 to i32
      %cond3A_34 = arith.constant 0 : i32
      %cond3A_35 = arith.cmpi ne, %convert_element_type3A_33, %cond3A_34 : i32
      scf.if %cond3A_35 {
        %rem3A_56 = arith.constant 1 : i32
        %rem3A_57 = arith.constant 6 : i32
        %rem3A_58 = arith.remsi %rem3A_56, %rem3A_57 : i32
        %get3A_59 = arith.constant 1 : index
        %get3A_60 = memref.load %arg3[%get3A_59] : memref<128xi32, #tpu.memory_space<smem>>
        %dma_start3A = tpu.memref_slice %arg15[%rem3A_58] : memref<6x!tpu.dma_semaphore, #tpu.memory_space<semaphore_mem>> -> memref<1x!tpu.dma_semaphore, #tpu.memory_space<semaphore_mem>>
        %dma_start3A_61 = tpu.memref_squeeze %dma_start3A : memref<1x!tpu.dma_semaphore, #tpu.memory_space<semaphore_mem>> -> memref<!tpu.dma_semaphore, #tpu.memory_space<semaphore_mem>>
        %dma_start3A_62 = arith.constant 0 : i32
        %dma_start3A_63 = arith.constant 0 : i32
        %dma_start3A_64 = tpu.memref_slice %arg12[%rem3A_58, %dma_start3A_62, %dma_start3A_63] : memref<6x384x768xf32, #tpu.memory_space<vmem>> -> memref<1x384x768xf32, #tpu.memory_space<vmem>>
        %dma_start3A_65 = tpu.memref_squeeze %dma_start3A_64 : memref<1x384x768xf32, #tpu.memory_space<vmem>> -> memref<384x768xf32, #tpu.memory_space<vmem>>
        %dma_start3A_66 = arith.constant 0 : i32
        %dma_start3A_67 = arith.constant 0 : i32
        %dma_start3A_68 = tpu.memref_slice %arg7[%get3A_60, %dma_start3A_66, %dma_start3A_67] : memref<64x384x768xf32, #tpu.memory_space<any>> -> memref<1x384x768xf32, #tpu.memory_space<any>>
        %dma_start3A_69 = tpu.memref_squeeze %dma_start3A_68 : memref<1x384x768xf32, #tpu.memory_space<any>> -> memref<384x768xf32, #tpu.memory_space<any>>
        tpu.enqueue_dma source(%dma_start3A_69 : memref<384x768xf32, #tpu.memory_space<any>>) target(%dma_start3A_65 : memref<384x768xf32, #tpu.memory_space<vmem>>) target_semaphore(%dma_start3A_61 : memref<!tpu.dma_semaphore, #tpu.memory_space<semaphore_mem>>)
        %dma_start3A_70 = tpu.memref_slice %arg16[%rem3A_58] : memref<6x!tpu.dma_semaphore, #tpu.memory_space<semaphore_mem>> -> memref<1x!tpu.dma_semaphore, #tpu.memory_space<semaphore_mem>>
        %dma_start3A_71 = tpu.memref_squeeze %dma_start3A_70 : memref<1x!tpu.dma_semaphore, #tpu.memory_space<semaphore_mem>> -> memref<!tpu.dma_semaphore, #tpu.memory_space<semaphore_mem>>
        %dma_start3A_72 = arith.constant 0 : i32
        %dma_start3A_73 = arith.constant 0 : i32
        %dma_start3A_74 = tpu.memref_slice %arg13[%rem3A_58, %dma_start3A_72, %dma_start3A_73] : memref<6x384x768xf32, #tpu.memory_space<vmem>> -> memref<1x384x768xf32, #tpu.memory_space<vmem>>
        %dma_start3A_75 = tpu.memref_squeeze %dma_start3A_74 : memref<1x384x768xf32, #tpu.memory_space<vmem>> -> memref<384x768xf32, #tpu.memory_space<vmem>>
        %dma_start3A_76 = arith.constant 0 : i32
        %dma_start3A_77 = arith.constant 0 : i32
        %dma_start3A_78 = tpu.memref_slice %arg8[%get3A_60, %dma_start3A_76, %dma_start3A_77] : memref<64x384x768xf32, #tpu.memory_space<any>> -> memref<1x384x768xf32, #tpu.memory_space<any>>
        %dma_start3A_79 = tpu.memref_squeeze %dma_start3A_78 : memref<1x384x768xf32, #tpu.memory_space<any>> -> memref<384x768xf32, #tpu.memory_space<any>>
        tpu.enqueue_dma source(%dma_start3A_79 : memref<384x768xf32, #tpu.memory_space<any>>) target(%dma_start3A_75 : memref<384x768xf32, #tpu.memory_space<vmem>>) target_semaphore(%dma_start3A_71 : memref<!tpu.dma_semaphore, #tpu.memory_space<semaphore_mem>>)
        %dma_start3A_80 = tpu.memref_slice %arg17[%rem3A_58] : memref<6x!tpu.dma_semaphore, #tpu.memory_space<semaphore_mem>> -> memref<1x!tpu.dma_semaphore, #tpu.memory_space<semaphore_mem>>
        %dma_start3A_81 = tpu.memref_squeeze %dma_start3A_80 : memref<1x!tpu.dma_semaphore, #tpu.memory_space<semaphore_mem>> -> memref<!tpu.dma_semaphore, #tpu.memory_space<semaphore_mem>>
        %dma_start3A_82 = arith.constant 0 : i32
        %dma_start3A_83 = arith.constant 0 : i32
        %dma_start3A_84 = tpu.memref_slice %arg14[%rem3A_58, %dma_start3A_82, %dma_start3A_83] : memref<6x768x384xf32, #tpu.memory_space<vmem>> -> memref<1x768x384xf32, #tpu.memory_space<vmem>>
        %dma_start3A_85 = tpu.memref_squeeze %dma_start3A_84 : memref<1x768x384xf32, #tpu.memory_space<vmem>> -> memref<768x384xf32, #tpu.memory_space<vmem>>
        %dma_start3A_86 = arith.constant 0 : i32
        %dma_start3A_87 = arith.constant 0 : i32
        %dma_start3A_88 = tpu.memref_slice %arg9[%get3A_60, %dma_start3A_86, %dma_start3A_87] : memref<64x768x384xf32, #tpu.memory_space<any>> -> memref<1x768x384xf32, #tpu.memory_space<any>>
        %dma_start3A_89 = tpu.memref_squeeze %dma_start3A_88 : memref<1x768x384xf32, #tpu.memory_space<any>> -> memref<768x384xf32, #tpu.memory_space<any>>
        tpu.enqueue_dma source(%dma_start3A_89 : memref<768x384xf32, #tpu.memory_space<any>>) target(%dma_start3A_85 : memref<768x384xf32, #tpu.memory_space<vmem>>) target_semaphore(%dma_start3A_81 : memref<!tpu.dma_semaphore, #tpu.memory_space<semaphore_mem>>)
      } else {
      }
      %gt3A_36 = arith.constant 2 : i32
      %gt3A_37 = arith.cmpi sgt, %get3A_0, %gt3A_36 : i32
      %convert_element_type3A_38 = arith.extui %gt3A_37 : i1 to i32
      %cond3A_39 = arith.constant 0 : i32
      %cond3A_40 = arith.cmpi ne, %convert_element_type3A_38, %cond3A_39 : i32
      scf.if %cond3A_40 {
        %rem3A_56 = arith.constant 2 : i32
        %rem3A_57 = arith.constant 6 : i32
        %rem3A_58 = arith.remsi %rem3A_56, %rem3A_57 : i32
        %get3A_59 = arith.constant 2 : index
        %get3A_60 = memref.load %arg3[%get3A_59] : memref<128xi32, #tpu.memory_space<smem>>
        %dma_start3A = tpu.memref_slice %arg15[%rem3A_58] : memref<6x!tpu.dma_semaphore, #tpu.memory_space<semaphore_mem>> -> memref<1x!tpu.dma_semaphore, #tpu.memory_space<semaphore_mem>>
        %dma_start3A_61 = tpu.memref_squeeze %dma_start3A : memref<1x!tpu.dma_semaphore, #tpu.memory_space<semaphore_mem>> -> memref<!tpu.dma_semaphore, #tpu.memory_space<semaphore_mem>>
        %dma_start3A_62 = arith.constant 0 : i32
        %dma_start3A_63 = arith.constant 0 : i32
        %dma_start3A_64 = tpu.memref_slice %arg12[%rem3A_58, %dma_start3A_62, %dma_start3A_63] : memref<6x384x768xf32, #tpu.memory_space<vmem>> -> memref<1x384x768xf32, #tpu.memory_space<vmem>>
        %dma_start3A_65 = tpu.memref_squeeze %dma_start3A_64 : memref<1x384x768xf32, #tpu.memory_space<vmem>> -> memref<384x768xf32, #tpu.memory_space<vmem>>
        %dma_start3A_66 = arith.constant 0 : i32
        %dma_start3A_67 = arith.constant 0 : i32
        %dma_start3A_68 = tpu.memref_slice %arg7[%get3A_60, %dma_start3A_66, %dma_start3A_67] : memref<64x384x768xf32, #tpu.memory_space<any>> -> memref<1x384x768xf32, #tpu.memory_space<any>>
        %dma_start3A_69 = tpu.memref_squeeze %dma_start3A_68 : memref<1x384x768xf32, #tpu.memory_space<any>> -> memref<384x768xf32, #tpu.memory_space<any>>
        tpu.enqueue_dma source(%dma_start3A_69 : memref<384x768xf32, #tpu.memory_space<any>>) target(%dma_start3A_65 : memref<384x768xf32, #tpu.memory_space<vmem>>) target_semaphore(%dma_start3A_61 : memref<!tpu.dma_semaphore, #tpu.memory_space<semaphore_mem>>)
        %dma_start3A_70 = tpu.memref_slice %arg16[%rem3A_58] : memref<6x!tpu.dma_semaphore, #tpu.memory_space<semaphore_mem>> -> memref<1x!tpu.dma_semaphore, #tpu.memory_space<semaphore_mem>>
        %dma_start3A_71 = tpu.memref_squeeze %dma_start3A_70 : memref<1x!tpu.dma_semaphore, #tpu.memory_space<semaphore_mem>> -> memref<!tpu.dma_semaphore, #tpu.memory_space<semaphore_mem>>
        %dma_start3A_72 = arith.constant 0 : i32
        %dma_start3A_73 = arith.constant 0 : i32
        %dma_start3A_74 = tpu.memref_slice %arg13[%rem3A_58, %dma_start3A_72, %dma_start3A_73] : memref<6x384x768xf32, #tpu.memory_space<vmem>> -> memref<1x384x768xf32, #tpu.memory_space<vmem>>
        %dma_start3A_75 = tpu.memref_squeeze %dma_start3A_74 : memref<1x384x768xf32, #tpu.memory_space<vmem>> -> memref<384x768xf32, #tpu.memory_space<vmem>>
        %dma_start3A_76 = arith.constant 0 : i32
        %dma_start3A_77 = arith.constant 0 : i32
        %dma_start3A_78 = tpu.memref_slice %arg8[%get3A_60, %dma_start3A_76, %dma_start3A_77] : memref<64x384x768xf32, #tpu.memory_space<any>> -> memref<1x384x768xf32, #tpu.memory_space<any>>
        %dma_start3A_79 = tpu.memref_squeeze %dma_start3A_78 : memref<1x384x768xf32, #tpu.memory_space<any>> -> memref<384x768xf32, #tpu.memory_space<any>>
        tpu.enqueue_dma source(%dma_start3A_79 : memref<384x768xf32, #tpu.memory_space<any>>) target(%dma_start3A_75 : memref<384x768xf32, #tpu.memory_space<vmem>>) target_semaphore(%dma_start3A_71 : memref<!tpu.dma_semaphore, #tpu.memory_space<semaphore_mem>>)
        %dma_start3A_80 = tpu.memref_slice %arg17[%rem3A_58] : memref<6x!tpu.dma_semaphore, #tpu.memory_space<semaphore_mem>> -> memref<1x!tpu.dma_semaphore, #tpu.memory_space<semaphore_mem>>
        %dma_start3A_81 = tpu.memref_squeeze %dma_start3A_80 : memref<1x!tpu.dma_semaphore, #tpu.memory_space<semaphore_mem>> -> memref<!tpu.dma_semaphore, #tpu.memory_space<semaphore_mem>>
        %dma_start3A_82 = arith.constant 0 : i32
        %dma_start3A_83 = arith.constant 0 : i32
        %dma_start3A_84 = tpu.memref_slice %arg14[%rem3A_58, %dma_start3A_82, %dma_start3A_83] : memref<6x768x384xf32, #tpu.memory_space<vmem>> -> memref<1x768x384xf32, #tpu.memory_space<vmem>>
        %dma_start3A_85 = tpu.memref_squeeze %dma_start3A_84 : memref<1x768x384xf32, #tpu.memory_space<vmem>> -> memref<768x384xf32, #tpu.memory_space<vmem>>
        %dma_start3A_86 = arith.constant 0 : i32
        %dma_start3A_87 = arith.constant 0 : i32
        %dma_start3A_88 = tpu.memref_slice %arg9[%get3A_60, %dma_start3A_86, %dma_start3A_87] : memref<64x768x384xf32, #tpu.memory_space<any>> -> memref<1x768x384xf32, #tpu.memory_space<any>>
        %dma_start3A_89 = tpu.memref_squeeze %dma_start3A_88 : memref<1x768x384xf32, #tpu.memory_space<any>> -> memref<768x384xf32, #tpu.memory_space<any>>
        tpu.enqueue_dma source(%dma_start3A_89 : memref<768x384xf32, #tpu.memory_space<any>>) target(%dma_start3A_85 : memref<768x384xf32, #tpu.memory_space<vmem>>) target_semaphore(%dma_start3A_81 : memref<!tpu.dma_semaphore, #tpu.memory_space<semaphore_mem>>)
      } else {
      }
      %gt3A_41 = arith.constant 3 : i32
      %gt3A_42 = arith.cmpi sgt, %get3A_0, %gt3A_41 : i32
      %convert_element_type3A_43 = arith.extui %gt3A_42 : i1 to i32
      %cond3A_44 = arith.constant 0 : i32
      %cond3A_45 = arith.cmpi ne, %convert_element_type3A_43, %cond3A_44 : i32
      scf.if %cond3A_45 {
        %rem3A_56 = arith.constant 3 : i32
        %rem3A_57 = arith.constant 6 : i32
        %rem3A_58 = arith.remsi %rem3A_56, %rem3A_57 : i32
        %get3A_59 = arith.constant 3 : index
        %get3A_60 = memref.load %arg3[%get3A_59] : memref<128xi32, #tpu.memory_space<smem>>
        %dma_start3A = tpu.memref_slice %arg15[%rem3A_58] : memref<6x!tpu.dma_semaphore, #tpu.memory_space<semaphore_mem>> -> memref<1x!tpu.dma_semaphore, #tpu.memory_space<semaphore_mem>>
        %dma_start3A_61 = tpu.memref_squeeze %dma_start3A : memref<1x!tpu.dma_semaphore, #tpu.memory_space<semaphore_mem>> -> memref<!tpu.dma_semaphore, #tpu.memory_space<semaphore_mem>>
        %dma_start3A_62 = arith.constant 0 : i32
        %dma_start3A_63 = arith.constant 0 : i32
        %dma_start3A_64 = tpu.memref_slice %arg12[%rem3A_58, %dma_start3A_62, %dma_start3A_63] : memref<6x384x768xf32, #tpu.memory_space<vmem>> -> memref<1x384x768xf32, #tpu.memory_space<vmem>>
        %dma_start3A_65 = tpu.memref_squeeze %dma_start3A_64 : memref<1x384x768xf32, #tpu.memory_space<vmem>> -> memref<384x768xf32, #tpu.memory_space<vmem>>
        %dma_start3A_66 = arith.constant 0 : i32
        %dma_start3A_67 = arith.constant 0 : i32
        %dma_start3A_68 = tpu.memref_slice %arg7[%get3A_60, %dma_start3A_66, %dma_start3A_67] : memref<64x384x768xf32, #tpu.memory_space<any>> -> memref<1x384x768xf32, #tpu.memory_space<any>>
        %dma_start3A_69 = tpu.memref_squeeze %dma_start3A_68 : memref<1x384x768xf32, #tpu.memory_space<any>> -> memref<384x768xf32, #tpu.memory_space<any>>
        tpu.enqueue_dma source(%dma_start3A_69 : memref<384x768xf32, #tpu.memory_space<any>>) target(%dma_start3A_65 : memref<384x768xf32, #tpu.memory_space<vmem>>) target_semaphore(%dma_start3A_61 : memref<!tpu.dma_semaphore, #tpu.memory_space<semaphore_mem>>)
        %dma_start3A_70 = tpu.memref_slice %arg16[%rem3A_58] : memref<6x!tpu.dma_semaphore, #tpu.memory_space<semaphore_mem>> -> memref<1x!tpu.dma_semaphore, #tpu.memory_space<semaphore_mem>>
        %dma_start3A_71 = tpu.memref_squeeze %dma_start3A_70 : memref<1x!tpu.dma_semaphore, #tpu.memory_space<semaphore_mem>> -> memref<!tpu.dma_semaphore, #tpu.memory_space<semaphore_mem>>
        %dma_start3A_72 = arith.constant 0 : i32
        %dma_start3A_73 = arith.constant 0 : i32
        %dma_start3A_74 = tpu.memref_slice %arg13[%rem3A_58, %dma_start3A_72, %dma_start3A_73] : memref<6x384x768xf32, #tpu.memory_space<vmem>> -> memref<1x384x768xf32, #tpu.memory_space<vmem>>
        %dma_start3A_75 = tpu.memref_squeeze %dma_start3A_74 : memref<1x384x768xf32, #tpu.memory_space<vmem>> -> memref<384x768xf32, #tpu.memory_space<vmem>>
        %dma_start3A_76 = arith.constant 0 : i32
        %dma_start3A_77 = arith.constant 0 : i32
        %dma_start3A_78 = tpu.memref_slice %arg8[%get3A_60, %dma_start3A_76, %dma_start3A_77] : memref<64x384x768xf32, #tpu.memory_space<any>> -> memref<1x384x768xf32, #tpu.memory_space<any>>
        %dma_start3A_79 = tpu.memref_squeeze %dma_start3A_78 : memref<1x384x768xf32, #tpu.memory_space<any>> -> memref<384x768xf32, #tpu.memory_space<any>>
        tpu.enqueue_dma source(%dma_start3A_79 : memref<384x768xf32, #tpu.memory_space<any>>) target(%dma_start3A_75 : memref<384x768xf32, #tpu.memory_space<vmem>>) target_semaphore(%dma_start3A_71 : memref<!tpu.dma_semaphore, #tpu.memory_space<semaphore_mem>>)
        %dma_start3A_80 = tpu.memref_slice %arg17[%rem3A_58] : memref<6x!tpu.dma_semaphore, #tpu.memory_space<semaphore_mem>> -> memref<1x!tpu.dma_semaphore, #tpu.memory_space<semaphore_mem>>
        %dma_start3A_81 = tpu.memref_squeeze %dma_start3A_80 : memref<1x!tpu.dma_semaphore, #tpu.memory_space<semaphore_mem>> -> memref<!tpu.dma_semaphore, #tpu.memory_space<semaphore_mem>>
        %dma_start3A_82 = arith.constant 0 : i32
        %dma_start3A_83 = arith.constant 0 : i32
        %dma_start3A_84 = tpu.memref_slice %arg14[%rem3A_58, %dma_start3A_82, %dma_start3A_83] : memref<6x768x384xf32, #tpu.memory_space<vmem>> -> memref<1x768x384xf32, #tpu.memory_space<vmem>>
        %dma_start3A_85 = tpu.memref_squeeze %dma_start3A_84 : memref<1x768x384xf32, #tpu.memory_space<vmem>> -> memref<768x384xf32, #tpu.memory_space<vmem>>
        %dma_start3A_86 = arith.constant 0 : i32
        %dma_start3A_87 = arith.constant 0 : i32
        %dma_start3A_88 = tpu.memref_slice %arg9[%get3A_60, %dma_start3A_86, %dma_start3A_87] : memref<64x768x384xf32, #tpu.memory_space<any>> -> memref<1x768x384xf32, #tpu.memory_space<any>>
        %dma_start3A_89 = tpu.memref_squeeze %dma_start3A_88 : memref<1x768x384xf32, #tpu.memory_space<any>> -> memref<768x384xf32, #tpu.memory_space<any>>
        tpu.enqueue_dma source(%dma_start3A_89 : memref<768x384xf32, #tpu.memory_space<any>>) target(%dma_start3A_85 : memref<768x384xf32, #tpu.memory_space<vmem>>) target_semaphore(%dma_start3A_81 : memref<!tpu.dma_semaphore, #tpu.memory_space<semaphore_mem>>)
      } else {
      }
      %gt3A_46 = arith.constant 4 : i32
      %gt3A_47 = arith.cmpi sgt, %get3A_0, %gt3A_46 : i32
      %convert_element_type3A_48 = arith.extui %gt3A_47 : i1 to i32
      %cond3A_49 = arith.constant 0 : i32
      %cond3A_50 = arith.cmpi ne, %convert_element_type3A_48, %cond3A_49 : i32
      scf.if %cond3A_50 {
        %rem3A_56 = arith.constant 4 : i32
        %rem3A_57 = arith.constant 6 : i32
        %rem3A_58 = arith.remsi %rem3A_56, %rem3A_57 : i32
        %get3A_59 = arith.constant 4 : index
        %get3A_60 = memref.load %arg3[%get3A_59] : memref<128xi32, #tpu.memory_space<smem>>
        %dma_start3A = tpu.memref_slice %arg15[%rem3A_58] : memref<6x!tpu.dma_semaphore, #tpu.memory_space<semaphore_mem>> -> memref<1x!tpu.dma_semaphore, #tpu.memory_space<semaphore_mem>>
        %dma_start3A_61 = tpu.memref_squeeze %dma_start3A : memref<1x!tpu.dma_semaphore, #tpu.memory_space<semaphore_mem>> -> memref<!tpu.dma_semaphore, #tpu.memory_space<semaphore_mem>>
        %dma_start3A_62 = arith.constant 0 : i32
        %dma_start3A_63 = arith.constant 0 : i32
        %dma_start3A_64 = tpu.memref_slice %arg12[%rem3A_58, %dma_start3A_62, %dma_start3A_63] : memref<6x384x768xf32, #tpu.memory_space<vmem>> -> memref<1x384x768xf32, #tpu.memory_space<vmem>>
        %dma_start3A_65 = tpu.memref_squeeze %dma_start3A_64 : memref<1x384x768xf32, #tpu.memory_space<vmem>> -> memref<384x768xf32, #tpu.memory_space<vmem>>
        %dma_start3A_66 = arith.constant 0 : i32
        %dma_start3A_67 = arith.constant 0 : i32
        %dma_start3A_68 = tpu.memref_slice %arg7[%get3A_60, %dma_start3A_66, %dma_start3A_67] : memref<64x384x768xf32, #tpu.memory_space<any>> -> memref<1x384x768xf32, #tpu.memory_space<any>>
        %dma_start3A_69 = tpu.memref_squeeze %dma_start3A_68 : memref<1x384x768xf32, #tpu.memory_space<any>> -> memref<384x768xf32, #tpu.memory_space<any>>
        tpu.enqueue_dma source(%dma_start3A_69 : memref<384x768xf32, #tpu.memory_space<any>>) target(%dma_start3A_65 : memref<384x768xf32, #tpu.memory_space<vmem>>) target_semaphore(%dma_start3A_61 : memref<!tpu.dma_semaphore, #tpu.memory_space<semaphore_mem>>)
        %dma_start3A_70 = tpu.memref_slice %arg16[%rem3A_58] : memref<6x!tpu.dma_semaphore, #tpu.memory_space<semaphore_mem>> -> memref<1x!tpu.dma_semaphore, #tpu.memory_space<semaphore_mem>>
        %dma_start3A_71 = tpu.memref_squeeze %dma_start3A_70 : memref<1x!tpu.dma_semaphore, #tpu.memory_space<semaphore_mem>> -> memref<!tpu.dma_semaphore, #tpu.memory_space<semaphore_mem>>
        %dma_start3A_72 = arith.constant 0 : i32
        %dma_start3A_73 = arith.constant 0 : i32
        %dma_start3A_74 = tpu.memref_slice %arg13[%rem3A_58, %dma_start3A_72, %dma_start3A_73] : memref<6x384x768xf32, #tpu.memory_space<vmem>> -> memref<1x384x768xf32, #tpu.memory_space<vmem>>
        %dma_start3A_75 = tpu.memref_squeeze %dma_start3A_74 : memref<1x384x768xf32, #tpu.memory_space<vmem>> -> memref<384x768xf32, #tpu.memory_space<vmem>>
        %dma_start3A_76 = arith.constant 0 : i32
        %dma_start3A_77 = arith.constant 0 : i32
        %dma_start3A_78 = tpu.memref_slice %arg8[%get3A_60, %dma_start3A_76, %dma_start3A_77] : memref<64x384x768xf32, #tpu.memory_space<any>> -> memref<1x384x768xf32, #tpu.memory_space<any>>
        %dma_start3A_79 = tpu.memref_squeeze %dma_start3A_78 : memref<1x384x768xf32, #tpu.memory_space<any>> -> memref<384x768xf32, #tpu.memory_space<any>>
        tpu.enqueue_dma source(%dma_start3A_79 : memref<384x768xf32, #tpu.memory_space<any>>) target(%dma_start3A_75 : memref<384x768xf32, #tpu.memory_space<vmem>>) target_semaphore(%dma_start3A_71 : memref<!tpu.dma_semaphore, #tpu.memory_space<semaphore_mem>>)
        %dma_start3A_80 = tpu.memref_slice %arg17[%rem3A_58] : memref<6x!tpu.dma_semaphore, #tpu.memory_space<semaphore_mem>> -> memref<1x!tpu.dma_semaphore, #tpu.memory_space<semaphore_mem>>
        %dma_start3A_81 = tpu.memref_squeeze %dma_start3A_80 : memref<1x!tpu.dma_semaphore, #tpu.memory_space<semaphore_mem>> -> memref<!tpu.dma_semaphore, #tpu.memory_space<semaphore_mem>>
        %dma_start3A_82 = arith.constant 0 : i32
        %dma_start3A_83 = arith.constant 0 : i32
        %dma_start3A_84 = tpu.memref_slice %arg14[%rem3A_58, %dma_start3A_82, %dma_start3A_83] : memref<6x768x384xf32, #tpu.memory_space<vmem>> -> memref<1x768x384xf32, #tpu.memory_space<vmem>>
        %dma_start3A_85 = tpu.memref_squeeze %dma_start3A_84 : memref<1x768x384xf32, #tpu.memory_space<vmem>> -> memref<768x384xf32, #tpu.memory_space<vmem>>
        %dma_start3A_86 = arith.constant 0 : i32
        %dma_start3A_87 = arith.constant 0 : i32
        %dma_start3A_88 = tpu.memref_slice %arg9[%get3A_60, %dma_start3A_86, %dma_start3A_87] : memref<64x768x384xf32, #tpu.memory_space<any>> -> memref<1x768x384xf32, #tpu.memory_space<any>>
        %dma_start3A_89 = tpu.memref_squeeze %dma_start3A_88 : memref<1x768x384xf32, #tpu.memory_space<any>> -> memref<768x384xf32, #tpu.memory_space<any>>
        tpu.enqueue_dma source(%dma_start3A_89 : memref<768x384xf32, #tpu.memory_space<any>>) target(%dma_start3A_85 : memref<768x384xf32, #tpu.memory_space<vmem>>) target_semaphore(%dma_start3A_81 : memref<!tpu.dma_semaphore, #tpu.memory_space<semaphore_mem>>)
      } else {
      }
      %gt3A_51 = arith.constant 5 : i32
      %gt3A_52 = arith.cmpi sgt, %get3A_0, %gt3A_51 : i32
      %convert_element_type3A_53 = arith.extui %gt3A_52 : i1 to i32
      %cond3A_54 = arith.constant 0 : i32
      %cond3A_55 = arith.cmpi ne, %convert_element_type3A_53, %cond3A_54 : i32
      scf.if %cond3A_55 {
        %rem3A_56 = arith.constant 5 : i32
        %rem3A_57 = arith.constant 6 : i32
        %rem3A_58 = arith.remsi %rem3A_56, %rem3A_57 : i32
        %get3A_59 = arith.constant 5 : index
        %get3A_60 = memref.load %arg3[%get3A_59] : memref<128xi32, #tpu.memory_space<smem>>
        %dma_start3A = tpu.memref_slice %arg15[%rem3A_58] : memref<6x!tpu.dma_semaphore, #tpu.memory_space<semaphore_mem>> -> memref<1x!tpu.dma_semaphore, #tpu.memory_space<semaphore_mem>>
        %dma_start3A_61 = tpu.memref_squeeze %dma_start3A : memref<1x!tpu.dma_semaphore, #tpu.memory_space<semaphore_mem>> -> memref<!tpu.dma_semaphore, #tpu.memory_space<semaphore_mem>>
        %dma_start3A_62 = arith.constant 0 : i32
        %dma_start3A_63 = arith.constant 0 : i32
        %dma_start3A_64 = tpu.memref_slice %arg12[%rem3A_58, %dma_start3A_62, %dma_start3A_63] : memref<6x384x768xf32, #tpu.memory_space<vmem>> -> memref<1x384x768xf32, #tpu.memory_space<vmem>>
        %dma_start3A_65 = tpu.memref_squeeze %dma_start3A_64 : memref<1x384x768xf32, #tpu.memory_space<vmem>> -> memref<384x768xf32, #tpu.memory_space<vmem>>
        %dma_start3A_66 = arith.constant 0 : i32
        %dma_start3A_67 = arith.constant 0 : i32
        %dma_start3A_68 = tpu.memref_slice %arg7[%get3A_60, %dma_start3A_66, %dma_start3A_67] : memref<64x384x768xf32, #tpu.memory_space<any>> -> memref<1x384x768xf32, #tpu.memory_space<any>>
        %dma_start3A_69 = tpu.memref_squeeze %dma_start3A_68 : memref<1x384x768xf32, #tpu.memory_space<any>> -> memref<384x768xf32, #tpu.memory_space<any>>
        tpu.enqueue_dma source(%dma_start3A_69 : memref<384x768xf32, #tpu.memory_space<any>>) target(%dma_start3A_65 : memref<384x768xf32, #tpu.memory_space<vmem>>) target_semaphore(%dma_start3A_61 : memref<!tpu.dma_semaphore, #tpu.memory_space<semaphore_mem>>)
        %dma_start3A_70 = tpu.memref_slice %arg16[%rem3A_58] : memref<6x!tpu.dma_semaphore, #tpu.memory_space<semaphore_mem>> -> memref<1x!tpu.dma_semaphore, #tpu.memory_space<semaphore_mem>>
        %dma_start3A_71 = tpu.memref_squeeze %dma_start3A_70 : memref<1x!tpu.dma_semaphore, #tpu.memory_space<semaphore_mem>> -> memref<!tpu.dma_semaphore, #tpu.memory_space<semaphore_mem>>
        %dma_start3A_72 = arith.constant 0 : i32
        %dma_start3A_73 = arith.constant 0 : i32
        %dma_start3A_74 = tpu.memref_slice %arg13[%rem3A_58, %dma_start3A_72, %dma_start3A_73] : memref<6x384x768xf32, #tpu.memory_space<vmem>> -> memref<1x384x768xf32, #tpu.memory_space<vmem>>
        %dma_start3A_75 = tpu.memref_squeeze %dma_start3A_74 : memref<1x384x768xf32, #tpu.memory_space<vmem>> -> memref<384x768xf32, #tpu.memory_space<vmem>>
        %dma_start3A_76 = arith.constant 0 : i32
        %dma_start3A_77 = arith.constant 0 : i32
        %dma_start3A_78 = tpu.memref_slice %arg8[%get3A_60, %dma_start3A_76, %dma_start3A_77] : memref<64x384x768xf32, #tpu.memory_space<any>> -> memref<1x384x768xf32, #tpu.memory_space<any>>
        %dma_start3A_79 = tpu.memref_squeeze %dma_start3A_78 : memref<1x384x768xf32, #tpu.memory_space<any>> -> memref<384x768xf32, #tpu.memory_space<any>>
        tpu.enqueue_dma source(%dma_start3A_79 : memref<384x768xf32, #tpu.memory_space<any>>) target(%dma_start3A_75 : memref<384x768xf32, #tpu.memory_space<vmem>>) target_semaphore(%dma_start3A_71 : memref<!tpu.dma_semaphore, #tpu.memory_space<semaphore_mem>>)
        %dma_start3A_80 = tpu.memref_slice %arg17[%rem3A_58] : memref<6x!tpu.dma_semaphore, #tpu.memory_space<semaphore_mem>> -> memref<1x!tpu.dma_semaphore, #tpu.memory_space<semaphore_mem>>
        %dma_start3A_81 = tpu.memref_squeeze %dma_start3A_80 : memref<1x!tpu.dma_semaphore, #tpu.memory_space<semaphore_mem>> -> memref<!tpu.dma_semaphore, #tpu.memory_space<semaphore_mem>>
        %dma_start3A_82 = arith.constant 0 : i32
        %dma_start3A_83 = arith.constant 0 : i32
        %dma_start3A_84 = tpu.memref_slice %arg14[%rem3A_58, %dma_start3A_82, %dma_start3A_83] : memref<6x768x384xf32, #tpu.memory_space<vmem>> -> memref<1x768x384xf32, #tpu.memory_space<vmem>>
        %dma_start3A_85 = tpu.memref_squeeze %dma_start3A_84 : memref<1x768x384xf32, #tpu.memory_space<vmem>> -> memref<768x384xf32, #tpu.memory_space<vmem>>
        %dma_start3A_86 = arith.constant 0 : i32
        %dma_start3A_87 = arith.constant 0 : i32
        %dma_start3A_88 = tpu.memref_slice %arg9[%get3A_60, %dma_start3A_86, %dma_start3A_87] : memref<64x768x384xf32, #tpu.memory_space<any>> -> memref<1x768x384xf32, #tpu.memory_space<any>>
        %dma_start3A_89 = tpu.memref_squeeze %dma_start3A_88 : memref<1x768x384xf32, #tpu.memory_space<any>> -> memref<768x384xf32, #tpu.memory_space<any>>
        tpu.enqueue_dma source(%dma_start3A_89 : memref<768x384xf32, #tpu.memory_space<any>>) target(%dma_start3A_85 : memref<768x384xf32, #tpu.memory_space<vmem>>) target_semaphore(%dma_start3A_81 : memref<!tpu.dma_semaphore, #tpu.memory_space<semaphore_mem>>)
      } else {
      }
    } else {
    }
    %gt3A = arith.constant 0 : i32
    %gt3A_6 = arith.cmpi sgt, %arg0, %gt3A : i32
    %get3A_7 = arith.index_cast %arg0 : i32 to index
    %get3A_8 = memref.load %arg1[%get3A_7] : memref<128xi32, #tpu.memory_space<smem>>
    %eq3A_9 = arith.constant 1 : i32
    %eq3A_10 = arith.cmpi eq, %get3A_8, %eq3A_9 : i32
    %and3A = arith.andi %gt3A_6, %eq3A_10 : i1
    %convert_element_type3A_11 = arith.extui %and3A : i1 to i32
    %cond3A_12 = arith.constant 0 : i32
    %cond3A_13 = arith.cmpi ne, %convert_element_type3A_11, %cond3A_12 : i32
    scf.if %cond3A_13 {
      %add3A = arith.constant 5 : i32
      %add3A_26 = arith.addi %get3A_2, %add3A : i32
      %lt3A_27 = arith.cmpi slt, %add3A_26, %get3A_0 : i32
      %convert_element_type3A_28 = arith.extui %lt3A_27 : i1 to i32
      %cond3A_29 = arith.constant 0 : i32
      %cond3A_30 = arith.cmpi ne, %convert_element_type3A_28, %cond3A_29 : i32
      scf.if %cond3A_30 {
        %rem3A_31 = arith.constant 6 : i32
        %rem3A_32 = arith.remsi %add3A_26, %rem3A_31 : i32
        %get3A_33 = arith.index_cast %add3A_26 : i32 to index
        %get3A_34 = memref.load %arg3[%get3A_33] : memref<128xi32, #tpu.memory_space<smem>>
        %dma_start3A = tpu.memref_slice %arg15[%rem3A_32] : memref<6x!tpu.dma_semaphore, #tpu.memory_space<semaphore_mem>> -> memref<1x!tpu.dma_semaphore, #tpu.memory_space<semaphore_mem>>
        %dma_start3A_35 = tpu.memref_squeeze %dma_start3A : memref<1x!tpu.dma_semaphore, #tpu.memory_space<semaphore_mem>> -> memref<!tpu.dma_semaphore, #tpu.memory_space<semaphore_mem>>
        %dma_start3A_36 = arith.constant 0 : i32
        %dma_start3A_37 = arith.constant 0 : i32
        %dma_start3A_38 = tpu.memref_slice %arg12[%rem3A_32, %dma_start3A_36, %dma_start3A_37] : memref<6x384x768xf32, #tpu.memory_space<vmem>> -> memref<1x384x768xf32, #tpu.memory_space<vmem>>
        %dma_start3A_39 = tpu.memref_squeeze %dma_start3A_38 : memref<1x384x768xf32, #tpu.memory_space<vmem>> -> memref<384x768xf32, #tpu.memory_space<vmem>>
        %dma_start3A_40 = arith.constant 0 : i32
        %dma_start3A_41 = arith.constant 0 : i32
        %dma_start3A_42 = tpu.memref_slice %arg7[%get3A_34, %dma_start3A_40, %dma_start3A_41] : memref<64x384x768xf32, #tpu.memory_space<any>> -> memref<1x384x768xf32, #tpu.memory_space<any>>
        %dma_start3A_43 = tpu.memref_squeeze %dma_start3A_42 : memref<1x384x768xf32, #tpu.memory_space<any>> -> memref<384x768xf32, #tpu.memory_space<any>>
        tpu.enqueue_dma source(%dma_start3A_43 : memref<384x768xf32, #tpu.memory_space<any>>) target(%dma_start3A_39 : memref<384x768xf32, #tpu.memory_space<vmem>>) target_semaphore(%dma_start3A_35 : memref<!tpu.dma_semaphore, #tpu.memory_space<semaphore_mem>>)
        %dma_start3A_44 = tpu.memref_slice %arg16[%rem3A_32] : memref<6x!tpu.dma_semaphore, #tpu.memory_space<semaphore_mem>> -> memref<1x!tpu.dma_semaphore, #tpu.memory_space<semaphore_mem>>
        %dma_start3A_45 = tpu.memref_squeeze %dma_start3A_44 : memref<1x!tpu.dma_semaphore, #tpu.memory_space<semaphore_mem>> -> memref<!tpu.dma_semaphore, #tpu.memory_space<semaphore_mem>>
        %dma_start3A_46 = arith.constant 0 : i32
        %dma_start3A_47 = arith.constant 0 : i32
        %dma_start3A_48 = tpu.memref_slice %arg13[%rem3A_32, %dma_start3A_46, %dma_start3A_47] : memref<6x384x768xf32, #tpu.memory_space<vmem>> -> memref<1x384x768xf32, #tpu.memory_space<vmem>>
        %dma_start3A_49 = tpu.memref_squeeze %dma_start3A_48 : memref<1x384x768xf32, #tpu.memory_space<vmem>> -> memref<384x768xf32, #tpu.memory_space<vmem>>
        %dma_start3A_50 = arith.constant 0 : i32
        %dma_start3A_51 = arith.constant 0 : i32
        %dma_start3A_52 = tpu.memref_slice %arg8[%get3A_34, %dma_start3A_50, %dma_start3A_51] : memref<64x384x768xf32, #tpu.memory_space<any>> -> memref<1x384x768xf32, #tpu.memory_space<any>>
        %dma_start3A_53 = tpu.memref_squeeze %dma_start3A_52 : memref<1x384x768xf32, #tpu.memory_space<any>> -> memref<384x768xf32, #tpu.memory_space<any>>
        tpu.enqueue_dma source(%dma_start3A_53 : memref<384x768xf32, #tpu.memory_space<any>>) target(%dma_start3A_49 : memref<384x768xf32, #tpu.memory_space<vmem>>) target_semaphore(%dma_start3A_45 : memref<!tpu.dma_semaphore, #tpu.memory_space<semaphore_mem>>)
        %dma_start3A_54 = tpu.memref_slice %arg17[%rem3A_32] : memref<6x!tpu.dma_semaphore, #tpu.memory_space<semaphore_mem>> -> memref<1x!tpu.dma_semaphore, #tpu.memory_space<semaphore_mem>>
        %dma_start3A_55 = tpu.memref_squeeze %dma_start3A_54 : memref<1x!tpu.dma_semaphore, #tpu.memory_space<semaphore_mem>> -> memref<!tpu.dma_semaphore, #tpu.memory_space<semaphore_mem>>
        %dma_start3A_56 = arith.constant 0 : i32
        %dma_start3A_57 = arith.constant 0 : i32
        %dma_start3A_58 = tpu.memref_slice %arg14[%rem3A_32, %dma_start3A_56, %dma_start3A_57] : memref<6x768x384xf32, #tpu.memory_space<vmem>> -> memref<1x768x384xf32, #tpu.memory_space<vmem>>
        %dma_start3A_59 = tpu.memref_squeeze %dma_start3A_58 : memref<1x768x384xf32, #tpu.memory_space<vmem>> -> memref<768x384xf32, #tpu.memory_space<vmem>>
        %dma_start3A_60 = arith.constant 0 : i32
        %dma_start3A_61 = arith.constant 0 : i32
        %dma_start3A_62 = tpu.memref_slice %arg9[%get3A_34, %dma_start3A_60, %dma_start3A_61] : memref<64x768x384xf32, #tpu.memory_space<any>> -> memref<1x768x384xf32, #tpu.memory_space<any>>
        %dma_start3A_63 = tpu.memref_squeeze %dma_start3A_62 : memref<1x768x384xf32, #tpu.memory_space<any>> -> memref<768x384xf32, #tpu.memory_space<any>>
        tpu.enqueue_dma source(%dma_start3A_63 : memref<768x384xf32, #tpu.memory_space<any>>) target(%dma_start3A_59 : memref<768x384xf32, #tpu.memory_space<vmem>>) target_semaphore(%dma_start3A_55 : memref<!tpu.dma_semaphore, #tpu.memory_space<semaphore_mem>>)
      } else {
      }
    } else {
    }
    %get3A_14 = arith.index_cast %arg0 : i32 to index
    %get3A_15 = memref.load %arg1[%get3A_14] : memref<128xi32, #tpu.memory_space<smem>>
    %eq3A_16 = arith.constant 1 : i32
    %eq3A_17 = arith.cmpi eq, %get3A_15, %eq3A_16 : i32
    %convert_element_type3A_18 = arith.extui %eq3A_17 : i1 to i32
    %cond3A_19 = arith.constant 0 : i32
    %cond3A_20 = arith.cmpi ne, %convert_element_type3A_18, %cond3A_19 : i32
    scf.if %cond3A_20 {
      %dma_wait3A = arith.constant 0 : i32
      %dma_wait3A_26 = tpu.memref_slice %arg15[%rem3A_3] : memref<6x!tpu.dma_semaphore, #tpu.memory_space<semaphore_mem>> -> memref<1x!tpu.dma_semaphore, #tpu.memory_space<semaphore_mem>>
      %dma_wait3A_27 = tpu.memref_squeeze %dma_wait3A_26 : memref<1x!tpu.dma_semaphore, #tpu.memory_space<semaphore_mem>> -> memref<!tpu.dma_semaphore, #tpu.memory_space<semaphore_mem>>
      %dma_wait3A_28 = arith.constant 0 : i32
      %dma_wait3A_29 = arith.constant 0 : i32
      %dma_wait3A_30 = tpu.memref_slice %arg12[%rem3A_3, %dma_wait3A_28, %dma_wait3A_29] : memref<6x384x768xf32, #tpu.memory_space<vmem>> -> memref<1x384x768xf32, #tpu.memory_space<vmem>>
      %dma_wait3A_31 = tpu.memref_squeeze %dma_wait3A_30 : memref<1x384x768xf32, #tpu.memory_space<vmem>> -> memref<384x768xf32, #tpu.memory_space<vmem>>
      %dma_wait3A_32 = arith.constant 0 : i32
      %dma_wait3A_33 = arith.constant 0 : i32
      %dma_wait3A_34 = tpu.memref_slice %arg7[%dma_wait3A, %dma_wait3A_32, %dma_wait3A_33] : memref<64x384x768xf32, #tpu.memory_space<any>> -> memref<1x384x768xf32, #tpu.memory_space<any>>
      %dma_wait3A_35 = tpu.memref_squeeze %dma_wait3A_34 : memref<1x384x768xf32, #tpu.memory_space<any>> -> memref<384x768xf32, #tpu.memory_space<any>>
      tpu.wait_dma2 semaphore(%dma_wait3A_27 : memref<!tpu.dma_semaphore, #tpu.memory_space<semaphore_mem>>) src(%dma_wait3A_35 : memref<384x768xf32, #tpu.memory_space<any>>) dst(%dma_wait3A_31 : memref<384x768xf32, #tpu.memory_space<vmem>>)
      %dma_wait3A_36 = arith.constant 0 : i32
      %dma_wait3A_37 = tpu.memref_slice %arg16[%rem3A_3] : memref<6x!tpu.dma_semaphore, #tpu.memory_space<semaphore_mem>> -> memref<1x!tpu.dma_semaphore, #tpu.memory_space<semaphore_mem>>
      %dma_wait3A_38 = tpu.memref_squeeze %dma_wait3A_37 : memref<1x!tpu.dma_semaphore, #tpu.memory_space<semaphore_mem>> -> memref<!tpu.dma_semaphore, #tpu.memory_space<semaphore_mem>>
      %dma_wait3A_39 = arith.constant 0 : i32
      %dma_wait3A_40 = arith.constant 0 : i32
      %dma_wait3A_41 = tpu.memref_slice %arg13[%rem3A_3, %dma_wait3A_39, %dma_wait3A_40] : memref<6x384x768xf32, #tpu.memory_space<vmem>> -> memref<1x384x768xf32, #tpu.memory_space<vmem>>
      %dma_wait3A_42 = tpu.memref_squeeze %dma_wait3A_41 : memref<1x384x768xf32, #tpu.memory_space<vmem>> -> memref<384x768xf32, #tpu.memory_space<vmem>>
      %dma_wait3A_43 = arith.constant 0 : i32
      %dma_wait3A_44 = arith.constant 0 : i32
      %dma_wait3A_45 = tpu.memref_slice %arg8[%dma_wait3A_36, %dma_wait3A_43, %dma_wait3A_44] : memref<64x384x768xf32, #tpu.memory_space<any>> -> memref<1x384x768xf32, #tpu.memory_space<any>>
      %dma_wait3A_46 = tpu.memref_squeeze %dma_wait3A_45 : memref<1x384x768xf32, #tpu.memory_space<any>> -> memref<384x768xf32, #tpu.memory_space<any>>
      tpu.wait_dma2 semaphore(%dma_wait3A_38 : memref<!tpu.dma_semaphore, #tpu.memory_space<semaphore_mem>>) src(%dma_wait3A_46 : memref<384x768xf32, #tpu.memory_space<any>>) dst(%dma_wait3A_42 : memref<384x768xf32, #tpu.memory_space<vmem>>)
      %dma_wait3A_47 = arith.constant 0 : i32
      %dma_wait3A_48 = tpu.memref_slice %arg17[%rem3A_3] : memref<6x!tpu.dma_semaphore, #tpu.memory_space<semaphore_mem>> -> memref<1x!tpu.dma_semaphore, #tpu.memory_space<semaphore_mem>>
      %dma_wait3A_49 = tpu.memref_squeeze %dma_wait3A_48 : memref<1x!tpu.dma_semaphore, #tpu.memory_space<semaphore_mem>> -> memref<!tpu.dma_semaphore, #tpu.memory_space<semaphore_mem>>
      %dma_wait3A_50 = arith.constant 0 : i32
      %dma_wait3A_51 = arith.constant 0 : i32
      %dma_wait3A_52 = tpu.memref_slice %arg14[%rem3A_3, %dma_wait3A_50, %dma_wait3A_51] : memref<6x768x384xf32, #tpu.memory_space<vmem>> -> memref<1x768x384xf32, #tpu.memory_space<vmem>>
      %dma_wait3A_53 = tpu.memref_squeeze %dma_wait3A_52 : memref<1x768x384xf32, #tpu.memory_space<vmem>> -> memref<768x384xf32, #tpu.memory_space<vmem>>
      %dma_wait3A_54 = arith.constant 0 : i32
      %dma_wait3A_55 = arith.constant 0 : i32
      %dma_wait3A_56 = tpu.memref_slice %arg9[%dma_wait3A_47, %dma_wait3A_54, %dma_wait3A_55] : memref<64x768x384xf32, #tpu.memory_space<any>> -> memref<1x768x384xf32, #tpu.memory_space<any>>
      %dma_wait3A_57 = tpu.memref_squeeze %dma_wait3A_56 : memref<1x768x384xf32, #tpu.memory_space<any>> -> memref<768x384xf32, #tpu.memory_space<any>>
      tpu.wait_dma2 semaphore(%dma_wait3A_49 : memref<!tpu.dma_semaphore, #tpu.memory_space<semaphore_mem>>) src(%dma_wait3A_57 : memref<768x384xf32, #tpu.memory_space<any>>) dst(%dma_wait3A_53 : memref<768x384xf32, #tpu.memory_space<vmem>>)
    } else {
    }
    %get3A_21 = arith.constant 0 : index
    %get3A_22 = memref.load %arg5[%get3A_21] : memref<1xi32, #tpu.memory_space<smem>>
    %lt3A = arith.cmpi slt, %arg0, %get3A_22 : i32
    %convert_element_type3A_23 = arith.extui %lt3A : i1 to i32
    %cond3A_24 = arith.constant 0 : i32
    %cond3A_25 = arith.cmpi ne, %convert_element_type3A_23, %cond3A_24 : i32
    scf.if %cond3A_25 {
      %get3A_26 = arith.constant 0 : index
      %get3A_27 = arith.constant 0 : index
      %get3A_28 = vector.load %arg6[%get3A_26, %get3A_27] : memref<64x768xf32, #tpu.memory_space<vmem>>, vector<64x768xf32>
      %convert_element_type3A_29 = arith.truncf %get3A_28 : vector<64x768xf32> to vector<64x768xbf16>
      %get3A_30 = arith.index_cast %rem3A_3 : i32 to index
      %get3A_31 = arith.constant 0 : index
      %get3A_32 = arith.constant 0 : index
      %get3A_33 = vector.load %arg12[%get3A_30, %get3A_31, %get3A_32] : memref<6x384x768xf32, #tpu.memory_space<vmem>>, vector<1x384x768xf32>
      %get3A_34 = vector.shape_cast %get3A_33 : vector<1x384x768xf32> to vector<384x768xf32>
      %convert_element_type3A_35 = arith.truncf %get3A_34 : vector<384x768xf32> to vector<384x768xbf16>
      %get3A_36 = arith.index_cast %rem3A_3 : i32 to index
      %get3A_37 = arith.constant 0 : index
      %get3A_38 = arith.constant 0 : index
      %get3A_39 = vector.load %arg13[%get3A_36, %get3A_37, %get3A_38] : memref<6x384x768xf32, #tpu.memory_space<vmem>>, vector<1x384x768xf32>
      %get3A_40 = vector.shape_cast %get3A_39 : vector<1x384x768xf32> to vector<384x768xf32>
      %convert_element_type3A_41 = arith.truncf %get3A_40 : vector<384x768xf32> to vector<384x768xbf16>
      %dot_general3A = arith.constant dense<0.000000e+00> : vector<64x384xf32>
      %dot_general3A_42 = tpu.matmul %convert_element_type3A_29, %convert_element_type3A_35, %dot_general3A {dimension_numbers = #tpu.dot_dimension_numbers<[1], [1], [0], [0], [0, 0, 1, 0], [], []>, transpose_lhs_hint = false} : vector<64x768xbf16>, vector<384x768xbf16>, vector<64x384xf32> -> vector<64x384xf32>
      %dot_general3A_43 = arith.constant dense<0.000000e+00> : vector<64x384xf32>
      %dot_general3A_44 = tpu.matmul %convert_element_type3A_29, %convert_element_type3A_41, %dot_general3A_43 {dimension_numbers = #tpu.dot_dimension_numbers<[1], [1], [0], [0], [0, 0, 1, 0], [], []>, transpose_lhs_hint = false} : vector<64x768xbf16>, vector<384x768xbf16>, vector<64x384xf32> -> vector<64x384xf32>
      %neg3A = arith.constant 0.000000e+00 : f32
      %neg3A_45 = vector.broadcast %neg3A : f32 to vector<64x384xf32>
      %neg3A_46 = arith.subf %neg3A_45, %dot_general3A_42 : vector<64x384xf32>
      %exp3A = math.exp %neg3A_46 : vector<64x384xf32>
      %add3A = arith.constant 1.000000e+00 : f32
      %add3A_47 = vector.broadcast %add3A : f32 to vector<64x384xf32>
      %add3A_48 = arith.addf %add3A_47, %exp3A : vector<64x384xf32>
      %div3A = arith.constant 1.000000e+00 : f32
      %div3A_49 = vector.broadcast %div3A : f32 to vector<64x384xf32>
      %div3A_50 = arith.divf %div3A_49, %add3A_48 : vector<64x384xf32>
      %mul3A = arith.mulf %dot_general3A_42, %div3A_50 : vector<64x384xf32>
      %mul3A_51 = arith.mulf %mul3A, %dot_general3A_44 : vector<64x384xf32>
      %convert_element_type3A_52 = arith.truncf %mul3A_51 : vector<64x384xf32> to vector<64x384xbf16>
      %get3A_53 = arith.index_cast %rem3A_3 : i32 to index
      %get3A_54 = arith.constant 0 : index
      %get3A_55 = arith.constant 0 : index
      %get3A_56 = vector.load %arg14[%get3A_53, %get3A_54, %get3A_55] : memref<6x768x384xf32, #tpu.memory_space<vmem>>, vector<1x768x384xf32>
      %get3A_57 = vector.shape_cast %get3A_56 : vector<1x768x384xf32> to vector<768x384xf32>
      %convert_element_type3A_58 = arith.truncf %get3A_57 : vector<768x384xf32> to vector<768x384xbf16>
      %dot_general3A_59 = arith.constant dense<0.000000e+00> : vector<64x768xf32>
      %dot_general3A_60 = tpu.matmul %convert_element_type3A_52, %convert_element_type3A_58, %dot_general3A_59 {dimension_numbers = #tpu.dot_dimension_numbers<[1], [1], [0], [0], [0, 0, 1, 0], [], []>, transpose_lhs_hint = false} : vector<64x384xbf16>, vector<768x384xbf16>, vector<64x768xf32> -> vector<64x768xf32>
      %get3A_61 = arith.constant 0 : index
      %get3A_62 = arith.constant 0 : index
      %get3A_63 = vector.load %arg10[%get3A_61, %get3A_62] : memref<64x1xf32, #tpu.memory_space<vmem>>, vector<64x1xf32>
      %mul3A_64 = vector.broadcast %get3A_63 : vector<64x1xf32> to vector<64x768xf32>
      %mul3A_65 = arith.mulf %dot_general3A_60, %mul3A_64 : vector<64x768xf32>
      %swap3A = arith.constant 0 : index
      %swap3A_66 = arith.constant 0 : index
      %swap3A_67 = vector.load %arg11[%swap3A, %swap3A_66] : memref<64x768xf32, #tpu.memory_space<vmem>>, vector<64x768xf32>
      tpu.vector_store %arg11[%swap3A, %swap3A_66], %mul3A_65 {strides = array<i32>} : memref<64x768xf32, #tpu.memory_space<vmem>>, vector<64x768xf32>,
    } else {
    }
    return
  }
  func.func @transform_0(%arg0: i32, %arg1: memref<128xi32, #tpu.memory_space<smem>>, %arg2: memref<128xi32, #tpu.memory_space<smem>>, %arg3: memref<128xi32, #tpu.memory_space<smem>>, %arg4: memref<1xi32, #tpu.memory_space<smem>>, %arg5: memref<1xi32, #tpu.memory_space<smem>>) -> (i32, i32) {
    %get3A = arith.constant 0 : index
    %get3A_0 = memref.load %arg5[%get3A] : memref<1xi32, #tpu.memory_space<smem>>
    %sub3A = arith.constant 1 : i32
    %sub3A_1 = arith.subi %get3A_0, %sub3A : i32
    %min3A = arith.minsi %arg0, %sub3A_1 : i32
    %c0_i32 = arith.constant 0 : i32
    %c0_i32_2 = arith.constant 0 : i32
    return %min3A, %c0_i32 : i32, i32
  }
  func.func @transform_4(%arg0: i32, %arg1: memref<128xi32, #tpu.memory_space<smem>>, %arg2: memref<128xi32, #tpu.memory_space<smem>>, %arg3: memref<128xi32, #tpu.memory_space<smem>>, %arg4: memref<1xi32, #tpu.memory_space<smem>>, %arg5: memref<1xi32, #tpu.memory_space<smem>>) -> (i32, i32) {
    %get3A = arith.constant 0 : index
    %get3A_0 = memref.load %arg5[%get3A] : memref<1xi32, #tpu.memory_space<smem>>
    %sub3A = arith.constant 1 : i32
    %sub3A_1 = arith.subi %get3A_0, %sub3A : i32
    %min3A = arith.minsi %arg0, %sub3A_1 : i32
    %c0_i32 = arith.constant 0 : i32
    %c0_i32_2 = arith.constant 0 : i32
    return %min3A, %c0_i32 : i32, i32
  }
  func.func @transform_5(%arg0: i32, %arg1: memref<128xi32, #tpu.memory_space<smem>>, %arg2: memref<128xi32, #tpu.memory_space<smem>>, %arg3: memref<128xi32, #tpu.memory_space<smem>>, %arg4: memref<1xi32, #tpu.memory_space<smem>>, %arg5: memref<1xi32, #tpu.memory_space<smem>>) -> (i32, i32) {
    %c0_i32 = arith.constant 0 : i32
    %c0_i32_0 = arith.constant 0 : i32
    return %arg0, %c0_i32 : i32, i32
  }
}

module attributes {stable_mosaic.version = 14 : i64} {
  func.func @_route_body(%arg0: memref<2048x768xf32, #tpu.memory_space<vmem>>, %arg1: memref<64x768xf32, #tpu.memory_space<vmem>>, %arg2: memref<2048xi32, #tpu.memory_space<vmem>>, %arg3: memref<2048xi32, #tpu.memory_space<vmem>>, %arg4: memref<2048xf32, #tpu.memory_space<vmem>>, %arg5: memref<2048xf32, #tpu.memory_space<vmem>>, %arg6: memref<128xi32, #tpu.memory_space<vmem>>, %arg7: memref<128xi32, #tpu.memory_space<vmem>>, %arg8: memref<128xi32, #tpu.memory_space<vmem>>, %arg9: memref<1xi32, #tpu.memory_space<vmem>>, %arg10: memref<1xi32, #tpu.memory_space<vmem>>) attributes {dimension_semantics = [], scalar_prefetch = 0 : i64, scratch_operands = 0 : i64, tpu.core_type = #tpu.core_type<tc>} {
    %get3A = arith.constant 0 : index
    %get3A_0 = arith.constant 0 : index
    %get3A_1 = vector.load %arg0[%get3A, %get3A_0] : memref<2048x768xf32, #tpu.memory_space<vmem>>, vector<2048x768xf32>
    %get3A_2 = arith.constant 0 : index
    %get3A_3 = arith.constant 0 : index
    %get3A_4 = vector.load %arg1[%get3A_2, %get3A_3] : memref<64x768xf32, #tpu.memory_space<vmem>>, vector<64x768xf32>
    %dot_general3A = arith.constant dense<0.000000e+00> : vector<2048x64xf32>
    %dot_general3A_5 = tpu.matmul %get3A_1, %get3A_4, %dot_general3A {dimension_numbers = #tpu.dot_dimension_numbers<[1], [1], [0], [0], [0, 0, 1, 0], [], []>, transpose_lhs_hint = false} : vector<2048x768xf32>, vector<64x768xf32>, vector<2048x64xf32> -> vector<2048x64xf32>
    %iota3A = tpu.iota {dimensions = array<i32: 1>} : vector<2048x64xi32>
    %convert_element_type3A = arith.sitofp %iota3A : vector<2048x64xi32> to vector<2048x64xf32>
    %reduce_max3A = arith.constant dense<0xFF800000> : vector<2048xf32>
    %reduce_max3A_6 = vector.multi_reduction <maximumf>, %dot_general3A_5, %reduce_max3A [1] : vector<2048x64xf32> to vector<2048xf32>
    %broadcast_in_dim3A = vector.shape_cast %reduce_max3A_6 : vector<2048xf32> to vector<2048x1xf32>
    %ge3A = vector.broadcast %broadcast_in_dim3A : vector<2048x1xf32> to vector<2048x64xf32>
    %ge3A_7 = arith.cmpf oge, %dot_general3A_5, %ge3A : vector<2048x64xf32>
    %jit3A = arith.constant 6.400000e+01 : f32
    %broadcast_in_dim3A_8 = vector.broadcast %jit3A : f32 to vector<2048x64xf32>
    %select_n3A = arith.select %ge3A_7, %convert_element_type3A, %broadcast_in_dim3A_8 : vector<2048x64xi1>, vector<2048x64xf32>
    %reduce_min3A = arith.constant dense<0x7F800000> : vector<2048xf32>
    %reduce_min3A_9 = vector.multi_reduction <minimumf>, %select_n3A, %reduce_min3A [1] : vector<2048x64xf32> to vector<2048xf32>
    %broadcast_in_dim3A_10 = vector.shape_cast %reduce_min3A_9 : vector<2048xf32> to vector<2048x1xf32>
    %eq3A = vector.broadcast %broadcast_in_dim3A_10 : vector<2048x1xf32> to vector<2048x64xf32>
    %eq3A_11 = arith.cmpf oeq, %convert_element_type3A, %eq3A : vector<2048x64xf32>
    %jit3A_12 = arith.constant -1.000000e+30 : f32
    %broadcast_in_dim3A_13 = vector.broadcast %jit3A_12 : f32 to vector<2048x64xf32>
    %select_n3A_14 = arith.select %eq3A_11, %broadcast_in_dim3A_13, %dot_general3A_5 : vector<2048x64xi1>, vector<2048x64xf32>
    %reduce_max3A_15 = arith.constant dense<0xFF800000> : vector<2048xf32>
    %reduce_max3A_16 = vector.multi_reduction <maximumf>, %select_n3A_14, %reduce_max3A_15 [1] : vector<2048x64xf32> to vector<2048xf32>
    %broadcast_in_dim3A_17 = vector.shape_cast %reduce_max3A_16 : vector<2048xf32> to vector<2048x1xf32>
    %ge3A_18 = vector.broadcast %broadcast_in_dim3A_17 : vector<2048x1xf32> to vector<2048x64xf32>
    %ge3A_19 = arith.cmpf oge, %select_n3A_14, %ge3A_18 : vector<2048x64xf32>
    %jit3A_20 = arith.constant 6.400000e+01 : f32
    %broadcast_in_dim3A_21 = vector.broadcast %jit3A_20 : f32 to vector<2048x64xf32>
    %select_n3A_22 = arith.select %ge3A_19, %convert_element_type3A, %broadcast_in_dim3A_21 : vector<2048x64xi1>, vector<2048x64xf32>
    %reduce_min3A_23 = arith.constant dense<0x7F800000> : vector<2048xf32>
    %reduce_min3A_24 = vector.multi_reduction <minimumf>, %select_n3A_22, %reduce_min3A_23 [1] : vector<2048x64xf32> to vector<2048xf32>
    %broadcast_in_dim3A_25 = vector.shape_cast %reduce_min3A_24 : vector<2048xf32> to vector<2048x1xf32>
    %eq3A_26 = vector.broadcast %broadcast_in_dim3A_25 : vector<2048x1xf32> to vector<2048x64xf32>
    %eq3A_27 = arith.cmpf oeq, %convert_element_type3A, %eq3A_26 : vector<2048x64xf32>
    %sub3A = arith.subf %broadcast_in_dim3A_17, %broadcast_in_dim3A : vector<2048x1xf32>
    %exp3A = math.exp %sub3A : vector<2048x1xf32>
    %add3A = arith.constant 1.000000e+00 : f32
    %add3A_28 = vector.broadcast %add3A : f32 to vector<2048x1xf32>
    %add3A_29 = arith.addf %add3A_28, %exp3A : vector<2048x1xf32>
    %div3A = arith.constant 1.000000e+00 : f32
    %div3A_30 = vector.broadcast %div3A : f32 to vector<2048x1xf32>
    %div3A_31 = arith.divf %div3A_30, %add3A_29 : vector<2048x1xf32>
    %sub3A_32 = arith.constant 1.000000e+00 : f32
    %sub3A_33 = vector.broadcast %sub3A_32 : f32 to vector<2048x1xf32>
    %sub3A_34 = arith.subf %sub3A_33, %div3A_31 : vector<2048x1xf32>
    %convert_element_type3A_35 = arith.extui %eq3A_11 : vector<2048x64xi1> to vector<2048x64xi32>
    %convert_element_type3A_36 = arith.sitofp %convert_element_type3A_35 : vector<2048x64xi32> to vector<2048x64xf32>
    %convert_element_type3A_37 = arith.extui %eq3A_27 : vector<2048x64xi1> to vector<2048x64xi32>
    %convert_element_type3A_38 = arith.sitofp %convert_element_type3A_37 : vector<2048x64xi32> to vector<2048x64xf32>
    %iota3A_39 = tpu.iota {dimensions = array<i32: 0>} : vector<2048x2048xi32>
    %iota3A_40 = tpu.iota {dimensions = array<i32: 1>} : vector<2048x2048xi32>
    %gt3A = arith.cmpi sgt, %iota3A_39, %iota3A_40 : vector<2048x2048xi32>
    %convert_element_type3A_41 = arith.extui %gt3A : vector<2048x2048xi1> to vector<2048x2048xi32>
    %convert_element_type3A_42 = arith.sitofp %convert_element_type3A_41 : vector<2048x2048xi32> to vector<2048x2048xf32>
    %dot_general3A_43 = arith.constant dense<0.000000e+00> : vector<2048x64xf32>
    %dot_general3A_44 = tpu.matmul %convert_element_type3A_42, %convert_element_type3A_36, %dot_general3A_43 {dimension_numbers = #tpu.dot_dimension_numbers<[1], [0], [0], [1], [0, 0, 1, 1], [], []>, transpose_lhs_hint = false} : vector<2048x2048xf32>, vector<2048x64xf32>, vector<2048x64xf32> -> vector<2048x64xf32>
    %dot_general3A_45 = arith.constant dense<0.000000e+00> : vector<2048x64xf32>
    %dot_general3A_46 = tpu.matmul %convert_element_type3A_42, %convert_element_type3A_38, %dot_general3A_45 {dimension_numbers = #tpu.dot_dimension_numbers<[1], [0], [0], [1], [0, 0, 1, 1], [], []>, transpose_lhs_hint = false} : vector<2048x2048xf32>, vector<2048x64xf32>, vector<2048x64xf32> -> vector<2048x64xf32>
    %reduce_sum3A = arith.constant dense<0.000000e+00> : vector<64xf32>
    %reduce_sum3A_47 = vector.multi_reduction <add>, %convert_element_type3A_36, %reduce_sum3A [0] : vector<2048x64xf32> to vector<64xf32>
    %broadcast_in_dim3A_48 = vector.shape_cast %reduce_sum3A_47 : vector<64xf32> to vector<1x64xf32>
    %reduce_sum3A_49 = arith.constant dense<0.000000e+00> : vector<64xf32>
    %reduce_sum3A_50 = vector.multi_reduction <add>, %convert_element_type3A_38, %reduce_sum3A_49 [0] : vector<2048x64xf32> to vector<64xf32>
    %broadcast_in_dim3A_51 = vector.shape_cast %reduce_sum3A_50 : vector<64xf32> to vector<1x64xf32>
    %add3A_52 = arith.addf %broadcast_in_dim3A_48, %broadcast_in_dim3A_51 : vector<1x64xf32>
    %add3A_53 = arith.constant 6.300000e+01 : f32
    %add3A_54 = vector.broadcast %add3A_53 : f32 to vector<1x64xf32>
    %add3A_55 = arith.addf %add3A_52, %add3A_54 : vector<1x64xf32>
    %mul3A = arith.constant 1.562500e-02 : f32
    %mul3A_56 = vector.broadcast %mul3A : f32 to vector<1x64xf32>
    %mul3A_57 = arith.mulf %add3A_55, %mul3A_56 : vector<1x64xf32>
    %floor3A = math.floor %mul3A_57 : vector<1x64xf32>
    %mul3A_58 = arith.constant 6.400000e+01 : f32
    %mul3A_59 = vector.broadcast %mul3A_58 : f32 to vector<1x64xf32>
    %mul3A_60 = arith.mulf %mul3A_59, %floor3A : vector<1x64xf32>
    %iota3A_61 = tpu.iota {dimensions = array<i32: 0>} : vector<64x64xi32>
    %iota3A_62 = tpu.iota {dimensions = array<i32: 1>} : vector<64x64xi32>
    %lt3A = arith.cmpi slt, %iota3A_61, %iota3A_62 : vector<64x64xi32>
    %convert_element_type3A_63 = arith.extui %lt3A : vector<64x64xi1> to vector<64x64xi32>
    %convert_element_type3A_64 = arith.sitofp %convert_element_type3A_63 : vector<64x64xi32> to vector<64x64xf32>
    %dot_general3A_65 = arith.constant dense<0.000000e+00> : vector<1x64xf32>
    %dot_general3A_66 = tpu.matmul %mul3A_60, %convert_element_type3A_64, %dot_general3A_65 {dimension_numbers = #tpu.dot_dimension_numbers<[1], [0], [0], [1], [0, 0, 1, 1], [], []>, transpose_lhs_hint = false} : vector<1x64xf32>, vector<64x64xf32>, vector<1x64xf32> -> vector<1x64xf32>
    %mul3A_67 = arith.mulf %convert_element_type3A_36, %dot_general3A_44 : vector<2048x64xf32>
    %reduce_sum3A_68 = arith.constant dense<0.000000e+00> : vector<2048xf32>
    %reduce_sum3A_69 = vector.multi_reduction <add>, %mul3A_67, %reduce_sum3A_68 [1] : vector<2048x64xf32> to vector<2048xf32>
    %broadcast_in_dim3A_70 = vector.shape_cast %reduce_sum3A_69 : vector<2048xf32> to vector<2048x1xf32>
    %mul3A_71 = arith.mulf %convert_element_type3A_38, %dot_general3A_46 : vector<2048x64xf32>
    %reduce_sum3A_72 = arith.constant dense<0.000000e+00> : vector<2048xf32>
    %reduce_sum3A_73 = vector.multi_reduction <add>, %mul3A_71, %reduce_sum3A_72 [1] : vector<2048x64xf32> to vector<2048xf32>
    %broadcast_in_dim3A_74 = vector.shape_cast %reduce_sum3A_73 : vector<2048xf32> to vector<2048x1xf32>
    %mul3A_75 = vector.broadcast %dot_general3A_66 : vector<1x64xf32> to vector<2048x64xf32>
    %mul3A_76 = arith.mulf %convert_element_type3A_36, %mul3A_75 : vector<2048x64xf32>
    %reduce_sum3A_77 = arith.constant dense<0.000000e+00> : vector<2048xf32>
    %reduce_sum3A_78 = vector.multi_reduction <add>, %mul3A_76, %reduce_sum3A_77 [1] : vector<2048x64xf32> to vector<2048xf32>
    %broadcast_in_dim3A_79 = vector.shape_cast %reduce_sum3A_78 : vector<2048xf32> to vector<2048x1xf32>
    %add3A_80 = arith.addf %dot_general3A_66, %broadcast_in_dim3A_48 : vector<1x64xf32>
    %mul3A_81 = vector.broadcast %add3A_80 : vector<1x64xf32> to vector<2048x64xf32>
    %mul3A_82 = arith.mulf %convert_element_type3A_38, %mul3A_81 : vector<2048x64xf32>
    %reduce_sum3A_83 = arith.constant dense<0.000000e+00> : vector<2048xf32>
    %reduce_sum3A_84 = vector.multi_reduction <add>, %mul3A_82, %reduce_sum3A_83 [1] : vector<2048x64xf32> to vector<2048xf32>
    %broadcast_in_dim3A_85 = vector.shape_cast %reduce_sum3A_84 : vector<2048xf32> to vector<2048x1xf32>
    %add3A_86 = arith.addf %broadcast_in_dim3A_79, %broadcast_in_dim3A_70 : vector<2048x1xf32>
    %convert_element_type3A_87 = arith.fptosi %add3A_86 : vector<2048x1xf32> to vector<2048x1xi32>
    %squeeze3A = vector.shape_cast %convert_element_type3A_87 : vector<2048x1xi32> to vector<2048xi32>
    %swap3A = arith.constant 0 : index
    %swap3A_88 = vector.load %arg2[%swap3A] : memref<2048xi32, #tpu.memory_space<vmem>>, vector<2048xi32>
    tpu.vector_store %arg2[%swap3A], %squeeze3A {strides = array<i32>} : memref<2048xi32, #tpu.memory_space<vmem>>, vector<2048xi32>,
    %add3A_89 = arith.addf %broadcast_in_dim3A_85, %broadcast_in_dim3A_74 : vector<2048x1xf32>
    %convert_element_type3A_90 = arith.fptosi %add3A_89 : vector<2048x1xf32> to vector<2048x1xi32>
    %squeeze3A_91 = vector.shape_cast %convert_element_type3A_90 : vector<2048x1xi32> to vector<2048xi32>
    %swap3A_92 = arith.constant 0 : index
    %swap3A_93 = vector.load %arg3[%swap3A_92] : memref<2048xi32, #tpu.memory_space<vmem>>, vector<2048xi32>
    tpu.vector_store %arg3[%swap3A_92], %squeeze3A_91 {strides = array<i32>} : memref<2048xi32, #tpu.memory_space<vmem>>, vector<2048xi32>,
    %squeeze3A_94 = vector.shape_cast %div3A_31 : vector<2048x1xf32> to vector<2048xf32>
    %swap3A_95 = arith.constant 0 : index
    %swap3A_96 = vector.load %arg4[%swap3A_95] : memref<2048xf32, #tpu.memory_space<vmem>>, vector<2048xf32>
    tpu.vector_store %arg4[%swap3A_95], %squeeze3A_94 {strides = array<i32>} : memref<2048xf32, #tpu.memory_space<vmem>>, vector<2048xf32>,
    %squeeze3A_97 = vector.shape_cast %sub3A_34 : vector<2048x1xf32> to vector<2048xf32>
    %swap3A_98 = arith.constant 0 : index
    %swap3A_99 = vector.load %arg5[%swap3A_98] : memref<2048xf32, #tpu.memory_space<vmem>>, vector<2048xf32>
    tpu.vector_store %arg5[%swap3A_98], %squeeze3A_97 {strides = array<i32>} : memref<2048xf32, #tpu.memory_space<vmem>>, vector<2048xf32>,
    %iota3A_100 = tpu.iota {dimensions = array<i32: 0>} : vector<128x64xi32>
    %convert_element_type3A_101 = arith.sitofp %iota3A_100 : vector<128x64xi32> to vector<128x64xf32>
    %mul3A_102 = arith.constant 6.400000e+01 : f32
    %mul3A_103 = vector.broadcast %mul3A_102 : f32 to vector<128x64xf32>
    %mul3A_104 = arith.mulf %convert_element_type3A_101, %mul3A_103 : vector<128x64xf32>
    %iota3A_105 = tpu.iota {dimensions = array<i32: 1>} : vector<128x64xi32>
    %le3A = vector.broadcast %dot_general3A_66 : vector<1x64xf32> to vector<128x64xf32>
    %le3A_106 = arith.cmpf ole, %le3A, %mul3A_104 : vector<128x64xf32>
    %gt3A_107 = arith.constant 0.000000e+00 : f32
    %gt3A_108 = vector.broadcast %gt3A_107 : f32 to vector<1x64xf32>
    %gt3A_109 = arith.cmpf ogt, %mul3A_60, %gt3A_108 : vector<1x64xf32>
    %and3A = vector.broadcast %gt3A_109 : vector<1x64xi1> to vector<128x64xi1>
    %and3A_110 = arith.andi %le3A_106, %and3A : vector<128x64xi1>
    %jit3A_111 = arith.constant -1 : i32
    %broadcast_in_dim3A_112 = vector.broadcast %jit3A_111 : i32 to vector<128x64xi32>
    %select_n3A_113 = arith.select %and3A_110, %iota3A_105, %broadcast_in_dim3A_112 : vector<128x64xi1>, vector<128x64xi32>
    %reduce_max3A_114 = arith.constant dense<-2147483648> : vector<128xi32>
    %reduce_max3A_115 = vector.multi_reduction <maxsi>, %select_n3A_113, %reduce_max3A_114 [1] : vector<128x64xi32> to vector<128xi32>
    %broadcast_in_dim3A_116 = vector.shape_cast %reduce_max3A_115 : vector<128xi32> to vector<128x1xi32>
    %convert_element_type3A_117 = arith.sitofp %broadcast_in_dim3A_116 : vector<128x1xi32> to vector<128x1xf32>
    %broadcast_in_dim3A_118 = arith.constant -1.000000e+00 : f32
    %broadcast_in_dim3A_119 = vector.broadcast %broadcast_in_dim3A_118 : f32 to vector<1x1xf32>
    %slice3A = vector.extract_strided_slice %convert_element_type3A_117 {offsets = [0, 0], sizes = [127, 1], strides = [1, 1]} : vector<128x1xf32> to vector<127x1xf32>
    %concatenate3A = tpu.concatenate %broadcast_in_dim3A_119, %slice3A in 0 : vector<1x1xf32>, vector<127x1xf32> -> vector<128x1xf32>
    %ne3A = arith.cmpf one, %convert_element_type3A_117, %concatenate3A : vector<128x1xf32>
    %convert_element_type3A_120 = arith.extui %ne3A : vector<128x1xi1> to vector<128x1xi32>
    %convert_element_type3A_121 = arith.sitofp %convert_element_type3A_120 : vector<128x1xi32> to vector<128x1xf32>
    %iota3A_122 = tpu.iota {dimensions = array<i32: 0>} : vector<128x128xi32>
    %iota3A_123 = tpu.iota {dimensions = array<i32: 1>} : vector<128x128xi32>
    %ge3A_124 = arith.cmpi sge, %iota3A_122, %iota3A_123 : vector<128x128xi32>
    %convert_element_type3A_125 = arith.extui %ge3A_124 : vector<128x128xi1> to vector<128x128xi32>
    %convert_element_type3A_126 = arith.sitofp %convert_element_type3A_125 : vector<128x128xi32> to vector<128x128xf32>
    %dot_general3A_127 = arith.constant dense<0.000000e+00> : vector<128x1xf32>
    %dot_general3A_128 = tpu.matmul %convert_element_type3A_126, %convert_element_type3A_121, %dot_general3A_127 {dimension_numbers = #tpu.dot_dimension_numbers<[1], [0], [0], [1], [0, 0, 1, 1], [], []>, transpose_lhs_hint = false} : vector<128x128xf32>, vector<128x1xf32>, vector<128x1xf32> -> vector<128x1xf32>
    %sub3A_129 = arith.constant 1.000000e+00 : f32
    %sub3A_130 = vector.broadcast %sub3A_129 : f32 to vector<128x1xf32>
    %sub3A_131 = arith.subf %dot_general3A_128, %sub3A_130 : vector<128x1xf32>
    %iota3A_132 = tpu.iota {dimensions = array<i32: 1>} : vector<128x128xi32>
    %convert_element_type3A_133 = arith.sitofp %iota3A_132 : vector<128x128xi32> to vector<128x128xf32>
    %eq3A_134 = vector.broadcast %sub3A_131 : vector<128x1xf32> to vector<128x128xf32>
    %eq3A_135 = arith.cmpf oeq, %eq3A_134, %convert_element_type3A_133 : vector<128x128xf32>
    %convert_element_type3A_136 = arith.extui %eq3A_135 : vector<128x128xi1> to vector<128x128xi32>
    %convert_element_type3A_137 = arith.sitofp %convert_element_type3A_136 : vector<128x128xi32> to vector<128x128xf32>
    %mul3A_138 = vector.broadcast %convert_element_type3A_121 : vector<128x1xf32> to vector<128x128xf32>
    %mul3A_139 = arith.mulf %convert_element_type3A_137, %mul3A_138 : vector<128x128xf32>
    %dot_general3A_140 = arith.constant dense<0.000000e+00> : vector<128x1xf32>
    %dot_general3A_141 = tpu.matmul %mul3A_139, %convert_element_type3A_117, %dot_general3A_140 {dimension_numbers = #tpu.dot_dimension_numbers<[0], [0], [1], [1], [0, 1, 1, 1], [], []>, transpose_lhs_hint = false} : vector<128x128xf32>, vector<128x1xf32>, vector<128x1xf32> -> vector<128x1xf32>
    %convert_element_type3A_142 = arith.fptosi %convert_element_type3A_121 : vector<128x1xf32> to vector<128x1xi32>
    %squeeze3A_143 = vector.shape_cast %convert_element_type3A_142 : vector<128x1xi32> to vector<128xi32>
    %swap3A_144 = arith.constant 0 : index
    %swap3A_145 = vector.load %arg6[%swap3A_144] : memref<128xi32, #tpu.memory_space<vmem>>, vector<128xi32>
    tpu.vector_store %arg6[%swap3A_144], %squeeze3A_143 {strides = array<i32>} : memref<128xi32, #tpu.memory_space<vmem>>, vector<128xi32>,
    %convert_element_type3A_146 = arith.fptosi %sub3A_131 : vector<128x1xf32> to vector<128x1xi32>
    %squeeze3A_147 = vector.shape_cast %convert_element_type3A_146 : vector<128x1xi32> to vector<128xi32>
    %swap3A_148 = arith.constant 0 : index
    %swap3A_149 = vector.load %arg7[%swap3A_148] : memref<128xi32, #tpu.memory_space<vmem>>, vector<128xi32>
    tpu.vector_store %arg7[%swap3A_148], %squeeze3A_147 {strides = array<i32>} : memref<128xi32, #tpu.memory_space<vmem>>, vector<128xi32>,
    %convert_element_type3A_150 = arith.fptosi %dot_general3A_141 : vector<128x1xf32> to vector<128x1xi32>
    %squeeze3A_151 = vector.shape_cast %convert_element_type3A_150 : vector<128x1xi32> to vector<128xi32>
    %swap3A_152 = arith.constant 0 : index
    %swap3A_153 = vector.load %arg8[%swap3A_152] : memref<128xi32, #tpu.memory_space<vmem>>, vector<128xi32>
    tpu.vector_store %arg8[%swap3A_152], %squeeze3A_151 {strides = array<i32>} : memref<128xi32, #tpu.memory_space<vmem>>, vector<128xi32>,
    %reduce_sum3A_154 = arith.constant dense<0.000000e+00> : vector<1xf32>
    %reduce_sum3A_155 = vector.multi_reduction <add>, %convert_element_type3A_121, %reduce_sum3A_154 [0] : vector<128x1xf32> to vector<1xf32>
    %convert_element_type3A_156 = arith.fptosi %reduce_sum3A_155 : vector<1xf32> to vector<1xi32>
    %swap3A_157 = arith.constant 0 : index
    %swap3A_158 = vector.load %arg9[%swap3A_157] : memref<1xi32, #tpu.memory_space<vmem>>, vector<1xi32>
    tpu.vector_store %arg9[%swap3A_157], %convert_element_type3A_156 {strides = array<i32>} : memref<1xi32, #tpu.memory_space<vmem>>, vector<1xi32>,
    %reduce_sum3A_159 = arith.constant dense<0.000000e+00> : vector<1xf32>
    %reduce_sum3A_160 = vector.multi_reduction <add>, %mul3A_60, %reduce_sum3A_159 [1] : vector<1x64xf32> to vector<1xf32>
    %mul3A_161 = arith.constant 1.562500e-02 : f32
    %mul3A_162 = vector.broadcast %mul3A_161 : f32 to vector<1xf32>
    %mul3A_163 = arith.mulf %reduce_sum3A_160, %mul3A_162 : vector<1xf32>
    %convert_element_type3A_164 = arith.fptosi %mul3A_163 : vector<1xf32> to vector<1xi32>
    %swap3A_165 = arith.constant 0 : index
    %swap3A_166 = vector.load %arg10[%swap3A_165] : memref<1xi32, #tpu.memory_space<vmem>>, vector<1xi32>
    tpu.vector_store %arg10[%swap3A_165], %convert_element_type3A_164 {strides = array<i32>} : memref<1xi32, #tpu.memory_space<vmem>>, vector<1xi32>,
    return
  }
}

</mosaic_0001>

<sc_bundles>
// kernel: kernel.6.cloned.1.call-start
scs
__scs_entry_jumppad:
0x0: {  	(pc) =	sbr.rel $0x88, $3  }
0x1: {  	(tag) =	ssettag $0x0;
	lr =	simm.s32 $0x1  }
0x2: {  	[smem:$0x3F9C] =	sst lr;
	_ =	strace $0xD0000000  }
0x3: {  	_ = 	snop  }
0x4: {  	_ = 	snop  }
0x5: {  	_ = 	snop  }
0x6: {  	_ = 	snop  }
0x7: {  	_ = 	snop  }
__scs_overlays_trampoline_lowered:
0x8: {  	[smem:$0x3FAB] =	sst s0  }
0x9: {  	[smem:$0x3FAC] =	sst s1  }
0xa: {  	[smem:$0x3FAD] =	sst s2  }
0xb: {  	[smem:$0x3FAE] =	sst s3  }
0xc: {  	[smem:$0x3FAF] =	sst s4  }
0xd: {  	[smem:$0x3FB0] =	sst s5  }
0xe: {  	[smem:$0x3FB1] =	sst s6  }
0xf: {  	[smem:$0x3FB2] =	sst s7  }
0x10: {  	[smem:$0x3FB3] =	sst s8  }
0x11: {  	[smem:$0x3FB4] =	sst s9;
	s0 =	simm.s32 @!p0 $0x0  }
0x12: {  	s1 =	sld [smem:$0x3F9A];
	s0 =	simm.s32 @p0 $0x1  }
0x13: {  	[smem:$0x3FB5] =	sst s0;
	s0 =	simm.s32 @!p1 $0x0  }
0x14: {  	s2 =	sld [smem:$0x3F99];
	s0 =	simm.s32 @p1 $0x1  }
0x15: {  	[smem:$0x3FB6] =	sst s0;
	s0 =	simm.s32 @!p2 $0x0  }
0x16: {  	s3 =	sld [smem:$0x3FDB];
	s0 =	simm.s32 @p2 $0x1  }
0x17: {  	s4 =	simm.s32 $0x1BF5;
	[smem:$0x3FB8] =	sst s0  }
0x18: {  	s0 =	sld [smem:$0x3F9B];
	_ =	swait.ge [sflag:s4], $0x0  }
0x19: {  	s7 =	sld [smem:$0x3F9C]  }
0x1a: {  	s8 =	sadd.s32 $0xFFFFE003, lr  }
0x1b: {  	s9 =	sadd.s32 $0xFFFFFEF7, lr;
	s5 =	simm.s32 $0xFFFFFFFF;
	p2 =	slt.u32 s8, $0xFFFFF086  }
0x1c: {  	p1 =	slt.u32 s9, $0xF7A;
	s5 =	simm.s32 @!p2 $0x0  }
0x1d: {  	s5 =	simm.s32 @p1 $0x1;
	p0 =	seq.s32 s7, s2  }
0x1e: {  	s7 =	smul.u32 @!p0 $0xF7A, s2;
	p2 =	seq.s32 @!p0 s5, $0x0  }
0x1f: {  	s9 =	smul.u32 $0xF7A, s1;
	s8 =	simm.s32 @!p0 $0x1BF5;
	p2 =	por !p2, p0  }
0x20: {  	[sflag:s8] =	ssyncset.s32 @!p0 $0xFFFFF086;
	s6 =	sadd.s32 @!p0 s3, s7;
	s7 =	simm.s32 @!p0 $0x108  }
0x21: {  	s3 =	sadd.s32 s3, s9;
	s6 =	sadd.s32 @!p0 $0x88, s6;
	s7 =	simm.s32 @p2 $0x1082  }
0x22: {  	[simem:s7], [sflag:s8] =	dma.local @!p0 [hbm:s6], $0xF7A  }
0x23: {  	s9 =	sor.u32 $0xD0000000, s2;
	s6 =	simm.s32 $0x108;
	_ =	swait.ge @!p0 [sflag:s8], $0x0  }
0x24: {  	s3 =	sadd.s32 $0x88, s3;
	s6 =	simm.s32 @!p1 $0x1082;
	[sflag:s4] =	ssyncset.s32 $0xFFFFF086  }
0x25: {  	[simem:s6], [sflag:s4] =	dma.local [hbm:s3], $0xF7A  }
0x26: {  	[smem:$0x3F9C] =	sst s1;
	(tag) =	ssettag s2;
	_ =	strace s9  }
0x27: {  	s1 =	sld [smem:$0x3FAC]  }
0x28: {  	s2 =	sld [smem:$0x3FAD]  }
0x29: {  	s4 =	sld [smem:$0x3FAF]  }
0x2a: {  	p0 =	seq.s32 s5, $0x0;
	s5 =	sld [smem:$0x3FB0]  }
0x2b: {  	s6 =	sld [smem:$0x3FB1]  }
0x2c: {  	s7 =	sld [smem:$0x3FB2]  }
0x2d: {  	s3 =	simm.s32 $0x108;
	s8 =	sld [smem:$0x3FB3]  }
0x2e: {  	s3 =	simm.s32 @!p0 $0x1082;
	s9 =	sld [smem:$0x3FB4]  }
0x2f: {  	lr =	sadd.s32 s0, s3;
	s0 =	sld [smem:$0x3FAB]  }
0x30: {  	s3 =	sld [smem:$0x3FAE]  }
0x31: {  	[smem:$0x3FB7] =	sst s10  }
0x32: {  	s10 =	sld [smem:$0x3FB5];
	_ =	sdelay $0x3  }
0x33: {  	p0 =	seq.s32 s10, $0x1;
	s10 =	sld [smem:$0x3FB7];
	_ =	sdelay $0x3  }
0x34: {  	[smem:$0x3FB7] =	sst s10  }
0x35: {  	s10 =	sld [smem:$0x3FB6];
	_ =	sdelay $0x3  }
0x36: {  	p1 =	seq.s32 s10, $0x1;
	s10 =	sld [smem:$0x3FB7];
	_ =	sdelay $0x3  }
0x37: {  	[smem:$0x3FB7] =	sst s10  }
0x38: {  	s10 =	sld [smem:$0x3FB8]  }
0x39: {  	_ = 	snop;
	(pc) =	sbr.ind lr, $3  }
0x3a: {  	_ = 	snop  }
0x3b: {  	_ = 	snop  }
0x3c: {  	p2 =	seq.s32 s10, $0x1;
	s10 =	sld [smem:$0x3FB7]  }
0x3d: {  	_ =	shalt  }
0x3e: {  	_ =	shalt  }
0x3f: {  	_ =	shalt  }
0x40: {  	_ =	shalt  }
0x41: {  	_ =	shalt  }
0x42: {  	_ =	shalt  }
0x43: {  	_ =	shalt  }
0x44: {  	_ =	shalt  }
0x45: {  	_ =	shalt  }
0x46: {  	_ =	shalt  }
0x47: {  	_ =	shalt  }
0x48: {  	_ =	shalt  }
0x49: {  	_ =	shalt  }
0x4a: {  	_ =	shalt  }
0x4b: {  	_ =	shalt  }
0x4c: {  	_ =	shalt  }
0x4d: {  	_ =	shalt  }
0x4e: {  	_ =	shalt  }
0x4f: {  	_ =	shalt  }
0x50: {  	_ =	shalt  }
0x51: {  	_ =	shalt  }
0x52: {  	_ =	shalt  }
0x53: {  	_ =	shalt  }
0x54: {  	_ =	shalt  }
0x55: {  	_ =	shalt  }
0x56: {  	_ =	shalt  }
0x57: {  	_ =	shalt  }
0x58: {  	_ =	shalt  }
0x59: {  	_ =	shalt  }
0x5a: {  	_ =	shalt  }
0x5b: {  	_ =	shalt  }
0x5c: {  	_ =	shalt  }
0x5d: {  	_ =	shalt  }
0x5e: {  	_ =	shalt  }
0x5f: {  	_ =	shalt  }
0x60: {  	_ =	shalt  }
0x61: {  	_ =	shalt  }
0x62: {  	_ =	shalt  }
0x63: {  	_ =	shalt  }
0x64: {  	_ =	shalt  }
0x65: {  	_ =	shalt  }
0x66: {  	_ =	shalt  }
0x67: {  	_ =	shalt  }
0x68: {  	_ =	shalt  }
0x69: {  	_ =	shalt  }
0x6a: {  	_ =	shalt  }
0x6b: {  	_ =	shalt  }
0x6c: {  	_ =	shalt  }
0x6d: {  	_ =	shalt  }
0x6e: {  	_ =	shalt  }
0x6f: {  	_ =	shalt  }
0x70: {  	_ =	shalt  }
0x71: {  	_ =	shalt  }
0x72: {  	_ =	shalt  }
0x73: {  	_ =	shalt  }
0x74: {  	_ =	shalt  }
0x75: {  	_ =	shalt  }
0x76: {  	_ =	shalt  }
0x77: {  	_ =	shalt  }
0x78: {  	_ =	shalt  }
0x79: {  	_ =	shalt  }
0x7a: {  	_ =	shalt  }
0x7b: {  	_ =	shalt  }
0x7c: {  	_ =	shalt  }
0x7d: {  	_ =	shalt  }
0x7e: {  	_ =	shalt  }
0x7f: {  	_ =	shalt  }
0x80: {  	_ =	shalt  }
0x81: {  	_ =	shalt  }
0x82: {  	_ =	shalt  }
0x83: {  	_ =	shalt  }
0x84: {  	_ =	shalt  }
0x85: {  	_ =	shalt  }
0x86: {  	_ =	shalt  }
0x87: {  	_ =	shalt  }
.Lfunc_end0:
.L_simem_size_0:
called_computation_lowered:
.L_overlay_start_0:
0x88: {  	s2 =	sld [smem:$0x3FD9]  }
0x89: {  	s3 =	sld [smem:$0x3FFE];
	_ =	sdelay $0x1  }
0x8a: {  	s1 =	srdreg.scid  }
0x8b: {  	s0 =	sand.u32 $0x1, s1  }
0x8c: {  	s17 =	sshll.u32 s0, $0xA;
	s2 =	sadd.s32 s3, s2  }
0x8d: {  	s2 =	sadd.s32 s2, s17  }
0x8e: {  	[smem:$0x3FC3] =	sst s2  }
0x8f: {  	_ = 	snop  }
0x90: {  	s2 =	sld [smem:$0x3FC9]  }
0x91: {  	s18 =	sld [smem:$0x3FD0];
	(tm) =	ssettm $0x1  }
0x92: {  	s4 =	sld [smem:$0x3FFB];
	_ =	sdelay $0x3  }
0x93: {  	_ =	strace s4  }
0x94: {  	s4 =	sld [smem:$0x3FFC];
	_ =	sdelay $0x3  }
0x95: {  	_ =	strace s4  }
0x96: {  	s4 =	sld [smem:$0x3FFD];
	_ =	sdelay $0x3  }
0x97: {  	_ =	strace s4  }
0x98: {  	_ =	strace $0x8FFFFFFF  }
0x99: {  	s19 =	sld [smem:$0x3FDB];
	_ =	sdelay $0x1  }
0x9a: {  	s5 =	simm.s32 $_scs_section_size  }
0x9b: {  	s6 =	simm.s32 $_size__tile_overlayer_lowered;
	s7 =	simm.s32 $_tile_overlayer_lowered  }
0x9c: {  	s22 =	simm.s32 $0x1BFF;
	s21 =	sshll.u32 s7, $0x1;
	s4 =	sadd.s32 s5, s19  }
0x9d: {  	s8 =	simm.s32 $0x0;
	s20 =	sshll.u32 s6, $0x1;
	s6 =	sadd.s32 s21, s4  }
0x9e: {  	[timem:s8], [sflag:s22] =	dma.local [hbm:s6], s20  }
0x9f: {  	_ =	swait.ge [sflag:s22], s20  }
0xa0: {  	s5 =	ssub.s32 $0x0, s20;
	[sflag:s22] =	ssyncset.done $0x0  }
0xa1: {  	[sflag:s22] =	ssyncadd.s32 s5;
	_ =	sdelay $0x1  }
0xa2: {  	s23 =	simm.s32 $0x1B8B  }
0xa3: {  	_ =	swait.ge [sflag:s23], $0x1  }
0xa4: {  	[sflag:s23] =	ssyncset.done $0x0  }
0xa5: {  	s25 =	simm.s32 $0x1B8E;
	s24 =	sld [smem:$0x3FFE];
	[sflag:s23] =	ssyncadd.s32 $0xFFFFFFFF  }
0xa6: {  	s26 =	simm.s32 $execute0_lowered;
	[smem:$0x3FD2] =	sst s25  }
0xa7: {  	s6 =	sshll.u32 s26, $0x1;
	_ =	strace $0x80000046;
	[dreg:$0x1] =	wrdreg $0xFFFFFFFF  }
0xa8: {  	s28 =	simm.s32 $_size_execute0_lowered;
	s4 =	sadd.s32 s4, s6;
	[dreg:$0x0] =	wrdreg $0x0  }
0xa9: {  	s6 =	sshll.u32 s28, $0x1;
	[dreg:$0x2] =	wrdreg s4  }
0xaa: {  	[dreg:$0x3] =	wrdreg s6  }
0xab: {  	[dreg:$0x4] =	wrdreg $0xC0  }
0xac: {  	_ =	task [dreg:s8], $0x5FFFF  }
0xad: {  	[dreg:$0x1] =	wrdreg $0xFFFFFFFF  }
0xae: {  	[dreg:$0x0] =	wrdreg $0x60  }
0xaf: {  	[dreg:$0x2] =	wrdreg s24  }
0xb0: {  	[dreg:$0x3] =	wrdreg s2  }
0xb1: {  	[dreg:$0x4] =	wrdreg s18  }
0xb2: {  	[dreg:$0x5] =	wrdreg $0x9  }
0xb3: {  	_ =	task.clear_ibuf [dreg:s8], $0x6FFFF;
	_ =	strace $0x90000046  }
0xb4: {  	s29 =	simm.s32 $0x9;
	_ =	strace $0x80000048  }
0xb5: {  	_ =	swait.ge [sflag:s29], $0x1  }
0xb6: {  	[sflag:s29] =	ssyncadd.s32 $0xFFFFFFFF  }
0xb7: {  	_ =	strace $0x90000048  }
0xb8: {  	_ =	sfence  }
0xb9: {  	s30 =	sld [smem:$0x0];
	_ =	sdelay $0x2  }
0xba: {  	s31 =	sshll.u32 s1, $0xD;
	s1 =	sshrl.u32 s1, $0x2  }
0xbb: {  	s3 =	sand.u32 $0x4000, s31;
	s1 =	sadd.s32 s1, s30  }
0xbc: {  	s0 =	sor.u32 s3, s0;
	s1 =	sshll.u32 s1, $0x11  }
0xbd: {  	s0 =	sor.u32 s1, s0  }
0xbe: {  	s0 =	sadd.s32 $0x8F2B, s0  }
0xbf: {  	[sflag:s0] =	ssyncadd.remote.s32 $0x1  }
0xc0: {  	_ =	sfence.sel $0xFFFF  }
0xc1: {  	[dreg:$0x0] =	wrdreg $0xFFFFFFFF;
	(pc) =	sbr.abs _section_cstart, $3  }
0xc2: {  	[dreg:$0x1] =	wrdreg $0xFFFFFFFF  }
0xc3: {  	_ =	task.clear_ibuf [dreg:s8], $0x2FFFF;
	_ =	strace $0x9FFFFFFF  }
0xc4: {  	(tm) =	ssettm $0x7FFFFFFF  }
0xc5: {  	_ =	shalt  }
tec
execute0_lowered:
.L_overlay_start_1:
0x0: {  	(tag) =	ssettag $0x1  }
0x1: {  	s0 =	rddreg [dreg:$0x0];
	s1 =	srdreg.scid  }
0x2: {  	s2 =	rddreg [dreg:$0x1];
	s3 =	stileid.u32  }
0x3: {  	s13 =	simm.s32 $0x200;
	s14 =	simm.s32 $0x1;
	s23 =	simm.s32 $0x1A00  }
0x4: {  	s28 =	simm.s32 $0x3A00;
	s29 =	simm.s32 $0x4200;
	s30 =	simm.s32 $0x4A00  }
0x5: {  	s31 =	simm.s32 $0x5200;
	s10 =	simm.s32 $0x8200;
	s16 =	simm.s32 $0x8A00  }
0x6: {  	s11 =	simm.s32 $0x9200;
	s12 =	simm.s32 $0x9A00;
	s20 =	simm.s32 $0xA200  }
0x7: {  	s22 =	simm.s32 $0xAA00;
	s21 =	simm.s32 $0xB200;
	s1 =	sand.u32 $0x1, s1  }
0x8: {  	s15 =	simm.s32 $0xBA00;
	s4 =	sshll.u32 s3, $0x4;
	s5 =	sshll.u32 s1, $0x3  }
0x9: {  	s17 =	simm.s32 $0x2;
	s3 =	simm.s32 $0x0;
	s4 =	sor.u32 s5, s4  }
0xa: {  	[smem:$0x7FF] =	sst s3;
	s1 =	ssub.s32 $0x2, s1;
	s5 =	sadd.s32 s4, s0  }
0xb: {  	_ =	strace $0x80000047;
	s26 =	sshrl.u32 s1, $0x1;
	s6 =	sadd.s32 $0x1E00, s5  }
0xc: {  	s4 =	smul.u32 $0x300, s4;
	s24 =	sadd.s32 $0x2000, s5;
	[dreg:$0x4] =	wrdreg s6  }
0xd: {  	s1 =	ssub.s32 s1, s26;
	s25 =	sadd.s32 $0x2200, s5;
	[dreg:$0x5] =	wrdreg s24  }
0xe: {  	s26 =	simm.s32 $0x3200;
	s5 =	sadd.s32 $0x2400, s5;
	[dreg:$0x6] =	wrdreg s25  }
0xf: {  	v2 =	vlaneseq.u32;
	s7 =	smax.u32 s1, $0x1;
	[dreg:$0x7] =	wrdreg s5;
	s2 =	sadd.s32 s2, s4  }
0x10: {  	vm0 =	vmmov $0xffff;
	v1 =	vshrl.u32 v2, $0x3;
	s4 =	sadd.s32 $0x2600, s0;
	s5 =	sadd.s32 $0x2700, s0;
	s6 =	sadd.s32 $0x2800, s0  }
0x11: {  	v0 =	vand.u32 $0x7, v2;
	v2 =	vor.u32 $0x8, v2;
	v1 =	vmul.u32 $0x8, v1;
	s24 =	simm.s32 $0x2200;
	s25 =	simm.s32 $0x2A00;
	[dreg:$0x8] =	wrdreg s2  }
.LBB2_1:
0x12: {  	s18 =	rddreg [dreg:$0x4]  }
0x13: {  	[tilespmem:s3], [sflag:$0x1] =	stream.linear.gather [hbm4b:s18+s3], $0x40, $0x38;
	[tilespmem:$0xC200] =	vst v63  }
0x14: {  	s19 =	rddreg [dreg:$0x5];
	s0 =	simm.s32 $0x80  }
0x15: {  	[tilespmem:s0], [sflag:$0x2] =	stream.linear.gather [hbm4b:s19+s3], $0x40, $0x38;
	[tilespmem:$0xC200] =	vst v63  }
0x16: {  	s1 =	rddreg [dreg:$0x6];
	s8 =	simm.s32 $0x100  }
0x17: {  	[tilespmem:s8], [sflag:$0x3] =	stream.linear.gather [hbm4b:s1+s3], $0x40, $0x38;
	[tilespmem:$0xC200] =	vst v63  }
0x18: {  	s2 =	rddreg [dreg:$0x7];
	s1 =	simm.s32 $0x180  }
0x19: {  	[tilespmem:s1], [sflag:$0x4] =	stream.linear.gather [hbm4b:s2+s3], $0x40, $0x38;
	[tilespmem:$0xC200] =	vst v63  }
0x1a: {  	s9 =	rddreg [dreg:$0x8]  }
0x1b: {  	[tilespmem:s13], [sflag:$0x5] =	stream.linear.gather [hbm4b:s9+s3], $0xC000, $0x38;
	[tilespmem:$0xC200] =	vst v63  }
0x1c: {  	_ =	swait.ge [sflag:s14], $0x40  }
0x1d: {  	[sflag:s14] =	ssyncset.done $0x0  }
0x1e: {  	s2 =	simm.s32 $0x5;
	[sflag:s14] =	ssyncadd.s32 $0xFFFFFFC0  }
0x1f: {  	_ =	swait.ge [sflag:s2], $0xC000  }
0x20: {  	[sflag:s2] =	ssyncset.done $0x0  }
0x21: {  	[sflag:s2] =	ssyncadd.s32 $0xFFFF4000  }
0x22: {  	v3 =	vld [tilespmem:$0x0];
	_ =	sdelay $0x4  }
0x23: {  	v4 =	vshrl.u32 v3, $0x3  }
0x24: {  	v4 =	vmul.u32 $0x30, v4  }
0x25: {  	v3 =	vand.u32 $0x7, v3  }
0x26: {  	v3 =	vor.u32 v3, v4  }
0x27: {  	v4 =	vperm.xlane v3, v0;
	_ =	sdelay $0x1  }
0x28: {  	v4 =	vadd.s32 v1, v4;
	_ =	sdelay $0x3  }
0x29: {  	v3 =	vperm.xlane v3, v2  }
0x2a: {  	[hbm4b:s4+s3] =	stream.indirect_vreg.scatter [tilespmem:s13], [sflag:$0x1], $0x80, v4, vm0, $0xb8;
	[tilespmem:$0xC200] =	vst v63  }
0x2b: {  	s18 =	simm.s32 $0xA00;
	v3 =	vadd.s32 v1, v3  }
0x2c: {  	[hbm4b:s5+s3] =	stream.indirect_vreg.scatter [tilespmem:s18], [sflag:$0x1], $0x80, v4, vm0, $0xb8;
	[tilespmem:$0xC200] =	vst v63  }
0x2d: {  	s19 =	simm.s32 $0x1200  }
0x2e: {  	[hbm4b:s6+s3] =	stream.indirect_vreg.scatter [tilespmem:s19], [sflag:$0x1], $0x80, v4, vm0, $0xb8;
	[tilespmem:$0xC200] =	vst v63  }
0x2f: {  	_ = 	snop  }
0x30: {  	[hbm4b:s4+s3] =	stream.indirect_vreg.scatter [tilespmem:s23], [sflag:$0x1], $0x80, v3, vm0, $0xb8;
	[tilespmem:$0xC200] =	vst v63  }
0x31: {  	_ = 	snop  }
0x32: {  	[hbm4b:s5+s3] =	stream.indirect_vreg.scatter [tilespmem:s24], [sflag:$0x1], $0x80, v3, vm0, $0xb8;
	[tilespmem:$0xC200] =	vst v63  }
0x33: {  	_ = 	snop  }
0x34: {  	[hbm4b:s6+s3] =	stream.indirect_vreg.scatter [tilespmem:s25], [sflag:$0x1], $0x80, v3, vm0, $0xb8;
	[tilespmem:$0xC200] =	vst v63  }
0x35: {  	v3 =	vld [tilespmem:$0x10];
	_ =	sdelay $0x4  }
0x36: {  	v57 =	vshrl.u32 v3, $0x3  }
0x37: {  	v4 =	vmul.u32 $0x30, v57  }
0x38: {  	v3 =	vand.u32 $0x7, v3  }
0x39: {  	v3 =	vor.u32 v3, v4  }
0x3a: {  	v4 =	vperm.xlane v3, v0;
	_ =	sdelay $0x1  }
0x3b: {  	v4 =	vadd.s32 v1, v4;
	_ =	sdelay $0x3  }
0x3c: {  	v3 =	vperm.xlane v3, v2  }
0x3d: {  	[hbm4b:s4+s3] =	stream.indirect_vreg.scatter [tilespmem:s26], [sflag:$0x1], $0x80, v4, vm0, $0xb8;
	[tilespmem:$0xC200] =	vst v63  }
0x3e: {  	v3 =	vadd.s32 v1, v3  }
0x3f: {  	[hbm4b:s5+s3] =	stream.indirect_vreg.scatter [tilespmem:s28], [sflag:$0x1], $0x80, v4, vm0, $0xb8;
	[tilespmem:$0xC200] =	vst v63  }
0x40: {  	_ = 	snop  }
0x41: {  	[hbm4b:s6+s3] =	stream.indirect_vreg.scatter [tilespmem:s29], [sflag:$0x1], $0x80, v4, vm0, $0xb8;
	[tilespmem:$0xC200] =	vst v63  }
0x42: {  	_ = 	snop  }
0x43: {  	[hbm4b:s4+s3] =	stream.indirect_vreg.scatter [tilespmem:s30], [sflag:$0x1], $0x80, v3, vm0, $0xb8;
	[tilespmem:$0xC200] =	vst v63  }
0x44: {  	_ = 	snop  }
0x45: {  	[hbm4b:s5+s3] =	stream.indirect_vreg.scatter [tilespmem:s31], [sflag:$0x1], $0x80, v3, vm0, $0xb8;
	[tilespmem:$0xC200] =	vst v63  }
0x46: {  	s1 =	simm.s32 $0x5A00  }
0x47: {  	[hbm4b:s6+s3] =	stream.indirect_vreg.scatter [tilespmem:s1], [sflag:$0x1], $0x80, v3, vm0, $0xb8;
	[tilespmem:$0xC200] =	vst v63  }
0x48: {  	v3 =	vld [tilespmem:$0x20];
	_ =	sdelay $0x4  }
0x49: {  	v58 =	vshrl.u32 v3, $0x3  }
0x4a: {  	v4 =	vmul.u32 $0x30, v58  }
0x4b: {  	v3 =	vand.u32 $0x7, v3  }
0x4c: {  	v3 =	vor.u32 v3, v4  }
0x4d: {  	v4 =	vperm.xlane v3, v0;
	_ =	sdelay $0x1  }
0x4e: {  	v4 =	vadd.s32 v1, v4;
	_ =	sdelay $0x3  }
0x4f: {  	s0 =	simm.s32 $0x6200;
	v3 =	vperm.xlane v3, v2  }
0x50: {  	[hbm4b:s4+s3] =	stream.indirect_vreg.scatter [tilespmem:s0], [sflag:$0x1], $0x80, v4, vm0, $0xb8;
	[tilespmem:$0xC200] =	vst v63  }
0x51: {  	s2 =	simm.s32 $0x6A00;
	v3 =	vadd.s32 v1, v3  }
0x52: {  	[hbm4b:s5+s3] =	stream.indirect_vreg.scatter [tilespmem:s2], [sflag:$0x1], $0x80, v4, vm0, $0xb8;
	[tilespmem:$0xC200] =	vst v63  }
0x53: {  	s8 =	simm.s32 $0x7200  }
0x54: {  	[hbm4b:s6+s3] =	stream.indirect_vreg.scatter [tilespmem:s8], [sflag:$0x1], $0x80, v4, vm0, $0xb8;
	[tilespmem:$0xC200] =	vst v63  }
0x55: {  	s9 =	simm.s32 $0x7A00  }
0x56: {  	[hbm4b:s4+s3] =	stream.indirect_vreg.scatter [tilespmem:s9], [sflag:$0x1], $0x80, v3, vm0, $0xb8;
	[tilespmem:$0xC200] =	vst v63  }
0x57: {  	_ = 	snop  }
0x58: {  	[hbm4b:s5+s3] =	stream.indirect_vreg.scatter [tilespmem:s10], [sflag:$0x1], $0x80, v3, vm0, $0xb8;
	[tilespmem:$0xC200] =	vst v63  }
0x59: {  	_ = 	snop  }
0x5a: {  	[hbm4b:s6+s3] =	stream.indirect_vreg.scatter [tilespmem:s16], [sflag:$0x1], $0x80, v3, vm0, $0xb8;
	[tilespmem:$0xC200] =	vst v63  }
0x5b: {  	v3 =	vld [tilespmem:$0x30];
	_ =	sdelay $0x4  }
0x5c: {  	v59 =	vshrl.u32 v3, $0x3  }
0x5d: {  	v4 =	vmul.u32 $0x30, v59  }
0x5e: {  	v3 =	vand.u32 $0x7, v3  }
0x5f: {  	v3 =	vor.u32 v3, v4  }
0x60: {  	v4 =	vperm.xlane v3, v0;
	_ =	sdelay $0x1  }
0x61: {  	v4 =	vadd.s32 v1, v4;
	_ =	sdelay $0x3  }
0x62: {  	v3 =	vperm.xlane v3, v2  }
0x63: {  	[hbm4b:s4+s3] =	stream.indirect_vreg.scatter [tilespmem:s11], [sflag:$0x1], $0x80, v4, vm0, $0xb8;
	[tilespmem:$0xC200] =	vst v63  }
0x64: {  	v3 =	vadd.s32 v1, v3  }
0x65: {  	[hbm4b:s5+s3] =	stream.indirect_vreg.scatter [tilespmem:s12], [sflag:$0x1], $0x80, v4, vm0, $0xb8;
	[tilespmem:$0xC200] =	vst v63  }
0x66: {  	_ = 	snop  }
0x67: {  	[hbm4b:s6+s3] =	stream.indirect_vreg.scatter [tilespmem:s20], [sflag:$0x1], $0x80, v4, vm0, $0xb8;
	[tilespmem:$0xC200] =	vst v63  }
0x68: {  	_ = 	snop  }
0x69: {  	[hbm4b:s4+s3] =	stream.indirect_vreg.scatter [tilespmem:s22], [sflag:$0x1], $0x80, v3, vm0, $0xb8;
	[tilespmem:$0xC200] =	vst v63  }
0x6a: {  	_ = 	snop  }
0x6b: {  	[hbm4b:s5+s3] =	stream.indirect_vreg.scatter [tilespmem:s21], [sflag:$0x1], $0x80, v3, vm0, $0xb8;
	[tilespmem:$0xC200] =	vst v63  }
0x6c: {  	_ = 	snop  }
0x6d: {  	[hbm4b:s6+s3] =	stream.indirect_vreg.scatter [tilespmem:s15], [sflag:$0x1], $0x80, v3, vm0, $0xb8;
	[tilespmem:$0xC200] =	vst v63  }
0x6e: {  	_ =	swait.ge [sflag:s17], $0x40  }
0x6f: {  	[sflag:s17] =	ssyncset.done $0x0  }
0x70: {  	[sflag:s17] =	ssyncadd.s32 $0xFFFFFFC0  }
0x71: {  	v3 =	vld [tilespmem:$0x80];
	_ =	sdelay $0x4  }
0x72: {  	v60 =	vshrl.u32 v3, $0x3  }
0x73: {  	v4 =	vmul.u32 $0x30, v60  }
0x74: {  	v3 =	vand.u32 $0x7, v3  }
0x75: {  	v3 =	vor.u32 v3, v4  }
0x76: {  	v4 =	vperm.xlane v3, v0;
	_ =	sdelay $0x1  }
0x77: {  	v4 =	vadd.s32 v1, v4;
	_ =	sdelay $0x3  }
0x78: {  	v3 =	vperm.xlane v3, v2  }
0x79: {  	[hbm4b:s4+s3] =	stream.indirect_vreg.scatter [tilespmem:s13], [sflag:$0x2], $0x80, v4, vm0, $0xb8;
	[tilespmem:$0xC200] =	vst v63  }
0x7a: {  	v3 =	vadd.s32 v1, v3  }
0x7b: {  	[hbm4b:s5+s3] =	stream.indirect_vreg.scatter [tilespmem:s18], [sflag:$0x2], $0x80, v4, vm0, $0xb8;
	[tilespmem:$0xC200] =	vst v63  }
0x7c: {  	_ = 	snop  }
0x7d: {  	[hbm4b:s6+s3] =	stream.indirect_vreg.scatter [tilespmem:s19], [sflag:$0x2], $0x80, v4, vm0, $0xb8;
	[tilespmem:$0xC200] =	vst v63  }
0x7e: {  	_ = 	snop  }
0x7f: {  	[hbm4b:s4+s3] =	stream.indirect_vreg.scatter [tilespmem:s23], [sflag:$0x2], $0x80, v3, vm0, $0xb8;
	[tilespmem:$0xC200] =	vst v63  }
0x80: {  	_ = 	snop  }
0x81: {  	[hbm4b:s5+s3] =	stream.indirect_vreg.scatter [tilespmem:s24], [sflag:$0x2], $0x80, v3, vm0, $0xb8;
	[tilespmem:$0xC200] =	vst v63  }
0x82: {  	_ = 	snop  }
0x83: {  	[hbm4b:s6+s3] =	stream.indirect_vreg.scatter [tilespmem:s25], [sflag:$0x2], $0x80, v3, vm0, $0xb8;
	[tilespmem:$0xC200] =	vst v63  }
0x84: {  	v3 =	vld [tilespmem:$0x90];
	_ =	sdelay $0x4  }
0x85: {  	v61 =	vshrl.u32 v3, $0x3  }
0x86: {  	v4 =	vmul.u32 $0x30, v61  }
0x87: {  	v3 =	vand.u32 $0x7, v3  }
0x88: {  	v3 =	vor.u32 v3, v4  }
0x89: {  	v4 =	vperm.xlane v3, v0;
	_ =	sdelay $0x1  }
0x8a: {  	v4 =	vadd.s32 v1, v4;
	_ =	sdelay $0x3  }
0x8b: {  	v3 =	vperm.xlane v3, v2  }
0x8c: {  	[hbm4b:s4+s3] =	stream.indirect_vreg.scatter [tilespmem:s26], [sflag:$0x2], $0x80, v4, vm0, $0xb8;
	[tilespmem:$0xC200] =	vst v63  }
0x8d: {  	v3 =	vadd.s32 v1, v3  }
0x8e: {  	[hbm4b:s5+s3] =	stream.indirect_vreg.scatter [tilespmem:s28], [sflag:$0x2], $0x80, v4, vm0, $0xb8;
	[tilespmem:$0xC200] =	vst v63  }
0x8f: {  	_ = 	snop  }
0x90: {  	[hbm4b:s6+s3] =	stream.indirect_vreg.scatter [tilespmem:s29], [sflag:$0x2], $0x80, v4, vm0, $0xb8;
	[tilespmem:$0xC200] =	vst v63  }
0x91: {  	_ = 	snop  }
0x92: {  	[hbm4b:s4+s3] =	stream.indirect_vreg.scatter [tilespmem:s30], [sflag:$0x2], $0x80, v3, vm0, $0xb8;
	[tilespmem:$0xC200] =	vst v63  }
0x93: {  	_ = 	snop  }
0x94: {  	[hbm4b:s5+s3] =	stream.indirect_vreg.scatter [tilespmem:s31], [sflag:$0x2], $0x80, v3, vm0, $0xb8;
	[tilespmem:$0xC200] =	vst v63  }
0x95: {  	_ = 	snop  }
0x96: {  	[hbm4b:s6+s3] =	stream.indirect_vreg.scatter [tilespmem:s1], [sflag:$0x2], $0x80, v3, vm0, $0xb8;
	[tilespmem:$0xC200] =	vst v63  }
0x97: {  	v3 =	vld [tilespmem:$0xA0];
	_ =	sdelay $0x4  }
0x98: {  	v62 =	vshrl.u32 v3, $0x3  }
0x99: {  	v4 =	vmul.u32 $0x30, v62  }
0x9a: {  	v3 =	vand.u32 $0x7, v3  }
0x9b: {  	v3 =	vor.u32 v3, v4  }
0x9c: {  	v4 =	vperm.xlane v3, v0;
	_ =	sdelay $0x1  }
0x9d: {  	v4 =	vadd.s32 v1, v4;
	_ =	sdelay $0x3  }
0x9e: {  	v3 =	vperm.xlane v3, v2  }
0x9f: {  	[hbm4b:s4+s3] =	stream.indirect_vreg.scatter [tilespmem:s0], [sflag:$0x2], $0x80, v4, vm0, $0xb8;
	[tilespmem:$0xC200] =	vst v63  }
0xa0: {  	v3 =	vadd.s32 v1, v3  }
0xa1: {  	[hbm4b:s5+s3] =	stream.indirect_vreg.scatter [tilespmem:s2], [sflag:$0x2], $0x80, v4, vm0, $0xb8;
	[tilespmem:$0xC200] =	vst v63  }
0xa2: {  	_ = 	snop  }
0xa3: {  	[hbm4b:s6+s3] =	stream.indirect_vreg.scatter [tilespmem:s8], [sflag:$0x2], $0x80, v4, vm0, $0xb8;
	[tilespmem:$0xC200] =	vst v63  }
0xa4: {  	_ = 	snop  }
0xa5: {  	[hbm4b:s4+s3] =	stream.indirect_vreg.scatter [tilespmem:s9], [sflag:$0x2], $0x80, v3, vm0, $0xb8;
	[tilespmem:$0xC200] =	vst v63  }
0xa6: {  	_ = 	snop  }
0xa7: {  	[hbm4b:s5+s3] =	stream.indirect_vreg.scatter [tilespmem:s10], [sflag:$0x2], $0x80, v3, vm0, $0xb8;
	[tilespmem:$0xC200] =	vst v63  }
0xa8: {  	_ = 	snop  }
0xa9: {  	[hbm4b:s6+s3] =	stream.indirect_vreg.scatter [tilespmem:s16], [sflag:$0x2], $0x80, v3, vm0, $0xb8;
	[tilespmem:$0xC200] =	vst v63  }
0xaa: {  	v3 =	vld [tilespmem:$0xB0];
	_ =	sdelay $0x4  }
0xab: {  	v63 =	vshrl.u32 v3, $0x3  }
0xac: {  	v4 =	vmul.u32 $0x30, v63  }
0xad: {  	v3 =	vand.u32 $0x7, v3  }
0xae: {  	v3 =	vor.u32 v3, v4  }
0xaf: {  	v4 =	vperm.xlane v3, v0;
	_ =	sdelay $0x1  }
0xb0: {  	v4 =	vadd.s32 v1, v4;
	_ =	sdelay $0x3  }
0xb1: {  	v3 =	vperm.xlane v3, v2  }
0xb2: {  	[hbm4b:s4+s3] =	stream.indirect_vreg.scatter [tilespmem:s11], [sflag:$0x2], $0x80, v4, vm0, $0xb8;
	[tilespmem:$0xC200] =	vst v63  }
0xb3: {  	v3 =	vadd.s32 v1, v3  }
0xb4: {  	[hbm4b:s5+s3] =	stream.indirect_vreg.scatter [tilespmem:s12], [sflag:$0x2], $0x80, v4, vm0, $0xb8;
	[tilespmem:$0xC200] =	vst v63  }
0xb5: {  	_ = 	snop  }
0xb6: {  	[hbm4b:s6+s3] =	stream.indirect_vreg.scatter [tilespmem:s20], [sflag:$0x2], $0x80, v4, vm0, $0xb8;
	[tilespmem:$0xC200] =	vst v63  }
0xb7: {  	_ = 	snop  }
0xb8: {  	[hbm4b:s4+s3] =	stream.indirect_vreg.scatter [tilespmem:s22], [sflag:$0x2], $0x80, v3, vm0, $0xb8;
	[tilespmem:$0xC200] =	vst v63  }
0xb9: {  	_ = 	snop  }
0xba: {  	[hbm4b:s5+s3] =	stream.indirect_vreg.scatter [tilespmem:s21], [sflag:$0x2], $0x80, v3, vm0, $0xb8;
	[tilespmem:$0xC200] =	vst v63  }
0xbb: {  	s0 =	simm.s32 $0x3  }
0xbc: {  	[hbm4b:s6+s3] =	stream.indirect_vreg.scatter [tilespmem:s15], [sflag:$0x2], $0x80, v3, vm0, $0xb8;
	[tilespmem:$0xC200] =	vst v63  }
0xbd: {  	_ =	swait.ge [sflag:s0], $0x40  }
0xbe: {  	[sflag:s0] =	ssyncset.done $0x0  }
0xbf: {  	s1 =	simm.s32 $0x40;
	[sflag:s0] =	ssyncadd.s32 $0xFFFFFFC0  }
0xc0: {  	s2 =	simm.s32 $0x4;
	s8 =	simm.s32 $0x100;
	s18 =	rddreg [dreg:$0x2]  }
0xc1: {  	[hbm4b:s18+s1] =	stream.indirect.scatter [tilespmem:s8], [sflag:$0x3], $0x1, s3, s1, $0xb8;
	[tilespmem:$0xC200] =	vst v63  }
0xc2: {  	_ =	swait.ge [sflag:s2], $0x40  }
0xc3: {  	[sflag:s2] =	ssyncset.done $0x0  }
0xc4: {  	s19 =	simm.s32 $0x180;
	s9 =	simm.s32 $0x80;
	[sflag:s2] =	ssyncadd.s32 $0xFFFFFFC0  }
0xc5: {  	[hbm4b:s18+s1] =	stream.indirect.scatter [tilespmem:s19], [sflag:$0x4], $0x1, s9, s1, $0xb8;
	[tilespmem:$0xC200] =	vst v63  }
0xc6: {  	_ =	swait.ge [sflag:s14], $0xC000  }
0xc7: {  	[sflag:s14] =	ssyncset.done $0x0  }
0xc8: {  	[sflag:s14] =	ssyncadd.s32 $0xFFFF4000  }
0xc9: {  	_ =	swait.ge [sflag:s17], $0xC000  }
0xca: {  	[sflag:s17] =	ssyncset.done $0x0  }
0xcb: {  	[sflag:s17] =	ssyncadd.s32 $0xFFFF4000  }
0xcc: {  	p0 =	sne.s32 s7, $0x1;
	_ =	swait.ge [sflag:s0], $0x40  }
.Ltmp0:
0xcd: {  	[sflag:s0] =	ssyncset.done $0x0;
	(pc) =	sbr.rel @p0 .LBB2_1-.Ltmp0, $4  }
0xce: {  	[sflag:s0] =	ssyncadd.s32 $0xFFFFFFC0  }
0xcf: {  	_ =	swait.ge [sflag:s2], $0x40  }
0xd0: {  	[sflag:s2] =	ssyncset.done $0x0  }
0xd1: {  	s7 =	sadd.s32 $0xFFFFFFFF, s7;
	[sflag:s2] =	ssyncadd.s32 $0xFFFFFFC0  }
0xd2: {  	_ =	sfence.sel $0x180000  }
0xd3: {  	[bflag:$0x0] =	sbarrier.arrive $0xFFFF  }
0xd4: {  	_ =	strace $0x90000047  }
0xd5: {  	s0 =	stileid.u32;
	[bflag:$0x2] =	sbarrier.arrive $0xFFFF  }
0xd6: {  	p0 =	sne.s32 s0, $0x0;
	s0 =	rddreg [dreg:$0x3]  }
0xd7: {  	s0 =	sadd.s32 @!p0 $0x100000, s0  }
0xd8: {  	[sflag:s0] =	ssyncadd.tile.s32 @!p0 $0x1;
	_ =	shalt  }
.Lfunc_end2:
_tile_overlayer_lowered:
.L_overlay_start_2:
0xd9: {  	(tag) =	ssettag $0x2  }
0xda: {  	s0 =	rddreg [dreg:$0x0];
	s2 =	stileid.u32  }
0xdb: {  	s1 =	rddreg [dreg:$0x1];
	p0 =	sne.s32 s2, $0x0  }
0xdc: {  	s3 =	rddreg [dreg:$0x2];
	[bflag:$0x3] =	sbarrier.arrive $0xFFFF;
	s2 =	simm.s32 @!p0 $0x1C06  }
0xdd: {  	[timem:s3], [sflag:s2] =	dma.local @!p0 [hbm:s0], s1  }
0xde: {  	s0 =	simm.s32 @!p0 $0x6  }
0xdf: {  	_ =	swait.ge @!p0 [sflag:s0], s1  }
0xe0: {  	s1 =	ssub.s32 @!p0 $0x0, s1;
	[sflag:s0] =	ssyncset.done @!p0 $0x0  }
0xe1: {  	[sflag:s0] =	ssyncadd.s32 @!p0 s1  }
0xe2: {  	[bflag:$0x3] =	sbarrier.arrive $0xFFFF  }
0xe3: {  	_ =	shalt  }

// kernel: kernel.9.cloned.1.call-start
scs
__scs_entry_jumppad:
0x0: {  	(pc) =	sbr.rel $0x88, $3  }
0x1: {  	(tag) =	ssettag $0x0;
	lr =	simm.s32 $0x1  }
0x2: {  	[smem:$0x3F9C] =	sst lr;
	_ =	strace $0xD0000000  }
0x3: {  	_ = 	snop  }
0x4: {  	_ = 	snop  }
0x5: {  	_ = 	snop  }
0x6: {  	_ = 	snop  }
0x7: {  	_ = 	snop  }
__scs_overlays_trampoline_lowered:
0x8: {  	[smem:$0x3FAB] =	sst s0  }
0x9: {  	[smem:$0x3FAC] =	sst s1  }
0xa: {  	[smem:$0x3FAD] =	sst s2  }
0xb: {  	[smem:$0x3FAE] =	sst s3  }
0xc: {  	[smem:$0x3FAF] =	sst s4  }
0xd: {  	[smem:$0x3FB0] =	sst s5  }
0xe: {  	[smem:$0x3FB1] =	sst s6  }
0xf: {  	[smem:$0x3FB2] =	sst s7  }
0x10: {  	[smem:$0x3FB3] =	sst s8  }
0x11: {  	[smem:$0x3FB4] =	sst s9;
	s0 =	simm.s32 @!p0 $0x0  }
0x12: {  	s1 =	sld [smem:$0x3F9A];
	s0 =	simm.s32 @p0 $0x1  }
0x13: {  	[smem:$0x3FB5] =	sst s0;
	s0 =	simm.s32 @!p1 $0x0  }
0x14: {  	s2 =	sld [smem:$0x3F99];
	s0 =	simm.s32 @p1 $0x1  }
0x15: {  	[smem:$0x3FB6] =	sst s0;
	s0 =	simm.s32 @!p2 $0x0  }
0x16: {  	s3 =	sld [smem:$0x3FDB];
	s0 =	simm.s32 @p2 $0x1  }
0x17: {  	s4 =	simm.s32 $0x1BF5;
	[smem:$0x3FB8] =	sst s0  }
0x18: {  	s0 =	sld [smem:$0x3F9B];
	_ =	swait.ge [sflag:s4], $0x0  }
0x19: {  	s7 =	sld [smem:$0x3F9C]  }
0x1a: {  	s8 =	sadd.s32 $0xFFFFE003, lr  }
0x1b: {  	s9 =	sadd.s32 $0xFFFFFEF7, lr;
	s5 =	simm.s32 $0xFFFFFFFF;
	p2 =	slt.u32 s8, $0xFFFFF086  }
0x1c: {  	p1 =	slt.u32 s9, $0xF7A;
	s5 =	simm.s32 @!p2 $0x0  }
0x1d: {  	s5 =	simm.s32 @p1 $0x1;
	p0 =	seq.s32 s7, s2  }
0x1e: {  	s7 =	smul.u32 @!p0 $0xF7A, s2;
	p2 =	seq.s32 @!p0 s5, $0x0  }
0x1f: {  	s9 =	smul.u32 $0xF7A, s1;
	s8 =	simm.s32 @!p0 $0x1BF5;
	p2 =	por !p2, p0  }
0x20: {  	[sflag:s8] =	ssyncset.s32 @!p0 $0xFFFFF086;
	s6 =	sadd.s32 @!p0 s3, s7;
	s7 =	simm.s32 @!p0 $0x108  }
0x21: {  	s3 =	sadd.s32 s3, s9;
	s6 =	sadd.s32 @!p0 $0x88, s6;
	s7 =	simm.s32 @p2 $0x1082  }
0x22: {  	[simem:s7], [sflag:s8] =	dma.local @!p0 [hbm:s6], $0xF7A  }
0x23: {  	s9 =	sor.u32 $0xD0000000, s2;
	s6 =	simm.s32 $0x108;
	_ =	swait.ge @!p0 [sflag:s8], $0x0  }
0x24: {  	s3 =	sadd.s32 $0x88, s3;
	s6 =	simm.s32 @!p1 $0x1082;
	[sflag:s4] =	ssyncset.s32 $0xFFFFF086  }
0x25: {  	[simem:s6], [sflag:s4] =	dma.local [hbm:s3], $0xF7A  }
0x26: {  	[smem:$0x3F9C] =	sst s1;
	(tag) =	ssettag s2;
	_ =	strace s9  }
0x27: {  	s1 =	sld [smem:$0x3FAC]  }
0x28: {  	s2 =	sld [smem:$0x3FAD]  }
0x29: {  	s4 =	sld [smem:$0x3FAF]  }
0x2a: {  	p0 =	seq.s32 s5, $0x0;
	s5 =	sld [smem:$0x3FB0]  }
0x2b: {  	s6 =	sld [smem:$0x3FB1]  }
0x2c: {  	s7 =	sld [smem:$0x3FB2]  }
0x2d: {  	s3 =	simm.s32 $0x108;
	s8 =	sld [smem:$0x3FB3]  }
0x2e: {  	s3 =	simm.s32 @!p0 $0x1082;
	s9 =	sld [smem:$0x3FB4]  }
0x2f: {  	lr =	sadd.s32 s0, s3;
	s0 =	sld [smem:$0x3FAB]  }
0x30: {  	s3 =	sld [smem:$0x3FAE]  }
0x31: {  	[smem:$0x3FB7] =	sst s10  }
0x32: {  	s10 =	sld [smem:$0x3FB5];
	_ =	sdelay $0x3  }
0x33: {  	p0 =	seq.s32 s10, $0x1;
	s10 =	sld [smem:$0x3FB7];
	_ =	sdelay $0x3  }
0x34: {  	[smem:$0x3FB7] =	sst s10  }
0x35: {  	s10 =	sld [smem:$0x3FB6];
	_ =	sdelay $0x3  }
0x36: {  	p1 =	seq.s32 s10, $0x1;
	s10 =	sld [smem:$0x3FB7];
	_ =	sdelay $0x3  }
0x37: {  	[smem:$0x3FB7] =	sst s10  }
0x38: {  	s10 =	sld [smem:$0x3FB8]  }
0x39: {  	_ = 	snop;
	(pc) =	sbr.ind lr, $3  }
0x3a: {  	_ = 	snop  }
0x3b: {  	_ = 	snop  }
0x3c: {  	p2 =	seq.s32 s10, $0x1;
	s10 =	sld [smem:$0x3FB7]  }
0x3d: {  	_ =	shalt  }
0x3e: {  	_ =	shalt  }
0x3f: {  	_ =	shalt  }
0x40: {  	_ =	shalt  }
0x41: {  	_ =	shalt  }
0x42: {  	_ =	shalt  }
0x43: {  	_ =	shalt  }
0x44: {  	_ =	shalt  }
0x45: {  	_ =	shalt  }
0x46: {  	_ =	shalt  }
0x47: {  	_ =	shalt  }
0x48: {  	_ =	shalt  }
0x49: {  	_ =	shalt  }
0x4a: {  	_ =	shalt  }
0x4b: {  	_ =	shalt  }
0x4c: {  	_ =	shalt  }
0x4d: {  	_ =	shalt  }
0x4e: {  	_ =	shalt  }
0x4f: {  	_ =	shalt  }
0x50: {  	_ =	shalt  }
0x51: {  	_ =	shalt  }
0x52: {  	_ =	shalt  }
0x53: {  	_ =	shalt  }
0x54: {  	_ =	shalt  }
0x55: {  	_ =	shalt  }
0x56: {  	_ =	shalt  }
0x57: {  	_ =	shalt  }
0x58: {  	_ =	shalt  }
0x59: {  	_ =	shalt  }
0x5a: {  	_ =	shalt  }
0x5b: {  	_ =	shalt  }
0x5c: {  	_ =	shalt  }
0x5d: {  	_ =	shalt  }
0x5e: {  	_ =	shalt  }
0x5f: {  	_ =	shalt  }
0x60: {  	_ =	shalt  }
0x61: {  	_ =	shalt  }
0x62: {  	_ =	shalt  }
0x63: {  	_ =	shalt  }
0x64: {  	_ =	shalt  }
0x65: {  	_ =	shalt  }
0x66: {  	_ =	shalt  }
0x67: {  	_ =	shalt  }
0x68: {  	_ =	shalt  }
0x69: {  	_ =	shalt  }
0x6a: {  	_ =	shalt  }
0x6b: {  	_ =	shalt  }
0x6c: {  	_ =	shalt  }
0x6d: {  	_ =	shalt  }
0x6e: {  	_ =	shalt  }
0x6f: {  	_ =	shalt  }
0x70: {  	_ =	shalt  }
0x71: {  	_ =	shalt  }
0x72: {  	_ =	shalt  }
0x73: {  	_ =	shalt  }
0x74: {  	_ =	shalt  }
0x75: {  	_ =	shalt  }
0x76: {  	_ =	shalt  }
0x77: {  	_ =	shalt  }
0x78: {  	_ =	shalt  }
0x79: {  	_ =	shalt  }
0x7a: {  	_ =	shalt  }
0x7b: {  	_ =	shalt  }
0x7c: {  	_ =	shalt  }
0x7d: {  	_ =	shalt  }
0x7e: {  	_ =	shalt  }
0x7f: {  	_ =	shalt  }
0x80: {  	_ =	shalt  }
0x81: {  	_ =	shalt  }
0x82: {  	_ =	shalt  }
0x83: {  	_ =	shalt  }
0x84: {  	_ =	shalt  }
0x85: {  	_ =	shalt  }
0x86: {  	_ =	shalt  }
0x87: {  	_ =	shalt  }
.Lfunc_end0:
.L_simem_size_0:
called_computation.1_lowered:
.L_overlay_start_0:
0x88: {  	s2 =	sld [smem:$0x3FD9]  }
0x89: {  	s3 =	sld [smem:$0x3FFE];
	_ =	sdelay $0x1  }
0x8a: {  	s1 =	srdreg.scid  }
0x8b: {  	s0 =	sand.u32 $0x1, s1  }
0x8c: {  	s17 =	sshll.u32 s0, $0xA;
	s2 =	sadd.s32 s3, s2  }
0x8d: {  	s2 =	sadd.s32 s2, s17  }
0x8e: {  	[smem:$0x3FC3] =	sst s2  }
0x8f: {  	_ = 	snop  }
0x90: {  	s2 =	sld [smem:$0x3FD0];
	(tm) =	ssettm $0x1  }
0x91: {  	s18 =	sld [smem:$0x3FFB];
	_ =	sdelay $0x3  }
0x92: {  	_ =	strace s18  }
0x93: {  	s3 =	sld [smem:$0x3FFC];
	_ =	sdelay $0x3  }
0x94: {  	_ =	strace s3  }
0x95: {  	s3 =	sld [smem:$0x3FFD];
	_ =	sdelay $0x3  }
0x96: {  	_ =	strace s3  }
0x97: {  	_ =	strace $0x8FFFFFFF  }
0x98: {  	s19 =	sld [smem:$0x3FDB];
	_ =	sdelay $0x1  }
0x99: {  	s4 =	simm.s32 $_scs_section_size  }
0x9a: {  	s5 =	simm.s32 $_size__tile_overlayer_lowered;
	s6 =	simm.s32 $_tile_overlayer_lowered  }
0x9b: {  	s22 =	simm.s32 $0x1BFF;
	s21 =	sshll.u32 s6, $0x1;
	s3 =	sadd.s32 s4, s19  }
0x9c: {  	s7 =	simm.s32 $0x0;
	s20 =	sshll.u32 s5, $0x1;
	s5 =	sadd.s32 s21, s3  }
0x9d: {  	[timem:s7], [sflag:s22] =	dma.local [hbm:s5], s20  }
0x9e: {  	_ =	swait.ge [sflag:s22], s20  }
0x9f: {  	s4 =	ssub.s32 $0x0, s20;
	[sflag:s22] =	ssyncset.done $0x0  }
0xa0: {  	[sflag:s22] =	ssyncadd.s32 s4;
	_ =	sdelay $0x1  }
0xa1: {  	s23 =	simm.s32 $0x1B8B  }
0xa2: {  	_ =	swait.ge [sflag:s23], $0x1  }
0xa3: {  	[sflag:s23] =	ssyncset.done $0x0  }
0xa4: {  	s25 =	simm.s32 $0x1B8E;
	s24 =	sld [smem:$0x3FFE];
	[sflag:s23] =	ssyncadd.s32 $0xFFFFFFFF  }
0xa5: {  	s26 =	simm.s32 $execute0_lowered;
	[smem:$0x3FD2] =	sst s25  }
0xa6: {  	s5 =	sshll.u32 s26, $0x1;
	_ =	strace $0x80000049;
	[dreg:$0x1] =	wrdreg $0xFFFFFFFF  }
0xa7: {  	s28 =	simm.s32 $_size_execute0_lowered;
	s3 =	sadd.s32 s3, s5;
	[dreg:$0x0] =	wrdreg $0x0  }
0xa8: {  	s5 =	sshll.u32 s28, $0x1;
	[dreg:$0x2] =	wrdreg s3  }
0xa9: {  	[dreg:$0x3] =	wrdreg s5  }
0xaa: {  	[dreg:$0x4] =	wrdreg $0xC0  }
0xab: {  	_ =	task [dreg:s7], $0x5FFFF  }
0xac: {  	[dreg:$0x1] =	wrdreg $0xFFFFFFFF  }
0xad: {  	[dreg:$0x0] =	wrdreg $0x60  }
0xae: {  	[dreg:$0x2] =	wrdreg s24  }
0xaf: {  	[dreg:$0x3] =	wrdreg s2  }
0xb0: {  	[dreg:$0x4] =	wrdreg $0x9  }
0xb1: {  	_ =	task.clear_ibuf [dreg:s7], $0x5FFFF;
	_ =	strace $0x90000049  }
0xb2: {  	s29 =	simm.s32 $0x9;
	_ =	strace $0x8000004B  }
0xb3: {  	_ =	swait.ge [sflag:s29], $0x1  }
0xb4: {  	[sflag:s29] =	ssyncadd.s32 $0xFFFFFFFF  }
0xb5: {  	_ =	strace $0x9000004B  }
0xb6: {  	_ =	sfence  }
0xb7: {  	s30 =	sld [smem:$0x0];
	_ =	sdelay $0x2  }
0xb8: {  	s31 =	sshll.u32 s1, $0xD;
	s1 =	sshrl.u32 s1, $0x2  }
0xb9: {  	s3 =	sand.u32 $0x4000, s31;
	s1 =	sadd.s32 s1, s30  }
0xba: {  	s0 =	sor.u32 s3, s0;
	s1 =	sshll.u32 s1, $0x11  }
0xbb: {  	s0 =	sor.u32 s1, s0  }
0xbc: {  	s0 =	sadd.s32 $0x8F2B, s0  }
0xbd: {  	[sflag:s0] =	ssyncadd.remote.s32 $0x1  }
0xbe: {  	_ =	sfence.sel $0xFFFF  }
0xbf: {  	[dreg:$0x0] =	wrdreg $0xFFFFFFFF;
	(pc) =	sbr.abs _section_cstart, $3  }
0xc0: {  	[dreg:$0x1] =	wrdreg $0xFFFFFFFF  }
0xc1: {  	_ =	task.clear_ibuf [dreg:s7], $0x2FFFF;
	_ =	strace $0x9FFFFFFF  }
0xc2: {  	(tm) =	ssettm $0x7FFFFFFF  }
0xc3: {  	_ =	shalt  }
tec
execute0_lowered:
.L_overlay_start_1:
0x0: {  	(tag) =	ssettag $0x1  }
0x1: {  	s0 =	rddreg [dreg:$0x0]  }
0x2: {  	s1 =	rddreg [dreg:$0x1]  }
0x3: {  	s2 =	srdreg.scid;
	s4 =	stileid.u32;
	s11 =	simm.s32 $0x1  }
0x4: {  	s12 =	simm.s32 $0x100;
	s15 =	simm.s32 $0x2;
	s28 =	simm.s32 $0x11900  }
0x5: {  	s29 =	simm.s32 $0x12100;
	s30 =	simm.s32 $0x12900;
	s31 =	simm.s32 $0x13100  }
0x6: {  	s10 =	simm.s32 $0x14900;
	s13 =	simm.s32 $0x15100;
	s14 =	simm.s32 $0x15900  }
0x7: {  	s16 =	simm.s32 $0x16100;
	s17 =	simm.s32 $0x16900;
	s18 =	simm.s32 $0x17100  }
0x8: {  	s19 =	simm.s32 $0x17900;
	s20 =	simm.s32 $0x3;
	s21 =	simm.s32 $0x0  }
0x9: {  	s3 =	sand.u32 $0x1, s2;
	s2 =	simm.s32 $0x0;
	s4 =	sshll.u32 s4, $0x4  }
0xa: {  	s5 =	sshll.u32 s3, $0x3;
	[smem:$0x7FF] =	sst s2;
	s6 =	ssub.s32 $0x2, s3  }
0xb: {  	s3 =	sadd.s32 $0xC2600, s0;
	s4 =	sor.u32 s5, s4;
	_ =	strace $0x8000004A  }
0xc: {  	s7 =	sshrl.u32 s6, $0x1;
	s5 =	sadd.s32 s4, s0;
	s8 =	smul.u32 $0x300, s4  }
0xd: {  	v2 =	vlaneseq.u32;
	s9 =	ssub.s32 s6, s7;
	s6 =	sadd.s32 $0xC2700, s0;
	s7 =	sadd.s32 $0xC2800, s0  }
0xe: {  	vm0 =	vmmov $0xffff;
	v1 =	vshrl.u32 v2, $0x3;
	s0 =	simm.s32 $0x13900;
	s4 =	sadd.s32 $0x1E00, s5;
	s5 =	sadd.s32 $0x2000, s5  }
0xf: {  	v0 =	vand.u32 $0x7, v2;
	v2 =	vor.u32 $0x8, v2;
	v1 =	vmul.u32 $0x8, v1;
	s9 =	smax.u32 s9, $0x1;
	s8 =	sadd.s32 s1, s8;
	s1 =	simm.s32 $0x14100  }
.LBB2_1:
0x10: {  	[tilespmem:s2], [sflag:$0x1] =	stream.linear.gather [hbm4b:s4+s2], $0x40, $0x38;
	[tilespmem:$0x18100] =	vst v63  }
0x11: {  	s22 =	simm.s32 $0x80  }
0x12: {  	[tilespmem:s22], [sflag:$0x2] =	stream.linear.gather [hbm4b:s5+s2], $0x40, $0x38;
	[tilespmem:$0x18100] =	vst v63  }
0x13: {  	_ =	swait.ge [sflag:s11], $0x40  }
0x14: {  	[sflag:s11] =	ssyncset.done $0x0  }
0x15: {  	[sflag:s11] =	ssyncadd.s32 $0xFFFFFFC0  }
0x16: {  	v3 =	vld [tilespmem:$0x0];
	_ =	sdelay $0x4  }
0x17: {  	v4 =	vshrl.u32 v3, $0x3  }
0x18: {  	v4 =	vmul.u32 $0x30, v4  }
0x19: {  	v3 =	vand.u32 $0x7, v3  }
0x1a: {  	v3 =	vor.u32 v3, v4  }
0x1b: {  	v4 =	vperm.xlane v3, v0;
	_ =	sdelay $0x1  }
0x1c: {  	v4 =	vadd.s32 v1, v4;
	_ =	sdelay $0x3  }
0x1d: {  	v3 =	vperm.xlane v3, v2  }
0x1e: {  	[tilespmem:s12], [sflag:$0x1] =	stream.indirect_vreg.gather [hbm4b:s3+s2], $0x80, v4, vm0, $0xb8;
	[tilespmem:$0x18100] =	vst v63  }
0x1f: {  	s24 =	simm.s32 $0x900;
	v3 =	vadd.s32 v1, v3  }
0x20: {  	[tilespmem:s24], [sflag:$0x1] =	stream.indirect_vreg.gather [hbm4b:s6+s2], $0x80, v4, vm0, $0xb8;
	[tilespmem:$0x18100] =	vst v63  }
0x21: {  	s25 =	simm.s32 $0x1100  }
0x22: {  	[tilespmem:s25], [sflag:$0x1] =	stream.indirect_vreg.gather [hbm4b:s7+s2], $0x80, v4, vm0, $0xb8;
	[tilespmem:$0x18100] =	vst v63  }
0x23: {  	s26 =	simm.s32 $0x1900  }
0x24: {  	[tilespmem:s26], [sflag:$0x1] =	stream.indirect_vreg.gather [hbm4b:s3+s2], $0x80, v3, vm0, $0xb8;
	[tilespmem:$0x18100] =	vst v63  }
0x25: {  	s23 =	simm.s32 $0x2100  }
0x26: {  	[tilespmem:s23], [sflag:$0x1] =	stream.indirect_vreg.gather [hbm4b:s6+s2], $0x80, v3, vm0, $0xb8;
	[tilespmem:$0x18100] =	vst v63  }
0x27: {  	s24 =	simm.s32 $0x2900  }
0x28: {  	[tilespmem:s24], [sflag:$0x1] =	stream.indirect_vreg.gather [hbm4b:s7+s2], $0x80, v3, vm0, $0xb8;
	[tilespmem:$0x18100] =	vst v63  }
0x29: {  	v3 =	vld [tilespmem:$0x10];
	_ =	sdelay $0x4  }
0x2a: {  	v4 =	vshrl.u32 v3, $0x3  }
0x2b: {  	v4 =	vmul.u32 $0x30, v4  }
0x2c: {  	v3 =	vand.u32 $0x7, v3  }
0x2d: {  	v3 =	vor.u32 v3, v4  }
0x2e: {  	v4 =	vperm.xlane v3, v0;
	_ =	sdelay $0x1  }
0x2f: {  	v4 =	vadd.s32 v1, v4;
	_ =	sdelay $0x3  }
0x30: {  	s25 =	simm.s32 $0x3100;
	v3 =	vperm.xlane v3, v2  }
0x31: {  	[tilespmem:s25], [sflag:$0x1] =	stream.indirect_vreg.gather [hbm4b:s3+s2], $0x80, v4, vm0, $0xb8;
	[tilespmem:$0x18100] =	vst v63  }
0x32: {  	s26 =	simm.s32 $0x3900;
	v3 =	vadd.s32 v1, v3  }
0x33: {  	[tilespmem:s26], [sflag:$0x1] =	stream.indirect_vreg.gather [hbm4b:s6+s2], $0x80, v4, vm0, $0xb8;
	[tilespmem:$0x18100] =	vst v63  }
0x34: {  	s23 =	simm.s32 $0x4100  }
0x35: {  	[tilespmem:s23], [sflag:$0x1] =	stream.indirect_vreg.gather [hbm4b:s7+s2], $0x80, v4, vm0, $0xb8;
	[tilespmem:$0x18100] =	vst v63  }
0x36: {  	s24 =	simm.s32 $0x4900  }
0x37: {  	[tilespmem:s24], [sflag:$0x1] =	stream.indirect_vreg.gather [hbm4b:s3+s2], $0x80, v3, vm0, $0xb8;
	[tilespmem:$0x18100] =	vst v63  }
0x38: {  	s25 =	simm.s32 $0x5100  }
0x39: {  	[tilespmem:s25], [sflag:$0x1] =	stream.indirect_vreg.gather [hbm4b:s6+s2], $0x80, v3, vm0, $0xb8;
	[tilespmem:$0x18100] =	vst v63  }
0x3a: {  	s26 =	simm.s32 $0x5900  }
0x3b: {  	[tilespmem:s26], [sflag:$0x1] =	stream.indirect_vreg.gather [hbm4b:s7+s2], $0x80, v3, vm0, $0xb8;
	[tilespmem:$0x18100] =	vst v63  }
0x3c: {  	v3 =	vld [tilespmem:$0x20];
	_ =	sdelay $0x4  }
0x3d: {  	v4 =	vshrl.u32 v3, $0x3  }
0x3e: {  	v4 =	vmul.u32 $0x30, v4  }
0x3f: {  	v3 =	vand.u32 $0x7, v3  }
0x40: {  	v3 =	vor.u32 v3, v4  }
0x41: {  	v4 =	vperm.xlane v3, v0;
	_ =	sdelay $0x1  }
0x42: {  	v4 =	vadd.s32 v1, v4;
	_ =	sdelay $0x3  }
0x43: {  	s23 =	simm.s32 $0x6100;
	v3 =	vperm.xlane v3, v2  }
0x44: {  	[tilespmem:s23], [sflag:$0x1] =	stream.indirect_vreg.gather [hbm4b:s3+s2], $0x80, v4, vm0, $0xb8;
	[tilespmem:$0x18100] =	vst v63  }
0x45: {  	s24 =	simm.s32 $0x6900;
	v3 =	vadd.s32 v1, v3  }
0x46: {  	[tilespmem:s24], [sflag:$0x1] =	stream.indirect_vreg.gather [hbm4b:s6+s2], $0x80, v4, vm0, $0xb8;
	[tilespmem:$0x18100] =	vst v63  }
0x47: {  	s25 =	simm.s32 $0x7100  }
0x48: {  	[tilespmem:s25], [sflag:$0x1] =	stream.indirect_vreg.gather [hbm4b:s7+s2], $0x80, v4, vm0, $0xb8;
	[tilespmem:$0x18100] =	vst v63  }
0x49: {  	s26 =	simm.s32 $0x7900  }
0x4a: {  	[tilespmem:s26], [sflag:$0x1] =	stream.indirect_vreg.gather [hbm4b:s3+s2], $0x80, v3, vm0, $0xb8;
	[tilespmem:$0x18100] =	vst v63  }
0x4b: {  	s23 =	simm.s32 $0x8100  }
0x4c: {  	[tilespmem:s23], [sflag:$0x1] =	stream.indirect_vreg.gather [hbm4b:s6+s2], $0x80, v3, vm0, $0xb8;
	[tilespmem:$0x18100] =	vst v63  }
0x4d: {  	s24 =	simm.s32 $0x8900  }
0x4e: {  	[tilespmem:s24], [sflag:$0x1] =	stream.indirect_vreg.gather [hbm4b:s7+s2], $0x80, v3, vm0, $0xb8;
	[tilespmem:$0x18100] =	vst v63  }
0x4f: {  	v3 =	vld [tilespmem:$0x30];
	_ =	sdelay $0x4  }
0x50: {  	v4 =	vshrl.u32 v3, $0x3  }
0x51: {  	v4 =	vmul.u32 $0x30, v4  }
0x52: {  	v3 =	vand.u32 $0x7, v3  }
0x53: {  	v3 =	vor.u32 v3, v4  }
0x54: {  	v4 =	vperm.xlane v3, v0;
	_ =	sdelay $0x1  }
0x55: {  	v4 =	vadd.s32 v1, v4;
	_ =	sdelay $0x3  }
0x56: {  	s25 =	simm.s32 $0x9100;
	v3 =	vperm.xlane v3, v2  }
0x57: {  	[tilespmem:s25], [sflag:$0x1] =	stream.indirect_vreg.gather [hbm4b:s3+s2], $0x80, v4, vm0, $0xb8;
	[tilespmem:$0x18100] =	vst v63  }
0x58: {  	s26 =	simm.s32 $0x9900;
	v3 =	vadd.s32 v1, v3  }
0x59: {  	[tilespmem:s26], [sflag:$0x1] =	stream.indirect_vreg.gather [hbm4b:s6+s2], $0x80, v4, vm0, $0xb8;
	[tilespmem:$0x18100] =	vst v63  }
0x5a: {  	s23 =	simm.s32 $0xA100  }
0x5b: {  	[tilespmem:s23], [sflag:$0x1] =	stream.indirect_vreg.gather [hbm4b:s7+s2], $0x80, v4, vm0, $0xb8;
	[tilespmem:$0x18100] =	vst v63  }
0x5c: {  	s24 =	simm.s32 $0xA900  }
0x5d: {  	[tilespmem:s24], [sflag:$0x1] =	stream.indirect_vreg.gather [hbm4b:s3+s2], $0x80, v3, vm0, $0xb8;
	[tilespmem:$0x18100] =	vst v63  }
0x5e: {  	s25 =	simm.s32 $0xB100  }
0x5f: {  	[tilespmem:s25], [sflag:$0x1] =	stream.indirect_vreg.gather [hbm4b:s6+s2], $0x80, v3, vm0, $0xb8;
	[tilespmem:$0x18100] =	vst v63  }
0x60: {  	s26 =	simm.s32 $0xB900  }
0x61: {  	[tilespmem:s26], [sflag:$0x1] =	stream.indirect_vreg.gather [hbm4b:s7+s2], $0x80, v3, vm0, $0xb8;
	[tilespmem:$0x18100] =	vst v63  }
0x62: {  	_ =	swait.ge [sflag:s15], $0x40  }
0x63: {  	[sflag:s15] =	ssyncset.done $0x0  }
0x64: {  	[sflag:s15] =	ssyncadd.s32 $0xFFFFFFC0  }
0x65: {  	v3 =	vld [tilespmem:$0x80];
	_ =	sdelay $0x4  }
0x66: {  	v4 =	vshrl.u32 v3, $0x3  }
0x67: {  	v4 =	vmul.u32 $0x30, v4  }
0x68: {  	v3 =	vand.u32 $0x7, v3  }
0x69: {  	v3 =	vor.u32 v3, v4  }
0x6a: {  	v4 =	vperm.xlane v3, v0;
	_ =	sdelay $0x1  }
0x6b: {  	v4 =	vadd.s32 v1, v4;
	_ =	sdelay $0x3  }
0x6c: {  	s23 =	simm.s32 $0xC100;
	v3 =	vperm.xlane v3, v2  }
0x6d: {  	[tilespmem:s23], [sflag:$0x2] =	stream.indirect_vreg.gather [hbm4b:s3+s2], $0x80, v4, vm0, $0xb8;
	[tilespmem:$0x18100] =	vst v63  }
0x6e: {  	s24 =	simm.s32 $0xC900;
	v3 =	vadd.s32 v1, v3  }
0x6f: {  	[tilespmem:s24], [sflag:$0x2] =	stream.indirect_vreg.gather [hbm4b:s6+s2], $0x80, v4, vm0, $0xb8;
	[tilespmem:$0x18100] =	vst v63  }
0x70: {  	s25 =	simm.s32 $0xD100  }
0x71: {  	[tilespmem:s25], [sflag:$0x2] =	stream.indirect_vreg.gather [hbm4b:s7+s2], $0x80, v4, vm0, $0xb8;
	[tilespmem:$0x18100] =	vst v63  }
0x72: {  	s26 =	simm.s32 $0xD900  }
0x73: {  	[tilespmem:s26], [sflag:$0x2] =	stream.indirect_vreg.gather [hbm4b:s3+s2], $0x80, v3, vm0, $0xb8;
	[tilespmem:$0x18100] =	vst v63  }
0x74: {  	s23 =	simm.s32 $0xE100  }
0x75: {  	[tilespmem:s23], [sflag:$0x2] =	stream.indirect_vreg.gather [hbm4b:s6+s2], $0x80, v3, vm0, $0xb8;
	[tilespmem:$0x18100] =	vst v63  }
0x76: {  	s24 =	simm.s32 $0xE900  }
0x77: {  	[tilespmem:s24], [sflag:$0x2] =	stream.indirect_vreg.gather [hbm4b:s7+s2], $0x80, v3, vm0, $0xb8;
	[tilespmem:$0x18100] =	vst v63  }
0x78: {  	v3 =	vld [tilespmem:$0x90];
	_ =	sdelay $0x4  }
0x79: {  	v4 =	vshrl.u32 v3, $0x3  }
0x7a: {  	v4 =	vmul.u32 $0x30, v4  }
0x7b: {  	v3 =	vand.u32 $0x7, v3  }
0x7c: {  	v3 =	vor.u32 v3, v4  }
0x7d: {  	v4 =	vperm.xlane v3, v0;
	_ =	sdelay $0x1  }
0x7e: {  	v4 =	vadd.s32 v1, v4;
	_ =	sdelay $0x3  }
0x7f: {  	s25 =	simm.s32 $0xF100;
	v3 =	vperm.xlane v3, v2  }
0x80: {  	[tilespmem:s25], [sflag:$0x2] =	stream.indirect_vreg.gather [hbm4b:s3+s2], $0x80, v4, vm0, $0xb8;
	[tilespmem:$0x18100] =	vst v63  }
0x81: {  	s26 =	simm.s32 $0xF900;
	v3 =	vadd.s32 v1, v3  }
0x82: {  	[tilespmem:s26], [sflag:$0x2] =	stream.indirect_vreg.gather [hbm4b:s6+s2], $0x80, v4, vm0, $0xb8;
	[tilespmem:$0x18100] =	vst v63  }
0x83: {  	s23 =	simm.s32 $0x10100  }
0x84: {  	[tilespmem:s23], [sflag:$0x2] =	stream.indirect_vreg.gather [hbm4b:s7+s2], $0x80, v4, vm0, $0xb8;
	[tilespmem:$0x18100] =	vst v63  }
0x85: {  	s24 =	simm.s32 $0x10900  }
0x86: {  	[tilespmem:s24], [sflag:$0x2] =	stream.indirect_vreg.gather [hbm4b:s3+s2], $0x80, v3, vm0, $0xb8;
	[tilespmem:$0x18100] =	vst v63  }
0x87: {  	s25 =	simm.s32 $0x11100  }
0x88: {  	[tilespmem:s25], [sflag:$0x2] =	stream.indirect_vreg.gather [hbm4b:s6+s2], $0x80, v3, vm0, $0xb8;
	[tilespmem:$0x18100] =	vst v63  }
0x89: {  	_ = 	snop  }
0x8a: {  	[tilespmem:s28], [sflag:$0x2] =	stream.indirect_vreg.gather [hbm4b:s7+s2], $0x80, v3, vm0, $0xb8;
	[tilespmem:$0x18100] =	vst v63  }
0x8b: {  	v3 =	vld [tilespmem:$0xA0];
	_ =	sdelay $0x4  }
0x8c: {  	v4 =	vshrl.u32 v3, $0x3  }
0x8d: {  	v4 =	vmul.u32 $0x30, v4  }
0x8e: {  	v3 =	vand.u32 $0x7, v3  }
0x8f: {  	v3 =	vor.u32 v3, v4  }
0x90: {  	v4 =	vperm.xlane v3, v0;
	_ =	sdelay $0x1  }
0x91: {  	v4 =	vadd.s32 v1, v4;
	_ =	sdelay $0x3  }
0x92: {  	v3 =	vperm.xlane v3, v2  }
0x93: {  	[tilespmem:s29], [sflag:$0x2] =	stream.indirect_vreg.gather [hbm4b:s3+s2], $0x80, v4, vm0, $0xb8;
	[tilespmem:$0x18100] =	vst v63  }
0x94: {  	v3 =	vadd.s32 v1, v3  }
0x95: {  	[tilespmem:s30], [sflag:$0x2] =	stream.indirect_vreg.gather [hbm4b:s6+s2], $0x80, v4, vm0, $0xb8;
	[tilespmem:$0x18100] =	vst v63  }
0x96: {  	_ = 	snop  }
0x97: {  	[tilespmem:s31], [sflag:$0x2] =	stream.indirect_vreg.gather [hbm4b:s7+s2], $0x80, v4, vm0, $0xb8;
	[tilespmem:$0x18100] =	vst v63  }
0x98: {  	_ = 	snop  }
0x99: {  	[tilespmem:s0], [sflag:$0x2] =	stream.indirect_vreg.gather [hbm4b:s3+s2], $0x80, v3, vm0, $0xb8;
	[tilespmem:$0x18100] =	vst v63  }
0x9a: {  	_ = 	snop  }
0x9b: {  	[tilespmem:s1], [sflag:$0x2] =	stream.indirect_vreg.gather [hbm4b:s6+s2], $0x80, v3, vm0, $0xb8;
	[tilespmem:$0x18100] =	vst v63  }
0x9c: {  	_ = 	snop  }
0x9d: {  	[tilespmem:s10], [sflag:$0x2] =	stream.indirect_vreg.gather [hbm4b:s7+s2], $0x80, v3, vm0, $0xb8;
	[tilespmem:$0x18100] =	vst v63  }
0x9e: {  	v3 =	vld [tilespmem:$0xB0];
	_ =	sdelay $0x4  }
0x9f: {  	v4 =	vshrl.u32 v3, $0x3  }
0xa0: {  	v4 =	vmul.u32 $0x30, v4  }
0xa1: {  	v3 =	vand.u32 $0x7, v3  }
0xa2: {  	v3 =	vor.u32 v3, v4  }
0xa3: {  	v4 =	vperm.xlane v3, v0;
	_ =	sdelay $0x1  }
0xa4: {  	v4 =	vadd.s32 v1, v4;
	_ =	sdelay $0x3  }
0xa5: {  	v3 =	vperm.xlane v3, v2  }
0xa6: {  	[tilespmem:s13], [sflag:$0x2] =	stream.indirect_vreg.gather [hbm4b:s3+s2], $0x80, v4, vm0, $0xb8;
	[tilespmem:$0x18100] =	vst v63  }
0xa7: {  	v3 =	vadd.s32 v1, v3  }
0xa8: {  	[tilespmem:s14], [sflag:$0x2] =	stream.indirect_vreg.gather [hbm4b:s6+s2], $0x80, v4, vm0, $0xb8;
	[tilespmem:$0x18100] =	vst v63  }
0xa9: {  	_ = 	snop  }
0xaa: {  	[tilespmem:s16], [sflag:$0x2] =	stream.indirect_vreg.gather [hbm4b:s7+s2], $0x80, v4, vm0, $0xb8;
	[tilespmem:$0x18100] =	vst v63  }
0xab: {  	_ = 	snop  }
0xac: {  	[tilespmem:s17], [sflag:$0x2] =	stream.indirect_vreg.gather [hbm4b:s3+s2], $0x80, v3, vm0, $0xb8;
	[tilespmem:$0x18100] =	vst v63  }
0xad: {  	_ = 	snop  }
0xae: {  	[tilespmem:s18], [sflag:$0x2] =	stream.indirect_vreg.gather [hbm4b:s6+s2], $0x80, v3, vm0, $0xb8;
	[tilespmem:$0x18100] =	vst v63  }
0xaf: {  	_ = 	snop  }
0xb0: {  	[tilespmem:s19], [sflag:$0x2] =	stream.indirect_vreg.gather [hbm4b:s7+s2], $0x80, v3, vm0, $0xb8;
	[tilespmem:$0x18100] =	vst v63  }
0xb1: {  	_ =	swait.ge [sflag:s11], $0xC000  }
0xb2: {  	[sflag:s11] =	ssyncset.done $0x0  }
0xb3: {  	s26 =	simm.s32 $0x0;
	[sflag:s11] =	ssyncadd.s32 $0xFFFF4000  }
0xb4: {  	s22 =	smul.u32 $0x1800, s26;
	_ =	swait.ge [sflag:s15], $0xC000  }
0xb5: {  	s23 =	sand.u32 $0x380, s2;
	[sflag:s15] =	ssyncset.done $0x0  }
0xb6: {  	s22 =	sor.u32 s23, s22;
	[sflag:s15] =	ssyncadd.s32 $0xFFFF4000  }
0xb7: {  	v12 =	vld [tilespmem:s22+$0xC100]  }
0xb8: {  	v13 =	vld [tilespmem:s22+$0xC110]  }
0xb9: {  	v14 =	vld [tilespmem:s22+$0xC120]  }
0xba: {  	v15 =	vld [tilespmem:s22+$0xC130]  }
0xbb: {  	v16 =	vld [tilespmem:s22+$0xC140]  }
0xbc: {  	v17 =	vld [tilespmem:s22+$0xC150]  }
0xbd: {  	v18 =	vld [tilespmem:s22+$0xC160]  }
0xbe: {  	v19 =	vld [tilespmem:s22+$0xC170]  }
0xbf: {  	v20 =	vld [tilespmem:s22+$0xC500]  }
0xc0: {  	v21 =	vld [tilespmem:s22+$0xC510]  }
0xc1: {  	v22 =	vld [tilespmem:s22+$0xC520]  }
0xc2: {  	v23 =	vld [tilespmem:s22+$0xC530]  }
0xc3: {  	v24 =	vld [tilespmem:s22+$0xC540]  }
0xc4: {  	v25 =	vld [tilespmem:s22+$0xC550]  }
0xc5: {  	v26 =	vld [tilespmem:s22+$0xC560]  }
0xc6: {  	v27 =	vld [tilespmem:s22+$0xC570]  }
0xc7: {  	v28 =	vld [tilespmem:s22+$0xC900]  }
0xc8: {  	v29 =	vld [tilespmem:s22+$0xC910]  }
0xc9: {  	v30 =	vld [tilespmem:s22+$0xC920]  }
0xca: {  	v31 =	vld [tilespmem:s22+$0xC930]  }
0xcb: {  	v32 =	vld [tilespmem:s22+$0xC940]  }
0xcc: {  	v33 =	vld [tilespmem:s22+$0xC950]  }
0xcd: {  	v34 =	vld [tilespmem:s22+$0xC960]  }
0xce: {  	v35 =	vld [tilespmem:s22+$0xC970]  }
0xcf: {  	v36 =	vld [tilespmem:s22+$0xCD00]  }
0xd0: {  	v37 =	vld [tilespmem:s22+$0xCD10]  }
0xd1: {  	v38 =	vld [tilespmem:s22+$0xCD20]  }
0xd2: {  	v39 =	vld [tilespmem:s22+$0xCD30]  }
0xd3: {  	v40 =	vld [tilespmem:s22+$0xCD40]  }
0xd4: {  	v41 =	vld [tilespmem:s22+$0xCD50]  }
0xd5: {  	v42 =	vld [tilespmem:s22+$0xCD60]  }
0xd6: {  	v43 =	vld [tilespmem:s22+$0xCD70]  }
0xd7: {  	v44 =	vld [tilespmem:s22+$0xD100]  }
0xd8: {  	v45 =	vld [tilespmem:s22+$0xD110]  }
0xd9: {  	v46 =	vld [tilespmem:s22+$0xD120]  }
0xda: {  	v47 =	vld [tilespmem:s22+$0xD130]  }
0xdb: {  	v48 =	vld [tilespmem:s22+$0xD140]  }
0xdc: {  	v49 =	vld [tilespmem:s22+$0xD150]  }
0xdd: {  	v50 =	vld [tilespmem:s22+$0xD160]  }
0xde: {  	v11 =	vld [tilespmem:s22+$0xD170]  }
0xdf: {  	v10 =	vld [tilespmem:s22+$0xD500]  }
0xe0: {  	v9 =	vld [tilespmem:s22+$0xD510]  }
0xe1: {  	v8 =	vld [tilespmem:s22+$0xD520]  }
0xe2: {  	v7 =	vld [tilespmem:s22+$0xD530]  }
0xe3: {  	v6 =	vld [tilespmem:s22+$0xD540]  }
0xe4: {  	v51 =	vld [tilespmem:s22+$0x100]  }
0xe5: {  	v52 =	vld [tilespmem:s22+$0x110]  }
0xe6: {  	v53 =	vld [tilespmem:s22+$0x120]  }
0xe7: {  	v54 =	vld [tilespmem:s22+$0x130]  }
0xe8: {  	v55 =	vld [tilespmem:s22+$0x140]  }
0xe9: {  	v62 =	vld [tilespmem:s22+$0x150];
	v12 =	vadd.f32 v12, v51  }
0xea: {  	v63 =	vld [tilespmem:s22+$0x160];
	v13 =	vadd.f32 v13, v52  }
0xeb: {  	[tilespmem:s22+$0x100] =	vst v12;
	v12 =	vadd.f32 v14, v53;
	v14 =	vld [tilespmem:s22+$0x170]  }
0xec: {  	[tilespmem:s22+$0x110] =	vst v13;
	v13 =	vadd.f32 v15, v54;
	v15 =	vld [tilespmem:s22+$0x500]  }
0xed: {  	[tilespmem:s22+$0x120] =	vst v12;
	v12 =	vadd.f32 v16, v55;
	v16 =	vld [tilespmem:s22+$0x510]  }
0xee: {  	[tilespmem:s22+$0x130] =	vst v13;
	v13 =	vadd.f32 v17, v62;
	v17 =	vld [tilespmem:s22+$0x520]  }
0xef: {  	v5 =	vld [tilespmem:s22+$0xD550]  }
0xf0: {  	[tilespmem:s22+$0x140] =	vst v12;
	v12 =	vadd.f32 v18, v63;
	v18 =	vld [tilespmem:s22+$0x570]  }
0xf1: {  	[tilespmem:s22+$0x150] =	vst v13;
	v13 =	vadd.f32 v19, v14;
	v14 =	vld [tilespmem:s22+$0x530]  }
0xf2: {  	[tilespmem:s22+$0x160] =	vst v12;
	v12 =	vadd.f32 v20, v15;
	v15 =	vld [tilespmem:s22+$0x540]  }
0xf3: {  	[tilespmem:s22+$0x170] =	vst v13;
	v13 =	vadd.f32 v21, v16;
	v16 =	vadd.f32 v22, v17;
	v17 =	vld [tilespmem:s22+$0x560]  }
0xf4: {  	[tilespmem:s22+$0x500] =	vst v12;
	v12 =	vld [tilespmem:s22+$0x550]  }
0xf5: {  	[tilespmem:s22+$0x510] =	vst v13;
	v13 =	vld [tilespmem:s22+$0x900];
	v18 =	vadd.f32 v27, v18  }
0xf6: {  	[tilespmem:s22+$0x520] =	vst v16;
	v16 =	vld [tilespmem:s22+$0x910];
	v14 =	vadd.f32 v23, v14  }
0xf7: {  	v4 =	vld [tilespmem:s22+$0xD560];
	v15 =	vadd.f32 v24, v15;
	[tilespmem:s22+$0x570] =	vst v18  }
0xf8: {  	[tilespmem:s22+$0x530] =	vst v14;
	v14 =	vld [tilespmem:s22+$0x920];
	v17 =	vadd.f32 v26, v17  }
0xf9: {  	v12 =	vadd.f32 v25, v12;
	[tilespmem:s22+$0x540] =	vst v15;
	v15 =	vld [tilespmem:s22+$0x930]  }
0xfa: {  	v18 =	vld [tilespmem:s22+$0x970];
	[tilespmem:s22+$0x560] =	vst v17;
	v13 =	vadd.f32 v28, v13  }
0xfb: {  	v16 =	vadd.f32 v29, v16;
	[tilespmem:s22+$0x550] =	vst v12;
	v12 =	vld [tilespmem:s22+$0x940]  }
0xfc: {  	v17 =	vld [tilespmem:s22+$0x950];
	[tilespmem:s22+$0x900] =	vst v13  }
0xfd: {  	[tilespmem:s22+$0x910] =	vst v16;
	v16 =	vld [tilespmem:s22+$0x960];
	v13 =	vadd.f32 v30, v14  }
0xfe: {  	v14 =	vld [tilespmem:s22+$0xD00];
	v15 =	vadd.f32 v31, v15  }
0xff: {  	[tilespmem:s22+$0x920] =	vst v13;
	v13 =	vld [tilespmem:s22+$0xD10]  }
0x100: {  	v12 =	vadd.f32 v32, v12;
	[tilespmem:s22+$0x930] =	vst v15;
	v15 =	vld [tilespmem:s22+$0xD20]  }
0x101: {  	v3 =	vld [tilespmem:s22+$0xD570];
	v17 =	vadd.f32 v33, v17  }
0x102: {  	v16 =	vadd.f32 v34, v16;
	[tilespmem:s22+$0x940] =	vst v12;
	v12 =	vld [tilespmem:s22+$0xD30]  }
0x103: {  	[tilespmem:s22+$0x950] =	vst v17;
	v17 =	vld [tilespmem:s22+$0xD40];
	v14 =	vadd.f32 v36, v14  }
0x104: {  	v18 =	vadd.f32 v35, v18;
	[tilespmem:s22+$0x960] =	vst v16;
	v16 =	vld [tilespmem:s22+$0xD50]  }
0x105: {  	v13 =	vadd.f32 v37, v13;
	[tilespmem:s22+$0xD00] =	vst v14;
	v14 =	vadd.f32 v38, v15;
	v15 =	vld [tilespmem:s22+$0xD60]  }
0x106: {  	[tilespmem:s22+$0x970] =	vst v18;
	v18 =	vld [tilespmem:s22+$0xD70]  }
0x107: {  	[tilespmem:s22+$0xD10] =	vst v13;
	v13 =	vld [tilespmem:s22+$0x1100];
	v12 =	vadd.f32 v39, v12  }
0x108: {  	v17 =	vadd.f32 v40, v17;
	[tilespmem:s22+$0xD20] =	vst v14;
	v14 =	vld [tilespmem:s22+$0x1110]  }
0x109: {  	v16 =	vadd.f32 v41, v16;
	[tilespmem:s22+$0xD30] =	vst v12;
	v12 =	vld [tilespmem:s22+$0x1120]  }
0x10a: {  	[tilespmem:s22+$0xD40] =	vst v17;
	v17 =	vld [tilespmem:s22+$0x1130];
	v15 =	vadd.f32 v42, v15  }
0x10b: {  	v19 =	vld [tilespmem:s22+$0x1140];
	[tilespmem:s22+$0xD50] =	vst v16;
	v16 =	vadd.f32 v43, v18  }
0x10c: {  	v18 =	vld [tilespmem:s22+$0x1150];
	v13 =	vadd.f32 v44, v13;
	[tilespmem:s22+$0xD60] =	vst v15  }
0x10d: {  	v20 =	vld [tilespmem:s22+$0x1160];
	[tilespmem:s22+$0xD70] =	vst v16;
	v14 =	vadd.f32 v45, v14  }
0x10e: {  	v16 =	vld [tilespmem:s22+$0x1170];
	[tilespmem:s22+$0x1100] =	vst v13;
	v12 =	vadd.f32 v46, v12  }
0x10f: {  	v15 =	vld [tilespmem:s22+$0x1500];
	v13 =	vadd.f32 v47, v17;
	[tilespmem:s22+$0x1110] =	vst v14  }
0x110: {  	v14 =	vld [tilespmem:s22+$0x1510];
	[tilespmem:s22+$0x1120] =	vst v12;
	v12 =	vadd.f32 v48, v19  }
0x111: {  	[tilespmem:s22+$0x1130] =	vst v13;
	v13 =	vld [tilespmem:s22+$0x1520];
	v18 =	vadd.f32 v49, v18  }
0x112: {  	s23 =	simm.s32 $0x1;
	s24 =	simm.s32 $0x0;
	v17 =	vadd.f32 v50, v20;
	[tilespmem:s22+$0x1140] =	vst v12;
	v12 =	vld [tilespmem:s22+$0x1530]  }
.LBB2_2:
0x113: {  	s25 =	sshrl.u32 s23, $0x3;
	p0 =	sne.s32 s23, $0x3F;
	[tilespmem:s22+$0x1150] =	vst v18;
	v11 =	vadd.f32 v11, v16;
	v16 =	vld [tilespmem:s22+$0x1540]  }
0x114: {  	s24 =	sadd.s32 $0x80, s24;
	s25 =	smul.u32 $0x1800, s25;
	[tilespmem:s22+$0x1160] =	vst v17;
	v10 =	vadd.f32 v10, v15;
	v15 =	vld [tilespmem:s22+$0x1550]  }
0x115: {  	s26 =	sand.u32 $0x380, s24;
	[tilespmem:s22+$0x1170] =	vst v11;
	v9 =	vadd.f32 v9, v14;
	v11 =	vld [tilespmem:s22+$0x1560]  }
0x116: {  	s25 =	sor.u32 s26, s25;
	[tilespmem:s22+$0x1500] =	vst v10;
	v8 =	vadd.f32 v8, v13;
	v10 =	vld [tilespmem:s22+$0x1570]  }
0x117: {  	v39 =	vld [tilespmem:s25+$0xC100];
	[tilespmem:s22+$0x1510] =	vst v9;
	v7 =	vadd.f32 v7, v12  }
0x118: {  	v40 =	vld [tilespmem:s25+$0xC110];
	[tilespmem:s22+$0x1520] =	vst v8;
	v6 =	vadd.f32 v6, v16  }
0x119: {  	v41 =	vld [tilespmem:s25+$0xC120];
	[tilespmem:s22+$0x1530] =	vst v7;
	v5 =	vadd.f32 v5, v15  }
0x11a: {  	v42 =	vld [tilespmem:s25+$0xC130];
	[tilespmem:s22+$0x1540] =	vst v6;
	v4 =	vadd.f32 v4, v11  }
0x11b: {  	v43 =	vld [tilespmem:s25+$0xC140];
	[tilespmem:s22+$0x1550] =	vst v5;
	v3 =	vadd.f32 v3, v10  }
0x11c: {  	v44 =	vld [tilespmem:s25+$0xC150];
	[tilespmem:s22+$0x1560] =	vst v4  }
0x11d: {  	v45 =	vld [tilespmem:s25+$0xC160];
	[tilespmem:s22+$0x1570] =	vst v3;
	s22 =	smov.u32 s25  }
0x11e: {  	v46 =	vld [tilespmem:s22+$0xC170]  }
0x11f: {  	v47 =	vld [tilespmem:s22+$0xC500]  }
0x120: {  	v48 =	vld [tilespmem:s22+$0xC510]  }
0x121: {  	v49 =	vld [tilespmem:s22+$0xC520]  }
0x122: {  	v50 =	vld [tilespmem:s22+$0xC530]  }
0x123: {  	v38 =	vld [tilespmem:s22+$0xC540]  }
0x124: {  	v37 =	vld [tilespmem:s22+$0xC550]  }
0x125: {  	v36 =	vld [tilespmem:s22+$0xC560]  }
0x126: {  	v35 =	vld [tilespmem:s22+$0xC570]  }
0x127: {  	v34 =	vld [tilespmem:s22+$0xC900]  }
0x128: {  	v33 =	vld [tilespmem:s22+$0xC910]  }
0x129: {  	v32 =	vld [tilespmem:s22+$0xC920]  }
0x12a: {  	v31 =	vld [tilespmem:s22+$0xC930]  }
0x12b: {  	v30 =	vld [tilespmem:s22+$0xC940]  }
0x12c: {  	v29 =	vld [tilespmem:s22+$0xC950]  }
0x12d: {  	v28 =	vld [tilespmem:s22+$0xC960]  }
0x12e: {  	v27 =	vld [tilespmem:s22+$0xC970]  }
0x12f: {  	v26 =	vld [tilespmem:s22+$0xCD00]  }
0x130: {  	v25 =	vld [tilespmem:s22+$0xCD10]  }
0x131: {  	v24 =	vld [tilespmem:s22+$0xCD20]  }
0x132: {  	v23 =	vld [tilespmem:s22+$0xCD30]  }
0x133: {  	v22 =	vld [tilespmem:s22+$0xCD40]  }
0x134: {  	v21 =	vld [tilespmem:s22+$0xCD50]  }
0x135: {  	v20 =	vld [tilespmem:s22+$0xCD60]  }
0x136: {  	v19 =	vld [tilespmem:s22+$0xCD70]  }
0x137: {  	v18 =	vld [tilespmem:s22+$0xD100]  }
0x138: {  	v17 =	vld [tilespmem:s22+$0xD110]  }
0x139: {  	v16 =	vld [tilespmem:s22+$0xD120]  }
0x13a: {  	v15 =	vld [tilespmem:s22+$0xD130]  }
0x13b: {  	v14 =	vld [tilespmem:s22+$0xD140]  }
0x13c: {  	v13 =	vld [tilespmem:s22+$0xD150]  }
0x13d: {  	v12 =	vld [tilespmem:s22+$0xD160]  }
0x13e: {  	v11 =	vld [tilespmem:s22+$0xD170]  }
0x13f: {  	v10 =	vld [tilespmem:s22+$0xD500]  }
0x140: {  	v9 =	vld [tilespmem:s22+$0xD510]  }
0x141: {  	v8 =	vld [tilespmem:s22+$0xD520]  }
0x142: {  	v7 =	vld [tilespmem:s22+$0xD530]  }
0x143: {  	v6 =	vld [tilespmem:s22+$0xD540]  }
0x144: {  	v5 =	vld [tilespmem:s22+$0xD550]  }
0x145: {  	v4 =	vld [tilespmem:s22+$0xD560]  }
0x146: {  	v3 =	vld [tilespmem:s22+$0xD570]  }
0x147: {  	v51 =	vld [tilespmem:s22+$0x100]  }
0x148: {  	v52 =	vld [tilespmem:s22+$0x110]  }
0x149: {  	v53 =	vld [tilespmem:s22+$0x120]  }
0x14a: {  	v54 =	vld [tilespmem:s22+$0x130]  }
0x14b: {  	v55 =	vld [tilespmem:s22+$0x140]  }
0x14c: {  	v39 =	vadd.f32 v39, v51;
	v51 =	vld [tilespmem:s22+$0x150]  }
0x14d: {  	v40 =	vadd.f32 v40, v52;
	v52 =	vld [tilespmem:s22+$0x160]  }
0x14e: {  	[tilespmem:s22+$0x100] =	vst v39;
	v39 =	vadd.f32 v41, v53;
	v41 =	vld [tilespmem:s22+$0x170]  }
0x14f: {  	[tilespmem:s22+$0x110] =	vst v40;
	v40 =	vadd.f32 v42, v54;
	v42 =	vld [tilespmem:s22+$0x500]  }
0x150: {  	[tilespmem:s22+$0x120] =	vst v39;
	v39 =	vadd.f32 v43, v55;
	v43 =	vld [tilespmem:s22+$0x510]  }
0x151: {  	[tilespmem:s22+$0x130] =	vst v40;
	v40 =	vadd.f32 v44, v51;
	v44 =	vld [tilespmem:s22+$0x520]  }
0x152: {  	[tilespmem:s22+$0x140] =	vst v39;
	v39 =	vadd.f32 v45, v52;
	v45 =	vld [tilespmem:s22+$0x530]  }
0x153: {  	[tilespmem:s22+$0x150] =	vst v40;
	v40 =	vadd.f32 v46, v41;
	v41 =	vld [tilespmem:s22+$0x540]  }
0x154: {  	[tilespmem:s22+$0x160] =	vst v39;
	v39 =	vadd.f32 v47, v42;
	v42 =	vld [tilespmem:s22+$0x550]  }
0x155: {  	[tilespmem:s22+$0x170] =	vst v40;
	v40 =	vadd.f32 v48, v43;
	v43 =	vld [tilespmem:s22+$0x560]  }
0x156: {  	[tilespmem:s22+$0x500] =	vst v39;
	v39 =	vadd.f32 v49, v44;
	v44 =	vld [tilespmem:s22+$0x570]  }
0x157: {  	[tilespmem:s22+$0x510] =	vst v40;
	v40 =	vadd.f32 v50, v45;
	v45 =	vld [tilespmem:s22+$0x900]  }
0x158: {  	[tilespmem:s22+$0x520] =	vst v39;
	v38 =	vadd.f32 v38, v41;
	v39 =	vld [tilespmem:s22+$0x910]  }
0x159: {  	[tilespmem:s22+$0x530] =	vst v40;
	v37 =	vadd.f32 v37, v42;
	v40 =	vld [tilespmem:s22+$0x920]  }
0x15a: {  	[tilespmem:s22+$0x540] =	vst v38;
	v36 =	vadd.f32 v36, v43;
	v38 =	vld [tilespmem:s22+$0x930]  }
0x15b: {  	[tilespmem:s22+$0x550] =	vst v37;
	v35 =	vadd.f32 v35, v44;
	v37 =	vld [tilespmem:s22+$0x940]  }
0x15c: {  	[tilespmem:s22+$0x560] =	vst v36;
	v34 =	vadd.f32 v34, v45;
	v36 =	vld [tilespmem:s22+$0x950]  }
0x15d: {  	[tilespmem:s22+$0x570] =	vst v35;
	v33 =	vadd.f32 v33, v39;
	v35 =	vld [tilespmem:s22+$0x960]  }
0x15e: {  	[tilespmem:s22+$0x900] =	vst v34;
	v32 =	vadd.f32 v32, v40;
	v34 =	vld [tilespmem:s22+$0x970]  }
0x15f: {  	[tilespmem:s22+$0x910] =	vst v33;
	v31 =	vadd.f32 v31, v38;
	v33 =	vld [tilespmem:s22+$0xD00]  }
0x160: {  	[tilespmem:s22+$0x920] =	vst v32;
	v30 =	vadd.f32 v30, v37;
	v32 =	vld [tilespmem:s22+$0xD10]  }
0x161: {  	[tilespmem:s22+$0x930] =	vst v31;
	v29 =	vadd.f32 v29, v36;
	v31 =	vld [tilespmem:s22+$0xD20]  }
0x162: {  	[tilespmem:s22+$0x940] =	vst v30;
	v28 =	vadd.f32 v28, v35;
	v30 =	vld [tilespmem:s22+$0xD30]  }
0x163: {  	[tilespmem:s22+$0x950] =	vst v29;
	v27 =	vadd.f32 v27, v34;
	v29 =	vld [tilespmem:s22+$0xD40]  }
0x164: {  	[tilespmem:s22+$0x960] =	vst v28;
	v26 =	vadd.f32 v26, v33;
	v28 =	vld [tilespmem:s22+$0xD50]  }
0x165: {  	[tilespmem:s22+$0x970] =	vst v27;
	v25 =	vadd.f32 v25, v32;
	v27 =	vld [tilespmem:s22+$0xD60]  }
0x166: {  	[tilespmem:s22+$0xD00] =	vst v26;
	v24 =	vadd.f32 v24, v31;
	v26 =	vld [tilespmem:s22+$0xD70]  }
0x167: {  	[tilespmem:s22+$0xD10] =	vst v25;
	v23 =	vadd.f32 v23, v30;
	v25 =	vld [tilespmem:s22+$0x1100]  }
0x168: {  	[tilespmem:s22+$0xD20] =	vst v24;
	v22 =	vadd.f32 v22, v29;
	v24 =	vld [tilespmem:s22+$0x1110]  }
0x169: {  	[tilespmem:s22+$0xD30] =	vst v23;
	v21 =	vadd.f32 v21, v28;
	v23 =	vld [tilespmem:s22+$0x1120]  }
0x16a: {  	[tilespmem:s22+$0xD40] =	vst v22;
	v20 =	vadd.f32 v20, v27;
	v22 =	vld [tilespmem:s22+$0x1130]  }
0x16b: {  	[tilespmem:s22+$0xD50] =	vst v21;
	v19 =	vadd.f32 v19, v26;
	v21 =	vld [tilespmem:s22+$0x1140]  }
0x16c: {  	[tilespmem:s22+$0xD60] =	vst v20;
	v18 =	vadd.f32 v18, v25;
	v20 =	vld [tilespmem:s22+$0x1150]  }
0x16d: {  	[tilespmem:s22+$0xD70] =	vst v19;
	v17 =	vadd.f32 v17, v24;
	v19 =	vld [tilespmem:s22+$0x1160]  }
.Ltmp0:
0x16e: {  	[tilespmem:s22+$0x1100] =	vst v18;
	v18 =	vadd.f32 v16, v23;
	v16 =	vld [tilespmem:s22+$0x1170];
	(pc) =	sbr.rel @p0 .LBB2_2-.Ltmp0, $4  }
0x16f: {  	[tilespmem:s22+$0x1110] =	vst v17;
	v17 =	vadd.f32 v15, v22;
	v15 =	vld [tilespmem:s22+$0x1500]  }
0x170: {  	[tilespmem:s22+$0x1120] =	vst v18;
	v21 =	vadd.f32 v14, v21;
	v14 =	vld [tilespmem:s22+$0x1510]  }
0x171: {  	[tilespmem:s22+$0x1130] =	vst v17;
	v18 =	vadd.f32 v13, v20;
	v13 =	vld [tilespmem:s22+$0x1520]  }
0x172: {  	s23 =	sadd.s32 $0x1, s23;
	[tilespmem:s22+$0x1140] =	vst v21;
	v17 =	vadd.f32 v12, v19;
	v12 =	vld [tilespmem:s22+$0x1530]  }
0x173: {  	[tilespmem:s22+$0x1150] =	vst v18;
	v60 =	vld [tilespmem:s22+$0x1540];
	v11 =	vadd.f32 v11, v16  }
0x174: {  	v61 =	vld [tilespmem:s22+$0x1550];
	[tilespmem:s22+$0x1160] =	vst v17;
	v10 =	vadd.f32 v10, v15  }
0x175: {  	v62 =	vld [tilespmem:s22+$0x1560];
	[tilespmem:s22+$0x1170] =	vst v11;
	v9 =	vadd.f32 v9, v14  }
0x176: {  	v63 =	vld [tilespmem:s22+$0x1570];
	[tilespmem:s22+$0x1500] =	vst v10;
	v8 =	vadd.f32 v8, v13  }
0x177: {  	[tilespmem:s22+$0x1510] =	vst v9;
	v7 =	vadd.f32 v7, v12  }
0x178: {  	[tilespmem:s22+$0x1520] =	vst v8;
	v6 =	vadd.f32 v6, v60  }
0x179: {  	v5 =	vadd.f32 v5, v61;
	[tilespmem:s22+$0x1530] =	vst v7  }
0x17a: {  	v4 =	vadd.f32 v4, v62;
	[tilespmem:s22+$0x1540] =	vst v6  }
0x17b: {  	s21 =	sadd.s32 $0x1, s21;
	v3 =	vadd.f32 v3, v63;
	[tilespmem:s22+$0x1550] =	vst v5  }
0x17c: {  	p0 =	sne.s32 s21, s9;
	[tilespmem:s22+$0x1560] =	vst v4  }
.Ltmp1:
0x17d: {  	[tilespmem:s22+$0x1570] =	vst v3;
	(pc) =	sbr.rel @p0 .LBB2_1-.Ltmp1, $4  }
0x17e: {  	[hbm4b:s8+s2] =	stream.linear.scatter [tilespmem:s12], [sflag:$0x3], $0xC000, $0x38;
	[tilespmem:$0x18100] =	vst v63  }
0x17f: {  	_ =	swait.ge [sflag:s20], $0xC000  }
0x180: {  	[sflag:s20] =	ssyncset.done $0x0  }
0x181: {  	[sflag:s20] =	ssyncadd.s32 $0xFFFF4000  }
0x182: {  	_ =	sfence.sel $0x180000  }
0x183: {  	[bflag:$0x0] =	sbarrier.arrive $0xFFFF  }
0x184: {  	_ =	strace $0x9000004A  }
0x185: {  	s0 =	stileid.u32;
	[bflag:$0x2] =	sbarrier.arrive $0xFFFF  }
0x186: {  	p0 =	sne.s32 s0, $0x0;
	s0 =	rddreg [dreg:$0x2]  }
0x187: {  	s0 =	sadd.s32 @!p0 $0x100000, s0  }
0x188: {  	[sflag:s0] =	ssyncadd.tile.s32 @!p0 $0x1;
	_ =	shalt  }
.Lfunc_end2:
_tile_overlayer_lowered:
.L_overlay_start_2:
0x189: {  	(tag) =	ssettag $0x2  }
0x18a: {  	s0 =	rddreg [dreg:$0x0];
	s2 =	stileid.u32  }
0x18b: {  	s1 =	rddreg [dreg:$0x1];
	p0 =	sne.s32 s2, $0x0  }
0x18c: {  	s3 =	rddreg [dreg:$0x2];
	[bflag:$0x3] =	sbarrier.arrive $0xFFFF;
	s2 =	simm.s32 @!p0 $0x1C03  }
0x18d: {  	[timem:s3], [sflag:s2] =	dma.local @!p0 [hbm:s0], s1  }
0x18e: {  	s0 =	simm.s32 @!p0 $0x3  }
0x18f: {  	_ =	swait.ge @!p0 [sflag:s0], s1  }
0x190: {  	s1 =	ssub.s32 @!p0 $0x0, s1;
	[sflag:s0] =	ssyncset.done @!p0 $0x0  }
0x191: {  	[sflag:s0] =	ssyncadd.s32 @!p0 s1  }
0x192: {  	[bflag:$0x3] =	sbarrier.arrive $0xFFFF  }
0x193: {  	_ =	shalt  }

</sc_bundles>
